<compile_context>
chip_gen: v7x
topology: tpu7x:2x2x1
jax: 0.10.2.dev20260603
libtpu: 0.0.44.dev20260713+nightly
codegen_flags: <defaults>
</compile_context>

<pallas_src>
import functools

import jax
import jax.numpy as jnp
from jax import lax
from jax.experimental import pallas as pl
from jax.experimental.pallas import tpu as pltpu
from jax.experimental.pallas import tpu_sc as plsc

_NWORDS = 1000000
_EMB = 64
_NIDX = 16384 * 50

_NC, _NS, _NL = 2, 16, 16
_NW = _NC * _NS
_BPW = _NIDX // _NW

_HB = 1048576
_TSL = _HB // _NS
_ZCH = 4096
_ICH = 5120

_BC = 16384
_NBLK = (_NWORDS + _BC - 1) // _BC
_NRS = _NBLK * _BC
_DSL = _NRS // _NS
_DCH = 15872


def _rowsum_body(x_ref, o_ref):
    o_ref[...] = jnp.sum(x_ref[...], axis=0)


_rowsum_call = pl.pallas_call(
    _rowsum_body,
    grid=(_NBLK,),
    in_specs=[pl.BlockSpec((_EMB, _BC), lambda i: (0, i))],
    out_specs=pl.BlockSpec((_BC,), lambda i: (i,)),
    out_shape=jax.ShapeDtypeStruct((_NRS,), jnp.float32),
)


@functools.partial(
    pl.kernel,
    mesh=plsc.VectorSubcoreMesh(core_axis_name="c", subcore_axis_name="s"),
    out_type=jax.ShapeDtypeStruct((_NC, _HB), jnp.float32),
    scratch_types=[
        pltpu.VMEM((50, 512), jnp.int32),
        pltpu.VMEM((_BPW,), jnp.int32),
        pltpu.VMEM((_ICH,), jnp.float32),
        pltpu.VMEM((_ZCH,), jnp.float32),
        pltpu.VMEM_SHARED((_HB,), jnp.float32),
    ],
)
def _sc_hist(words_hbm, hist_hbm, w2_v, idx_v, ones_v, zb_v, bins_sh):
    cid = lax.axis_index("c")
    sid = lax.axis_index("s")
    wid = sid * _NC + cid

    pltpu.sync_copy(words_hbm.at[:, pl.ds(wid * 512, 512)], w2_v)

    one = jnp.full((_NL,), 1.0, jnp.float32)
    zero = jnp.zeros((_NL,), jnp.float32)

    def repack(i, _):
        r = i >> 5
        k = (i & 31) * _NL
        idx_v[pl.ds(r * 512 + k, _NL)] = w2_v[r, pl.ds(k, _NL)]
        return 0

    lax.fori_loop(0, 50 * 32, repack, 0)

    def fill_ones(i, _):
        ones_v[pl.ds(i * _NL, _NL)] = one
        return 0

    lax.fori_loop(0, _ICH // _NL, fill_ones, 0)

    def fill_zero(i, _):
        zb_v[pl.ds(i * _NL, _NL)] = zero
        return 0

    lax.fori_loop(0, _ZCH // _NL, fill_zero, 0)

    for k in range(_TSL // _ZCH):
        pltpu.sync_copy(zb_v, bins_sh.at[pl.ds(sid * _TSL + k * _ZCH, _ZCH)])
    plsc.subcore_barrier()

    for c in range(_BPW // _ICH):
        pltpu.sync_copy(
            ones_v, bins_sh.at[idx_v.at[pl.ds(c * _ICH, _ICH)]], add=True
        )
    plsc.subcore_barrier()

    for k in range(_TSL // _ZCH):
        off = sid * _TSL + k * _ZCH
        pltpu.sync_copy(bins_sh.at[pl.ds(off, _ZCH)], zb_v)
        pltpu.sync_copy(zb_v, hist_hbm.at[cid, pl.ds(off, _ZCH)])


@functools.partial(
    pl.kernel,
    mesh=plsc.VectorSubcoreMesh(core_axis_name="c", subcore_axis_name="s"),
    out_type=jax.ShapeDtypeStruct((_NW, _NL), jnp.float32),
    scratch_types=[
        pltpu.VMEM((_DCH,), jnp.float32),
        pltpu.VMEM((_DCH,), jnp.float32),
        pltpu.VMEM((_DCH,), jnp.float32),
        pltpu.VMEM((_DCH,), jnp.float32),
        pltpu.VMEM((_NL,), jnp.float32),
        pltpu.SemaphoreType.DMA,
        pltpu.SemaphoreType.DMA,
    ],
)
def _sc_dot(hist_hbm, rowsums_hbm, out_hbm, rb0, cb0, rb1, cb1, acc_v, sem0, sem1):
    cid = lax.axis_index("c")
    sid = lax.axis_index("s")
    wid = sid * _NC + cid
    bufs = ((rb0, cb0, sem0), (rb1, cb1, sem1))
    nch = _DSL // _DCH

    def start(ch):
        off = sid * _DSL + ch * _DCH
        r, c, s = bufs[ch % 2]
        return (
            pltpu.async_copy(rowsums_hbm.at[pl.ds(off, _DCH)], r, s),
            pltpu.async_copy(hist_hbm.at[cid, pl.ds(off, _DCH)], c, s),
        )

    handles = [start(0)]
    zero = jnp.zeros((_NL,), jnp.float32)
    accs = (zero, zero, zero, zero)
    for ch in range(nch):
        if ch + 1 < nch:
            handles.append(start(ch + 1))
        h1, h2 = handles[ch]
        h1.wait()
        h2.wait()
        rbuf, cbuf, _ = bufs[ch % 2]

        def body(i, a, rbuf=rbuf, cbuf=cbuf):
            a0, a1, a2, a3 = a
            b = i * 4 * _NL

            def fma(acc, o):
                cnt = cbuf[pl.ds(b + o, _NL)]
                prod = jnp.where(cnt > 0.0, rbuf[pl.ds(b + o, _NL)] * cnt, 0.0)
                return acc + prod

            return (fma(a0, 0), fma(a1, _NL), fma(a2, 2 * _NL), fma(a3, 3 * _NL))

        accs = lax.fori_loop(0, _DCH // (4 * _NL), body, accs)

    a0, a1, a2, a3 = accs
    acc_v[...] = (a0 + a1) + (a2 + a3)
    pltpu.sync_copy(acc_v, out_hbm.at[wid])


def _mlp_body(p_ref, w1_ref, b1_ref, w2_ref, b2_ref, wo_ref, bo_ref, o_ref):
    s = jnp.sum(p_ref[...])
    h1 = jnp.tanh(s * w1_ref[...] + b1_ref[...])
    h2 = jnp.tanh(
        jnp.dot(h1, w2_ref[...], preferred_element_type=jnp.float32) + b2_ref[...]
    )
    o_ref[...] = (
        jnp.dot(h2, wo_ref[...], preferred_element_type=jnp.float32) + bo_ref[...]
    )


def _mlp_call(partials, W1, b1, W2, b2, Wout, bout):
    return pl.pallas_call(
        _mlp_body,
        out_shape=jax.ShapeDtypeStruct((1, bout.shape[-1]), jnp.float32),
    )(partials, W1, b1, W2, b2, Wout, bout)


def kernel(words, table, W1, b1, W2, b2, Wout, bout):
    words_t = words.T.astype(jnp.int32)
    hist = _sc_hist(words_t)
    rowsums = _rowsum_call(table.T)
    partials = _sc_dot(hist, rowsums)
    return _mlp_call(
        partials,
        W1,
        b1.reshape(1, -1),
        W2,
        b2.reshape(1, -1),
        Wout,
        bout.reshape(1, -1),
    )

# --- scband reference (transcript-rebuilt; emitter-appended) ---
"""Pipeline reference for scband-tf-deep-cbow-83811991814382 (READ-ONLY COPY).

The authoritative reference and input builder live on the scoring server;
editing this copy changes nothing except your own understanding.
"""

import jax, jax.numpy as jnp
import numpy as np

NWORDS = 1000000
EMB = 64
HID = 128
B = 16384
L = 50


def setup_inputs(seed: int = 0) -> dict:
    key = jax.random.key(seed)
    ks = jax.random.split(key, 8)
    words = jax.random.randint(ks[0], (B, L), 0, NWORDS, dtype=jnp.int64 if jax.config.read('jax_enable_x64') else jnp.int32)
    table = jax.random.normal(ks[1], (NWORDS, EMB), dtype=jnp.float32) * 0.02
    W1 = jax.random.normal(ks[2], (1, EMB), dtype=jnp.float32) * 0.5
    b1 = jnp.zeros((EMB,), dtype=jnp.float32)
    W2 = jax.random.normal(ks[3], (EMB, HID), dtype=jnp.float32) * (1.0 / np.sqrt(EMB))
    b2 = jnp.zeros((HID,), dtype=jnp.float32)
    Wout = jax.random.normal(ks[4], (HID, HID), dtype=jnp.float32) * (1.0 / np.sqrt(HID))
    bout = jnp.zeros((HID,), dtype=jnp.float32)
    return {"words": words, "table": table, "W1": W1, "b1": b1, "W2": W2, "b2": b2, "Wout": Wout, "bout": bout}


def reference(words, table, W1, b1, W2, b2, Wout, bout):
    # Embedding lookup: [B, L, EMB]
    emb_out = jnp.take(table, words, axis=0)
    # Faithful to original: reduce_sum over ALL axes -> scalar
    out = jnp.sum(emb_out)
    # reshape scalar to [1, 1]
    out = jnp.reshape(out, (1, -1))
    # linear 0: Dense(emb_size) with tanh
    out = jnp.tanh(out @ W1 + b1)
    # linear 1: Dense(hid_size) with tanh
    out = jnp.tanh(out @ W2 + b2)
    # output layer: Dense(hid_size), no activation
    out = out @ Wout + bout
    return out

if __name__ == "__main__":
    import jax
    _d = setup_inputs()
    print(jax.jit(kernel)(*tuple(_d.values())))

</pallas_src>

<mosaic_0001>
#map = affine_map<(d0, d1) -> (0, 0)>
module attributes {stable_mosaic.version = 14 : i64} {
  func.func @_sc_hist(%arg0: i32, %arg1: i32, %arg2: memref<50x16384xi32, #tpu.memory_space<hbm>>, %arg3: memref<2x1048576xf32, #tpu.memory_space<hbm>>, %arg4: memref<50x512xi32, #tpu.memory_space<vmem>>, %arg5: memref<25600xi32, #tpu.memory_space<vmem>>, %arg6: memref<5120xf32, #tpu.memory_space<vmem>>, %arg7: memref<4096xf32, #tpu.memory_space<vmem>>, %arg8: memref<1048576xf32, #tpu.memory_space<vmem_shared>>) attributes {dimension_semantics = [#tpu.dimension_semantics<core_parallel>, #tpu.dimension_semantics<subcore_parallel>], iteration_bounds = array<i64: 2, 16>, scalar_prefetch = 0 : i64, scratch_operands = 5 : i64, tpu.core_type = #tpu.core_type<sc_vector_subcore>, window_params = [{transform_indices = #map}, {transform_indices = #map}]} {
    %mul3A = arith.constant 2 : i32
    %mul3A_0 = arith.muli %arg1, %mul3A : i32
    %add3A = arith.addi %mul3A_0, %arg0 : i32
    %mul3A_1 = arith.constant 512 : i32
    %mul3A_2 = arith.muli %add3A, %mul3A_1 : i32
    "tpu.region"() ({
      %run_scoped3A = tpu.sem_alloc : memref<!tpu.dma_semaphore, #tpu.memory_space<semaphore_mem>>
      %dma_start3A = arith.constant 0 : i32
      %dma_start3A_155 = tpu.memref_slice %arg2[%dma_start3A, %mul3A_2] : memref<50x16384xi32, #tpu.memory_space<hbm>> -> memref<50x512xi32, #tpu.memory_space<hbm>>
      %dma_start3A_156 = arith.constant 0 : i32
      %dma_start3A_157 = tpu.memref_slice %arg2[%dma_start3A_156, %mul3A_2] : memref<50x16384xi32, #tpu.memory_space<hbm>> -> memref<50x512xi32, #tpu.memory_space<hbm>>
      tpu.enqueue_dma source(%dma_start3A_157 : memref<50x512xi32, #tpu.memory_space<hbm>>) target(%arg4 : memref<50x512xi32, #tpu.memory_space<vmem>>) target_semaphore(%run_scoped3A : memref<!tpu.dma_semaphore, #tpu.memory_space<semaphore_mem>>)
      %dma_wait3A = arith.constant 0 : i32
      %dma_wait3A_158 = tpu.memref_slice %arg2[%dma_wait3A, %mul3A_2] : memref<50x16384xi32, #tpu.memory_space<hbm>> -> memref<50x512xi32, #tpu.memory_space<hbm>>
      %dma_wait3A_159 = arith.constant 0 : i32
      %dma_wait3A_160 = tpu.memref_slice %arg2[%dma_wait3A_159, %mul3A_2] : memref<50x16384xi32, #tpu.memory_space<hbm>> -> memref<50x512xi32, #tpu.memory_space<hbm>>
      tpu.wait_dma2 semaphore(%run_scoped3A : memref<!tpu.dma_semaphore, #tpu.memory_space<semaphore_mem>>) src(%dma_wait3A_160 : memref<50x512xi32, #tpu.memory_space<hbm>>) dst(%arg4 : memref<50x512xi32, #tpu.memory_space<vmem>>)
      tpu.yield
    }) : () -> ()
    %broadcast_in_dim3A = arith.constant 1.000000e+00 : f32
    %broadcast_in_dim3A_3 = vector.broadcast %broadcast_in_dim3A : f32 to vector<16xf32>
    %broadcast_in_dim3A_4 = arith.constant 0.000000e+00 : f32
    %broadcast_in_dim3A_5 = vector.broadcast %broadcast_in_dim3A_4 : f32 to vector<16xf32>
    %scan3A = arith.constant 0 : i32
    %scan3A_6 = arith.constant 0 : i32
    %scan3A_7 = arith.constant 1600 : i32
    %scan3A_8 = arith.addi %scan3A_6, %scan3A_7 : i32
    %scan3A_9 = arith.constant 1 : i32
    %scan3A_10 = scf.for %scan3A_155 = %scan3A_6 to %scan3A_8 step %scan3A_9 iter_args(%scan3A_156 = %scan3A) -> (i32)  : i32 {
      %shift_right_arithmetic3A = arith.constant 5 : i32
      %shift_right_arithmetic3A_157 = arith.shrsi %scan3A_155, %shift_right_arithmetic3A : i32
      %and3A = arith.constant 31 : i32
      %and3A_158 = arith.andi %scan3A_155, %and3A : i32
      %mul3A_159 = arith.constant 16 : i32
      %mul3A_160 = arith.muli %and3A_158, %mul3A_159 : i32
      %get3A = arith.index_cast %shift_right_arithmetic3A_157 : i32 to index
      %get3A_161 = arith.index_cast %mul3A_160 : i32 to index
      %get3A_162 = tpu.vector_load %arg4[%get3A, %get3A_161] {strides = array<i32>} : memref<50x512xi32, #tpu.memory_space<vmem>>, vector<1x16xi32>,
      %get3A_163 = vector.shape_cast %get3A_162 : vector<1x16xi32> to vector<16xi32>
      %mul3A_164 = arith.constant 512 : i32
      %mul3A_165 = arith.muli %shift_right_arithmetic3A_157, %mul3A_164 : i32
      %add3A_166 = arith.addi %mul3A_165, %mul3A_160 : i32
      %swap3A = arith.index_cast %add3A_166 : i32 to index
      %swap3A_167 = tpu.vector_load %arg5[%swap3A] {strides = array<i32>} : memref<25600xi32, #tpu.memory_space<vmem>>, vector<16xi32>,
      %swap3A_168 = vector.shape_cast %swap3A_167 : vector<16xi32> to vector<16xi32>
      %swap3A_169 = vector.shape_cast %get3A_163 : vector<16xi32> to vector<16xi32>
      tpu.vector_store %arg5[%swap3A], %swap3A_169 {strides = array<i32>} : memref<25600xi32, #tpu.memory_space<vmem>>, vector<16xi32>,
      %scan3A_170 = arith.constant 0 : i32
      scf.yield %scan3A_170 : i32
    }
    %scan3A_11 = arith.constant 1600 : i32
    %scan3A_12 = arith.constant 0 : i32
    %scan3A_13 = arith.constant 0 : i32
    %scan3A_14 = arith.constant 320 : i32
    %scan3A_15 = arith.addi %scan3A_13, %scan3A_14 : i32
    %scan3A_16 = arith.constant 1 : i32
    %scan3A_17 = scf.for %scan3A_155 = %scan3A_13 to %scan3A_15 step %scan3A_16 iter_args(%scan3A_156 = %scan3A_12) -> (i32)  : i32 {
      %mul3A_157 = arith.constant 16 : i32
      %mul3A_158 = arith.muli %scan3A_155, %mul3A_157 : i32
      %swap3A = arith.index_cast %mul3A_158 : i32 to index
      %swap3A_159 = tpu.vector_load %arg6[%swap3A] {strides = array<i32>} : memref<5120xf32, #tpu.memory_space<vmem>>, vector<16xf32>,
      %swap3A_160 = vector.shape_cast %swap3A_159 : vector<16xf32> to vector<16xf32>
      %swap3A_161 = vector.shape_cast %broadcast_in_dim3A_3 : vector<16xf32> to vector<16xf32>
      tpu.vector_store %arg6[%swap3A], %swap3A_161 {strides = array<i32>} : memref<5120xf32, #tpu.memory_space<vmem>>, vector<16xf32>,
      %scan3A_162 = arith.constant 0 : i32
      scf.yield %scan3A_162 : i32
    }
    %scan3A_18 = arith.constant 320 : i32
    %scan3A_19 = arith.constant 0 : i32
    %scan3A_20 = arith.constant 0 : i32
    %scan3A_21 = arith.constant 256 : i32
    %scan3A_22 = arith.addi %scan3A_20, %scan3A_21 : i32
    %scan3A_23 = arith.constant 1 : i32
    %scan3A_24 = scf.for %scan3A_155 = %scan3A_20 to %scan3A_22 step %scan3A_23 iter_args(%scan3A_156 = %scan3A_19) -> (i32)  : i32 {
      %mul3A_157 = arith.constant 16 : i32
      %mul3A_158 = arith.muli %scan3A_155, %mul3A_157 : i32
      %swap3A = arith.index_cast %mul3A_158 : i32 to index
      %swap3A_159 = tpu.vector_load %arg7[%swap3A] {strides = array<i32>} : memref<4096xf32, #tpu.memory_space<vmem>>, vector<16xf32>,
      %swap3A_160 = vector.shape_cast %swap3A_159 : vector<16xf32> to vector<16xf32>
      %swap3A_161 = vector.shape_cast %broadcast_in_dim3A_5 : vector<16xf32> to vector<16xf32>
      tpu.vector_store %arg7[%swap3A], %swap3A_161 {strides = array<i32>} : memref<4096xf32, #tpu.memory_space<vmem>>, vector<16xf32>,
      %scan3A_162 = arith.constant 0 : i32
      scf.yield %scan3A_162 : i32
    }
    %scan3A_25 = arith.constant 256 : i32
    %mul3A_26 = arith.constant 65536 : i32
    %mul3A_27 = arith.muli %arg1, %mul3A_26 : i32
    %add3A_28 = arith.constant 0 : i32
    %add3A_29 = arith.addi %mul3A_27, %add3A_28 : i32
    "tpu.region"() ({
      %run_scoped3A = tpu.sem_alloc : memref<!tpu.dma_semaphore, #tpu.memory_space<semaphore_mem>>
      %dma_start3A = tpu.memref_slice %arg8[%add3A_29] : memref<1048576xf32, #tpu.memory_space<vmem_shared>> -> memref<4096xf32, #tpu.memory_space<vmem_shared>>
      %dma_start3A_155 = tpu.memref_slice %arg8[%add3A_29] : memref<1048576xf32, #tpu.memory_space<vmem_shared>> -> memref<4096xf32, #tpu.memory_space<vmem_shared>>
      tpu.enqueue_dma source(%arg7 : memref<4096xf32, #tpu.memory_space<vmem>>) target(%dma_start3A_155 : memref<4096xf32, #tpu.memory_space<vmem_shared>>) target_semaphore(%run_scoped3A : memref<!tpu.dma_semaphore, #tpu.memory_space<semaphore_mem>>)
      %dma_wait3A = tpu.memref_slice %arg8[%add3A_29] : memref<1048576xf32, #tpu.memory_space<vmem_shared>> -> memref<4096xf32, #tpu.memory_space<vmem_shared>>
      %dma_wait3A_156 = tpu.memref_slice %arg8[%add3A_29] : memref<1048576xf32, #tpu.memory_space<vmem_shared>> -> memref<4096xf32, #tpu.memory_space<vmem_shared>>
      tpu.wait_dma2 semaphore(%run_scoped3A : memref<!tpu.dma_semaphore, #tpu.memory_space<semaphore_mem>>) src(%arg7 : memref<4096xf32, #tpu.memory_space<vmem>>) dst(%dma_wait3A_156 : memref<4096xf32, #tpu.memory_space<vmem_shared>>)
      tpu.yield
    }) : () -> ()
    %mul3A_30 = arith.constant 65536 : i32
    %mul3A_31 = arith.muli %arg1, %mul3A_30 : i32
    %add3A_32 = arith.constant 4096 : i32
    %add3A_33 = arith.addi %mul3A_31, %add3A_32 : i32
    "tpu.region"() ({
      %run_scoped3A = tpu.sem_alloc : memref<!tpu.dma_semaphore, #tpu.memory_space<semaphore_mem>>
      %dma_start3A = tpu.memref_slice %arg8[%add3A_33] : memref<1048576xf32, #tpu.memory_space<vmem_shared>> -> memref<4096xf32, #tpu.memory_space<vmem_shared>>
      %dma_start3A_155 = tpu.memref_slice %arg8[%add3A_33] : memref<1048576xf32, #tpu.memory_space<vmem_shared>> -> memref<4096xf32, #tpu.memory_space<vmem_shared>>
      tpu.enqueue_dma source(%arg7 : memref<4096xf32, #tpu.memory_space<vmem>>) target(%dma_start3A_155 : memref<4096xf32, #tpu.memory_space<vmem_shared>>) target_semaphore(%run_scoped3A : memref<!tpu.dma_semaphore, #tpu.memory_space<semaphore_mem>>)
      %dma_wait3A = tpu.memref_slice %arg8[%add3A_33] : memref<1048576xf32, #tpu.memory_space<vmem_shared>> -> memref<4096xf32, #tpu.memory_space<vmem_shared>>
      %dma_wait3A_156 = tpu.memref_slice %arg8[%add3A_33] : memref<1048576xf32, #tpu.memory_space<vmem_shared>> -> memref<4096xf32, #tpu.memory_space<vmem_shared>>
      tpu.wait_dma2 semaphore(%run_scoped3A : memref<!tpu.dma_semaphore, #tpu.memory_space<semaphore_mem>>) src(%arg7 : memref<4096xf32, #tpu.memory_space<vmem>>) dst(%dma_wait3A_156 : memref<4096xf32, #tpu.memory_space<vmem_shared>>)
      tpu.yield
    }) : () -> ()
    %mul3A_34 = arith.constant 65536 : i32
    %mul3A_35 = arith.muli %arg1, %mul3A_34 : i32
    %add3A_36 = arith.constant 8192 : i32
    %add3A_37 = arith.addi %mul3A_35, %add3A_36 : i32
    "tpu.region"() ({
      %run_scoped3A = tpu.sem_alloc : memref<!tpu.dma_semaphore, #tpu.memory_space<semaphore_mem>>
      %dma_start3A = tpu.memref_slice %arg8[%add3A_37] : memref<1048576xf32, #tpu.memory_space<vmem_shared>> -> memref<4096xf32, #tpu.memory_space<vmem_shared>>
      %dma_start3A_155 = tpu.memref_slice %arg8[%add3A_37] : memref<1048576xf32, #tpu.memory_space<vmem_shared>> -> memref<4096xf32, #tpu.memory_space<vmem_shared>>
      tpu.enqueue_dma source(%arg7 : memref<4096xf32, #tpu.memory_space<vmem>>) target(%dma_start3A_155 : memref<4096xf32, #tpu.memory_space<vmem_shared>>) target_semaphore(%run_scoped3A : memref<!tpu.dma_semaphore, #tpu.memory_space<semaphore_mem>>)
      %dma_wait3A = tpu.memref_slice %arg8[%add3A_37] : memref<1048576xf32, #tpu.memory_space<vmem_shared>> -> memref<4096xf32, #tpu.memory_space<vmem_shared>>
      %dma_wait3A_156 = tpu.memref_slice %arg8[%add3A_37] : memref<1048576xf32, #tpu.memory_space<vmem_shared>> -> memref<4096xf32, #tpu.memory_space<vmem_shared>>
      tpu.wait_dma2 semaphore(%run_scoped3A : memref<!tpu.dma_semaphore, #tpu.memory_space<semaphore_mem>>) src(%arg7 : memref<4096xf32, #tpu.memory_space<vmem>>) dst(%dma_wait3A_156 : memref<4096xf32, #tpu.memory_space<vmem_shared>>)
      tpu.yield
    }) : () -> ()
    %mul3A_38 = arith.constant 65536 : i32
    %mul3A_39 = arith.muli %arg1, %mul3A_38 : i32
    %add3A_40 = arith.constant 12288 : i32
    %add3A_41 = arith.addi %mul3A_39, %add3A_40 : i32
    "tpu.region"() ({
      %run_scoped3A = tpu.sem_alloc : memref<!tpu.dma_semaphore, #tpu.memory_space<semaphore_mem>>
      %dma_start3A = tpu.memref_slice %arg8[%add3A_41] : memref<1048576xf32, #tpu.memory_space<vmem_shared>> -> memref<4096xf32, #tpu.memory_space<vmem_shared>>
      %dma_start3A_155 = tpu.memref_slice %arg8[%add3A_41] : memref<1048576xf32, #tpu.memory_space<vmem_shared>> -> memref<4096xf32, #tpu.memory_space<vmem_shared>>
      tpu.enqueue_dma source(%arg7 : memref<4096xf32, #tpu.memory_space<vmem>>) target(%dma_start3A_155 : memref<4096xf32, #tpu.memory_space<vmem_shared>>) target_semaphore(%run_scoped3A : memref<!tpu.dma_semaphore, #tpu.memory_space<semaphore_mem>>)
      %dma_wait3A = tpu.memref_slice %arg8[%add3A_41] : memref<1048576xf32, #tpu.memory_space<vmem_shared>> -> memref<4096xf32, #tpu.memory_space<vmem_shared>>
      %dma_wait3A_156 = tpu.memref_slice %arg8[%add3A_41] : memref<1048576xf32, #tpu.memory_space<vmem_shared>> -> memref<4096xf32, #tpu.memory_space<vmem_shared>>
      tpu.wait_dma2 semaphore(%run_scoped3A : memref<!tpu.dma_semaphore, #tpu.memory_space<semaphore_mem>>) src(%arg7 : memref<4096xf32, #tpu.memory_space<vmem>>) dst(%dma_wait3A_156 : memref<4096xf32, #tpu.memory_space<vmem_shared>>)
      tpu.yield
    }) : () -> ()
    %mul3A_42 = arith.constant 65536 : i32
    %mul3A_43 = arith.muli %arg1, %mul3A_42 : i32
    %add3A_44 = arith.constant 16384 : i32
    %add3A_45 = arith.addi %mul3A_43, %add3A_44 : i32
    "tpu.region"() ({
      %run_scoped3A = tpu.sem_alloc : memref<!tpu.dma_semaphore, #tpu.memory_space<semaphore_mem>>
      %dma_start3A = tpu.memref_slice %arg8[%add3A_45] : memref<1048576xf32, #tpu.memory_space<vmem_shared>> -> memref<4096xf32, #tpu.memory_space<vmem_shared>>
      %dma_start3A_155 = tpu.memref_slice %arg8[%add3A_45] : memref<1048576xf32, #tpu.memory_space<vmem_shared>> -> memref<4096xf32, #tpu.memory_space<vmem_shared>>
      tpu.enqueue_dma source(%arg7 : memref<4096xf32, #tpu.memory_space<vmem>>) target(%dma_start3A_155 : memref<4096xf32, #tpu.memory_space<vmem_shared>>) target_semaphore(%run_scoped3A : memref<!tpu.dma_semaphore, #tpu.memory_space<semaphore_mem>>)
      %dma_wait3A = tpu.memref_slice %arg8[%add3A_45] : memref<1048576xf32, #tpu.memory_space<vmem_shared>> -> memref<4096xf32, #tpu.memory_space<vmem_shared>>
      %dma_wait3A_156 = tpu.memref_slice %arg8[%add3A_45] : memref<1048576xf32, #tpu.memory_space<vmem_shared>> -> memref<4096xf32, #tpu.memory_space<vmem_shared>>
      tpu.wait_dma2 semaphore(%run_scoped3A : memref<!tpu.dma_semaphore, #tpu.memory_space<semaphore_mem>>) src(%arg7 : memref<4096xf32, #tpu.memory_space<vmem>>) dst(%dma_wait3A_156 : memref<4096xf32, #tpu.memory_space<vmem_shared>>)
      tpu.yield
    }) : () -> ()
    %mul3A_46 = arith.constant 65536 : i32
    %mul3A_47 = arith.muli %arg1, %mul3A_46 : i32
    %add3A_48 = arith.constant 20480 : i32
    %add3A_49 = arith.addi %mul3A_47, %add3A_48 : i32
    "tpu.region"() ({
      %run_scoped3A = tpu.sem_alloc : memref<!tpu.dma_semaphore, #tpu.memory_space<semaphore_mem>>
      %dma_start3A = tpu.memref_slice %arg8[%add3A_49] : memref<1048576xf32, #tpu.memory_space<vmem_shared>> -> memref<4096xf32, #tpu.memory_space<vmem_shared>>
      %dma_start3A_155 = tpu.memref_slice %arg8[%add3A_49] : memref<1048576xf32, #tpu.memory_space<vmem_shared>> -> memref<4096xf32, #tpu.memory_space<vmem_shared>>
      tpu.enqueue_dma source(%arg7 : memref<4096xf32, #tpu.memory_space<vmem>>) target(%dma_start3A_155 : memref<4096xf32, #tpu.memory_space<vmem_shared>>) target_semaphore(%run_scoped3A : memref<!tpu.dma_semaphore, #tpu.memory_space<semaphore_mem>>)
      %dma_wait3A = tpu.memref_slice %arg8[%add3A_49] : memref<1048576xf32, #tpu.memory_space<vmem_shared>> -> memref<4096xf32, #tpu.memory_space<vmem_shared>>
      %dma_wait3A_156 = tpu.memref_slice %arg8[%add3A_49] : memref<1048576xf32, #tpu.memory_space<vmem_shared>> -> memref<4096xf32, #tpu.memory_space<vmem_shared>>
      tpu.wait_dma2 semaphore(%run_scoped3A : memref<!tpu.dma_semaphore, #tpu.memory_space<semaphore_mem>>) src(%arg7 : memref<4096xf32, #tpu.memory_space<vmem>>) dst(%dma_wait3A_156 : memref<4096xf32, #tpu.memory_space<vmem_shared>>)
      tpu.yield
    }) : () -> ()
    %mul3A_50 = arith.constant 65536 : i32
    %mul3A_51 = arith.muli %arg1, %mul3A_50 : i32
    %add3A_52 = arith.constant 24576 : i32
    %add3A_53 = arith.addi %mul3A_51, %add3A_52 : i32
    "tpu.region"() ({
      %run_scoped3A = tpu.sem_alloc : memref<!tpu.dma_semaphore, #tpu.memory_space<semaphore_mem>>
      %dma_start3A = tpu.memref_slice %arg8[%add3A_53] : memref<1048576xf32, #tpu.memory_space<vmem_shared>> -> memref<4096xf32, #tpu.memory_space<vmem_shared>>
      %dma_start3A_155 = tpu.memref_slice %arg8[%add3A_53] : memref<1048576xf32, #tpu.memory_space<vmem_shared>> -> memref<4096xf32, #tpu.memory_space<vmem_shared>>
      tpu.enqueue_dma source(%arg7 : memref<4096xf32, #tpu.memory_space<vmem>>) target(%dma_start3A_155 : memref<4096xf32, #tpu.memory_space<vmem_shared>>) target_semaphore(%run_scoped3A : memref<!tpu.dma_semaphore, #tpu.memory_space<semaphore_mem>>)
      %dma_wait3A = tpu.memref_slice %arg8[%add3A_53] : memref<1048576xf32, #tpu.memory_space<vmem_shared>> -> memref<4096xf32, #tpu.memory_space<vmem_shared>>
      %dma_wait3A_156 = tpu.memref_slice %arg8[%add3A_53] : memref<1048576xf32, #tpu.memory_space<vmem_shared>> -> memref<4096xf32, #tpu.memory_space<vmem_shared>>
      tpu.wait_dma2 semaphore(%run_scoped3A : memref<!tpu.dma_semaphore, #tpu.memory_space<semaphore_mem>>) src(%arg7 : memref<4096xf32, #tpu.memory_space<vmem>>) dst(%dma_wait3A_156 : memref<4096xf32, #tpu.memory_space<vmem_shared>>)
      tpu.yield
    }) : () -> ()
    %mul3A_54 = arith.constant 65536 : i32
    %mul3A_55 = arith.muli %arg1, %mul3A_54 : i32
    %add3A_56 = arith.constant 28672 : i32
    %add3A_57 = arith.addi %mul3A_55, %add3A_56 : i32
    "tpu.region"() ({
      %run_scoped3A = tpu.sem_alloc : memref<!tpu.dma_semaphore, #tpu.memory_space<semaphore_mem>>
      %dma_start3A = tpu.memref_slice %arg8[%add3A_57] : memref<1048576xf32, #tpu.memory_space<vmem_shared>> -> memref<4096xf32, #tpu.memory_space<vmem_shared>>
      %dma_start3A_155 = tpu.memref_slice %arg8[%add3A_57] : memref<1048576xf32, #tpu.memory_space<vmem_shared>> -> memref<4096xf32, #tpu.memory_space<vmem_shared>>
      tpu.enqueue_dma source(%arg7 : memref<4096xf32, #tpu.memory_space<vmem>>) target(%dma_start3A_155 : memref<4096xf32, #tpu.memory_space<vmem_shared>>) target_semaphore(%run_scoped3A : memref<!tpu.dma_semaphore, #tpu.memory_space<semaphore_mem>>)
      %dma_wait3A = tpu.memref_slice %arg8[%add3A_57] : memref<1048576xf32, #tpu.memory_space<vmem_shared>> -> memref<4096xf32, #tpu.memory_space<vmem_shared>>
      %dma_wait3A_156 = tpu.memref_slice %arg8[%add3A_57] : memref<1048576xf32, #tpu.memory_space<vmem_shared>> -> memref<4096xf32, #tpu.memory_space<vmem_shared>>
      tpu.wait_dma2 semaphore(%run_scoped3A : memref<!tpu.dma_semaphore, #tpu.memory_space<semaphore_mem>>) src(%arg7 : memref<4096xf32, #tpu.memory_space<vmem>>) dst(%dma_wait3A_156 : memref<4096xf32, #tpu.memory_space<vmem_shared>>)
      tpu.yield
    }) : () -> ()
    %mul3A_58 = arith.constant 65536 : i32
    %mul3A_59 = arith.muli %arg1, %mul3A_58 : i32
    %add3A_60 = arith.constant 32768 : i32
    %add3A_61 = arith.addi %mul3A_59, %add3A_60 : i32
    "tpu.region"() ({
      %run_scoped3A = tpu.sem_alloc : memref<!tpu.dma_semaphore, #tpu.memory_space<semaphore_mem>>
      %dma_start3A = tpu.memref_slice %arg8[%add3A_61] : memref<1048576xf32, #tpu.memory_space<vmem_shared>> -> memref<4096xf32, #tpu.memory_space<vmem_shared>>
      %dma_start3A_155 = tpu.memref_slice %arg8[%add3A_61] : memref<1048576xf32, #tpu.memory_space<vmem_shared>> -> memref<4096xf32, #tpu.memory_space<vmem_shared>>
      tpu.enqueue_dma source(%arg7 : memref<4096xf32, #tpu.memory_space<vmem>>) target(%dma_start3A_155 : memref<4096xf32, #tpu.memory_space<vmem_shared>>) target_semaphore(%run_scoped3A : memref<!tpu.dma_semaphore, #tpu.memory_space<semaphore_mem>>)
      %dma_wait3A = tpu.memref_slice %arg8[%add3A_61] : memref<1048576xf32, #tpu.memory_space<vmem_shared>> -> memref<4096xf32, #tpu.memory_space<vmem_shared>>
      %dma_wait3A_156 = tpu.memref_slice %arg8[%add3A_61] : memref<1048576xf32, #tpu.memory_space<vmem_shared>> -> memref<4096xf32, #tpu.memory_space<vmem_shared>>
      tpu.wait_dma2 semaphore(%run_scoped3A : memref<!tpu.dma_semaphore, #tpu.memory_space<semaphore_mem>>) src(%arg7 : memref<4096xf32, #tpu.memory_space<vmem>>) dst(%dma_wait3A_156 : memref<4096xf32, #tpu.memory_space<vmem_shared>>)
      tpu.yield
    }) : () -> ()
    %mul3A_62 = arith.constant 65536 : i32
    %mul3A_63 = arith.muli %arg1, %mul3A_62 : i32
    %add3A_64 = arith.constant 36864 : i32
    %add3A_65 = arith.addi %mul3A_63, %add3A_64 : i32
    "tpu.region"() ({
      %run_scoped3A = tpu.sem_alloc : memref<!tpu.dma_semaphore, #tpu.memory_space<semaphore_mem>>
      %dma_start3A = tpu.memref_slice %arg8[%add3A_65] : memref<1048576xf32, #tpu.memory_space<vmem_shared>> -> memref<4096xf32, #tpu.memory_space<vmem_shared>>
      %dma_start3A_155 = tpu.memref_slice %arg8[%add3A_65] : memref<1048576xf32, #tpu.memory_space<vmem_shared>> -> memref<4096xf32, #tpu.memory_space<vmem_shared>>
      tpu.enqueue_dma source(%arg7 : memref<4096xf32, #tpu.memory_space<vmem>>) target(%dma_start3A_155 : memref<4096xf32, #tpu.memory_space<vmem_shared>>) target_semaphore(%run_scoped3A : memref<!tpu.dma_semaphore, #tpu.memory_space<semaphore_mem>>)
      %dma_wait3A = tpu.memref_slice %arg8[%add3A_65] : memref<1048576xf32, #tpu.memory_space<vmem_shared>> -> memref<4096xf32, #tpu.memory_space<vmem_shared>>
      %dma_wait3A_156 = tpu.memref_slice %arg8[%add3A_65] : memref<1048576xf32, #tpu.memory_space<vmem_shared>> -> memref<4096xf32, #tpu.memory_space<vmem_shared>>
      tpu.wait_dma2 semaphore(%run_scoped3A : memref<!tpu.dma_semaphore, #tpu.memory_space<semaphore_mem>>) src(%arg7 : memref<4096xf32, #tpu.memory_space<vmem>>) dst(%dma_wait3A_156 : memref<4096xf32, #tpu.memory_space<vmem_shared>>)
      tpu.yield
    }) : () -> ()
    %mul3A_66 = arith.constant 65536 : i32
    %mul3A_67 = arith.muli %arg1, %mul3A_66 : i32
    %add3A_68 = arith.constant 40960 : i32
    %add3A_69 = arith.addi %mul3A_67, %add3A_68 : i32
    "tpu.region"() ({
      %run_scoped3A = tpu.sem_alloc : memref<!tpu.dma_semaphore, #tpu.memory_space<semaphore_mem>>
      %dma_start3A = tpu.memref_slice %arg8[%add3A_69] : memref<1048576xf32, #tpu.memory_space<vmem_shared>> -> memref<4096xf32, #tpu.memory_space<vmem_shared>>
      %dma_start3A_155 = tpu.memref_slice %arg8[%add3A_69] : memref<1048576xf32, #tpu.memory_space<vmem_shared>> -> memref<4096xf32, #tpu.memory_space<vmem_shared>>
      tpu.enqueue_dma source(%arg7 : memref<4096xf32, #tpu.memory_space<vmem>>) target(%dma_start3A_155 : memref<4096xf32, #tpu.memory_space<vmem_shared>>) target_semaphore(%run_scoped3A : memref<!tpu.dma_semaphore, #tpu.memory_space<semaphore_mem>>)
      %dma_wait3A = tpu.memref_slice %arg8[%add3A_69] : memref<1048576xf32, #tpu.memory_space<vmem_shared>> -> memref<4096xf32, #tpu.memory_space<vmem_shared>>
      %dma_wait3A_156 = tpu.memref_slice %arg8[%add3A_69] : memref<1048576xf32, #tpu.memory_space<vmem_shared>> -> memref<4096xf32, #tpu.memory_space<vmem_shared>>
      tpu.wait_dma2 semaphore(%run_scoped3A : memref<!tpu.dma_semaphore, #tpu.memory_space<semaphore_mem>>) src(%arg7 : memref<4096xf32, #tpu.memory_space<vmem>>) dst(%dma_wait3A_156 : memref<4096xf32, #tpu.memory_space<vmem_shared>>)
      tpu.yield
    }) : () -> ()
    %mul3A_70 = arith.constant 65536 : i32
    %mul3A_71 = arith.muli %arg1, %mul3A_70 : i32
    %add3A_72 = arith.constant 45056 : i32
    %add3A_73 = arith.addi %mul3A_71, %add3A_72 : i32
    "tpu.region"() ({
      %run_scoped3A = tpu.sem_alloc : memref<!tpu.dma_semaphore, #tpu.memory_space<semaphore_mem>>
      %dma_start3A = tpu.memref_slice %arg8[%add3A_73] : memref<1048576xf32, #tpu.memory_space<vmem_shared>> -> memref<4096xf32, #tpu.memory_space<vmem_shared>>
      %dma_start3A_155 = tpu.memref_slice %arg8[%add3A_73] : memref<1048576xf32, #tpu.memory_space<vmem_shared>> -> memref<4096xf32, #tpu.memory_space<vmem_shared>>
      tpu.enqueue_dma source(%arg7 : memref<4096xf32, #tpu.memory_space<vmem>>) target(%dma_start3A_155 : memref<4096xf32, #tpu.memory_space<vmem_shared>>) target_semaphore(%run_scoped3A : memref<!tpu.dma_semaphore, #tpu.memory_space<semaphore_mem>>)
      %dma_wait3A = tpu.memref_slice %arg8[%add3A_73] : memref<1048576xf32, #tpu.memory_space<vmem_shared>> -> memref<4096xf32, #tpu.memory_space<vmem_shared>>
      %dma_wait3A_156 = tpu.memref_slice %arg8[%add3A_73] : memref<1048576xf32, #tpu.memory_space<vmem_shared>> -> memref<4096xf32, #tpu.memory_space<vmem_shared>>
      tpu.wait_dma2 semaphore(%run_scoped3A : memref<!tpu.dma_semaphore, #tpu.memory_space<semaphore_mem>>) src(%arg7 : memref<4096xf32, #tpu.memory_space<vmem>>) dst(%dma_wait3A_156 : memref<4096xf32, #tpu.memory_space<vmem_shared>>)
      tpu.yield
    }) : () -> ()
    %mul3A_74 = arith.constant 65536 : i32
    %mul3A_75 = arith.muli %arg1, %mul3A_74 : i32
    %add3A_76 = arith.constant 49152 : i32
    %add3A_77 = arith.addi %mul3A_75, %add3A_76 : i32
    "tpu.region"() ({
      %run_scoped3A = tpu.sem_alloc : memref<!tpu.dma_semaphore, #tpu.memory_space<semaphore_mem>>
      %dma_start3A = tpu.memref_slice %arg8[%add3A_77] : memref<1048576xf32, #tpu.memory_space<vmem_shared>> -> memref<4096xf32, #tpu.memory_space<vmem_shared>>
      %dma_start3A_155 = tpu.memref_slice %arg8[%add3A_77] : memref<1048576xf32, #tpu.memory_space<vmem_shared>> -> memref<4096xf32, #tpu.memory_space<vmem_shared>>
      tpu.enqueue_dma source(%arg7 : memref<4096xf32, #tpu.memory_space<vmem>>) target(%dma_start3A_155 : memref<4096xf32, #tpu.memory_space<vmem_shared>>) target_semaphore(%run_scoped3A : memref<!tpu.dma_semaphore, #tpu.memory_space<semaphore_mem>>)
      %dma_wait3A = tpu.memref_slice %arg8[%add3A_77] : memref<1048576xf32, #tpu.memory_space<vmem_shared>> -> memref<4096xf32, #tpu.memory_space<vmem_shared>>
      %dma_wait3A_156 = tpu.memref_slice %arg8[%add3A_77] : memref<1048576xf32, #tpu.memory_space<vmem_shared>> -> memref<4096xf32, #tpu.memory_space<vmem_shared>>
      tpu.wait_dma2 semaphore(%run_scoped3A : memref<!tpu.dma_semaphore, #tpu.memory_space<semaphore_mem>>) src(%arg7 : memref<4096xf32, #tpu.memory_space<vmem>>) dst(%dma_wait3A_156 : memref<4096xf32, #tpu.memory_space<vmem_shared>>)
      tpu.yield
    }) : () -> ()
    %mul3A_78 = arith.constant 65536 : i32
    %mul3A_79 = arith.muli %arg1, %mul3A_78 : i32
    %add3A_80 = arith.constant 53248 : i32
    %add3A_81 = arith.addi %mul3A_79, %add3A_80 : i32
    "tpu.region"() ({
      %run_scoped3A = tpu.sem_alloc : memref<!tpu.dma_semaphore, #tpu.memory_space<semaphore_mem>>
      %dma_start3A = tpu.memref_slice %arg8[%add3A_81] : memref<1048576xf32, #tpu.memory_space<vmem_shared>> -> memref<4096xf32, #tpu.memory_space<vmem_shared>>
      %dma_start3A_155 = tpu.memref_slice %arg8[%add3A_81] : memref<1048576xf32, #tpu.memory_space<vmem_shared>> -> memref<4096xf32, #tpu.memory_space<vmem_shared>>
      tpu.enqueue_dma source(%arg7 : memref<4096xf32, #tpu.memory_space<vmem>>) target(%dma_start3A_155 : memref<4096xf32, #tpu.memory_space<vmem_shared>>) target_semaphore(%run_scoped3A : memref<!tpu.dma_semaphore, #tpu.memory_space<semaphore_mem>>)
      %dma_wait3A = tpu.memref_slice %arg8[%add3A_81] : memref<1048576xf32, #tpu.memory_space<vmem_shared>> -> memref<4096xf32, #tpu.memory_space<vmem_shared>>
      %dma_wait3A_156 = tpu.memref_slice %arg8[%add3A_81] : memref<1048576xf32, #tpu.memory_space<vmem_shared>> -> memref<4096xf32, #tpu.memory_space<vmem_shared>>
      tpu.wait_dma2 semaphore(%run_scoped3A : memref<!tpu.dma_semaphore, #tpu.memory_space<semaphore_mem>>) src(%arg7 : memref<4096xf32, #tpu.memory_space<vmem>>) dst(%dma_wait3A_156 : memref<4096xf32, #tpu.memory_space<vmem_shared>>)
      tpu.yield
    }) : () -> ()
    %mul3A_82 = arith.constant 65536 : i32
    %mul3A_83 = arith.muli %arg1, %mul3A_82 : i32
    %add3A_84 = arith.constant 57344 : i32
    %add3A_85 = arith.addi %mul3A_83, %add3A_84 : i32
    "tpu.region"() ({
      %run_scoped3A = tpu.sem_alloc : memref<!tpu.dma_semaphore, #tpu.memory_space<semaphore_mem>>
      %dma_start3A = tpu.memref_slice %arg8[%add3A_85] : memref<1048576xf32, #tpu.memory_space<vmem_shared>> -> memref<4096xf32, #tpu.memory_space<vmem_shared>>
      %dma_start3A_155 = tpu.memref_slice %arg8[%add3A_85] : memref<1048576xf32, #tpu.memory_space<vmem_shared>> -> memref<4096xf32, #tpu.memory_space<vmem_shared>>
      tpu.enqueue_dma source(%arg7 : memref<4096xf32, #tpu.memory_space<vmem>>) target(%dma_start3A_155 : memref<4096xf32, #tpu.memory_space<vmem_shared>>) target_semaphore(%run_scoped3A : memref<!tpu.dma_semaphore, #tpu.memory_space<semaphore_mem>>)
      %dma_wait3A = tpu.memref_slice %arg8[%add3A_85] : memref<1048576xf32, #tpu.memory_space<vmem_shared>> -> memref<4096xf32, #tpu.memory_space<vmem_shared>>
      %dma_wait3A_156 = tpu.memref_slice %arg8[%add3A_85] : memref<1048576xf32, #tpu.memory_space<vmem_shared>> -> memref<4096xf32, #tpu.memory_space<vmem_shared>>
      tpu.wait_dma2 semaphore(%run_scoped3A : memref<!tpu.dma_semaphore, #tpu.memory_space<semaphore_mem>>) src(%arg7 : memref<4096xf32, #tpu.memory_space<vmem>>) dst(%dma_wait3A_156 : memref<4096xf32, #tpu.memory_space<vmem_shared>>)
      tpu.yield
    }) : () -> ()
    %mul3A_86 = arith.constant 65536 : i32
    %mul3A_87 = arith.muli %arg1, %mul3A_86 : i32
    %add3A_88 = arith.constant 61440 : i32
    %add3A_89 = arith.addi %mul3A_87, %add3A_88 : i32
    "tpu.region"() ({
      %run_scoped3A = tpu.sem_alloc : memref<!tpu.dma_semaphore, #tpu.memory_space<semaphore_mem>>
      %dma_start3A = tpu.memref_slice %arg8[%add3A_89] : memref<1048576xf32, #tpu.memory_space<vmem_shared>> -> memref<4096xf32, #tpu.memory_space<vmem_shared>>
      %dma_start3A_155 = tpu.memref_slice %arg8[%add3A_89] : memref<1048576xf32, #tpu.memory_space<vmem_shared>> -> memref<4096xf32, #tpu.memory_space<vmem_shared>>
      tpu.enqueue_dma source(%arg7 : memref<4096xf32, #tpu.memory_space<vmem>>) target(%dma_start3A_155 : memref<4096xf32, #tpu.memory_space<vmem_shared>>) target_semaphore(%run_scoped3A : memref<!tpu.dma_semaphore, #tpu.memory_space<semaphore_mem>>)
      %dma_wait3A = tpu.memref_slice %arg8[%add3A_89] : memref<1048576xf32, #tpu.memory_space<vmem_shared>> -> memref<4096xf32, #tpu.memory_space<vmem_shared>>
      %dma_wait3A_156 = tpu.memref_slice %arg8[%add3A_89] : memref<1048576xf32, #tpu.memory_space<vmem_shared>> -> memref<4096xf32, #tpu.memory_space<vmem_shared>>
      tpu.wait_dma2 semaphore(%run_scoped3A : memref<!tpu.dma_semaphore, #tpu.memory_space<semaphore_mem>>) src(%arg7 : memref<4096xf32, #tpu.memory_space<vmem>>) dst(%dma_wait3A_156 : memref<4096xf32, #tpu.memory_space<vmem_shared>>)
      tpu.yield
    }) : () -> ()
    %barrier3A = arith.constant 0 : index
    tpu.barrier barrier_id(%barrier3A)
    "tpu.region"() ({
      %run_scoped3A = tpu.sem_alloc : memref<!tpu.dma_semaphore, #tpu.memory_space<semaphore_mem>>
      %dma_start3A = arith.constant 0 : i32
      %dma_start3A_155 = tpu.memref_slice %arg5[%dma_start3A] : memref<25600xi32, #tpu.memory_space<vmem>> -> memref<5120xi32, #tpu.memory_space<vmem>>
      %dma_start3A_156 = arith.constant 0 : i32
      %dma_start3A_157 = tpu.memref_slice %arg8[%dma_start3A_156] : memref<1048576xf32, #tpu.memory_space<vmem_shared>> -> memref<1048576xf32, #tpu.memory_space<vmem_shared>>
      tpu.enqueue_indirect_dma source(%arg6 : memref<5120xf32, #tpu.memory_space<vmem>>) target(%dma_start3A_157 : memref<1048576xf32, #tpu.memory_space<vmem_shared>>) offsets(%dma_start3A_155 : memref<5120xi32, #tpu.memory_space<vmem>>) semaphore(%run_scoped3A : memref<!tpu.dma_semaphore, #tpu.memory_space<semaphore_mem>>) {add = true}
      %dma_wait3A = arith.constant 0 : i32
      %dma_wait3A_158 = tpu.memref_slice %arg5[%dma_wait3A] : memref<25600xi32, #tpu.memory_space<vmem>> -> memref<5120xi32, #tpu.memory_space<vmem>>
      %dma_wait3A_159 = arith.constant 0 : i32
      %dma_wait3A_160 = tpu.memref_slice %arg8[%dma_wait3A_159] : memref<1048576xf32, #tpu.memory_space<vmem_shared>> -> memref<1048576xf32, #tpu.memory_space<vmem_shared>>
      tpu.wait_indirect_dma semaphore(%run_scoped3A : memref<!tpu.dma_semaphore, #tpu.memory_space<semaphore_mem>>) src(%arg6 : memref<5120xf32, #tpu.memory_space<vmem>>) dst(%dma_wait3A_160 : memref<1048576xf32, #tpu.memory_space<vmem_shared>>)
      tpu.yield
    }) : () -> ()
    "tpu.region"() ({
      %run_scoped3A = tpu.sem_alloc : memref<!tpu.dma_semaphore, #tpu.memory_space<semaphore_mem>>
      %dma_start3A = arith.constant 5120 : i32
      %dma_start3A_155 = tpu.memref_slice %arg5[%dma_start3A] : memref<25600xi32, #tpu.memory_space<vmem>> -> memref<5120xi32, #tpu.memory_space<vmem>>
      %dma_start3A_156 = arith.constant 0 : i32
      %dma_start3A_157 = tpu.memref_slice %arg8[%dma_start3A_156] : memref<1048576xf32, #tpu.memory_space<vmem_shared>> -> memref<1048576xf32, #tpu.memory_space<vmem_shared>>
      tpu.enqueue_indirect_dma source(%arg6 : memref<5120xf32, #tpu.memory_space<vmem>>) target(%dma_start3A_157 : memref<1048576xf32, #tpu.memory_space<vmem_shared>>) offsets(%dma_start3A_155 : memref<5120xi32, #tpu.memory_space<vmem>>) semaphore(%run_scoped3A : memref<!tpu.dma_semaphore, #tpu.memory_space<semaphore_mem>>) {add = true}
      %dma_wait3A = arith.constant 5120 : i32
      %dma_wait3A_158 = tpu.memref_slice %arg5[%dma_wait3A] : memref<25600xi32, #tpu.memory_space<vmem>> -> memref<5120xi32, #tpu.memory_space<vmem>>
      %dma_wait3A_159 = arith.constant 0 : i32
      %dma_wait3A_160 = tpu.memref_slice %arg8[%dma_wait3A_159] : memref<1048576xf32, #tpu.memory_space<vmem_shared>> -> memref<1048576xf32, #tpu.memory_space<vmem_shared>>
      tpu.wait_indirect_dma semaphore(%run_scoped3A : memref<!tpu.dma_semaphore, #tpu.memory_space<semaphore_mem>>) src(%arg6 : memref<5120xf32, #tpu.memory_space<vmem>>) dst(%dma_wait3A_160 : memref<1048576xf32, #tpu.memory_space<vmem_shared>>)
      tpu.yield
    }) : () -> ()
    "tpu.region"() ({
      %run_scoped3A = tpu.sem_alloc : memref<!tpu.dma_semaphore, #tpu.memory_space<semaphore_mem>>
      %dma_start3A = arith.constant 10240 : i32
      %dma_start3A_155 = tpu.memref_slice %arg5[%dma_start3A] : memref<25600xi32, #tpu.memory_space<vmem>> -> memref<5120xi32, #tpu.memory_space<vmem>>
      %dma_start3A_156 = arith.constant 0 : i32
      %dma_start3A_157 = tpu.memref_slice %arg8[%dma_start3A_156] : memref<1048576xf32, #tpu.memory_space<vmem_shared>> -> memref<1048576xf32, #tpu.memory_space<vmem_shared>>
      tpu.enqueue_indirect_dma source(%arg6 : memref<5120xf32, #tpu.memory_space<vmem>>) target(%dma_start3A_157 : memref<1048576xf32, #tpu.memory_space<vmem_shared>>) offsets(%dma_start3A_155 : memref<5120xi32, #tpu.memory_space<vmem>>) semaphore(%run_scoped3A : memref<!tpu.dma_semaphore, #tpu.memory_space<semaphore_mem>>) {add = true}
      %dma_wait3A = arith.constant 10240 : i32
      %dma_wait3A_158 = tpu.memref_slice %arg5[%dma_wait3A] : memref<25600xi32, #tpu.memory_space<vmem>> -> memref<5120xi32, #tpu.memory_space<vmem>>
      %dma_wait3A_159 = arith.constant 0 : i32
      %dma_wait3A_160 = tpu.memref_slice %arg8[%dma_wait3A_159] : memref<1048576xf32, #tpu.memory_space<vmem_shared>> -> memref<1048576xf32, #tpu.memory_space<vmem_shared>>
      tpu.wait_indirect_dma semaphore(%run_scoped3A : memref<!tpu.dma_semaphore, #tpu.memory_space<semaphore_mem>>) src(%arg6 : memref<5120xf32, #tpu.memory_space<vmem>>) dst(%dma_wait3A_160 : memref<1048576xf32, #tpu.memory_space<vmem_shared>>)
      tpu.yield
    }) : () -> ()
    "tpu.region"() ({
      %run_scoped3A = tpu.sem_alloc : memref<!tpu.dma_semaphore, #tpu.memory_space<semaphore_mem>>
      %dma_start3A = arith.constant 15360 : i32
      %dma_start3A_155 = tpu.memref_slice %arg5[%dma_start3A] : memref<25600xi32, #tpu.memory_space<vmem>> -> memref<5120xi32, #tpu.memory_space<vmem>>
      %dma_start3A_156 = arith.constant 0 : i32
      %dma_start3A_157 = tpu.memref_slice %arg8[%dma_start3A_156] : memref<1048576xf32, #tpu.memory_space<vmem_shared>> -> memref<1048576xf32, #tpu.memory_space<vmem_shared>>
      tpu.enqueue_indirect_dma source(%arg6 : memref<5120xf32, #tpu.memory_space<vmem>>) target(%dma_start3A_157 : memref<1048576xf32, #tpu.memory_space<vmem_shared>>) offsets(%dma_start3A_155 : memref<5120xi32, #tpu.memory_space<vmem>>) semaphore(%run_scoped3A : memref<!tpu.dma_semaphore, #tpu.memory_space<semaphore_mem>>) {add = true}
      %dma_wait3A = arith.constant 15360 : i32
      %dma_wait3A_158 = tpu.memref_slice %arg5[%dma_wait3A] : memref<25600xi32, #tpu.memory_space<vmem>> -> memref<5120xi32, #tpu.memory_space<vmem>>
      %dma_wait3A_159 = arith.constant 0 : i32
      %dma_wait3A_160 = tpu.memref_slice %arg8[%dma_wait3A_159] : memref<1048576xf32, #tpu.memory_space<vmem_shared>> -> memref<1048576xf32, #tpu.memory_space<vmem_shared>>
      tpu.wait_indirect_dma semaphore(%run_scoped3A : memref<!tpu.dma_semaphore, #tpu.memory_space<semaphore_mem>>) src(%arg6 : memref<5120xf32, #tpu.memory_space<vmem>>) dst(%dma_wait3A_160 : memref<1048576xf32, #tpu.memory_space<vmem_shared>>)
      tpu.yield
    }) : () -> ()
    "tpu.region"() ({
      %run_scoped3A = tpu.sem_alloc : memref<!tpu.dma_semaphore, #tpu.memory_space<semaphore_mem>>
      %dma_start3A = arith.constant 20480 : i32
      %dma_start3A_155 = tpu.memref_slice %arg5[%dma_start3A] : memref<25600xi32, #tpu.memory_space<vmem>> -> memref<5120xi32, #tpu.memory_space<vmem>>
      %dma_start3A_156 = arith.constant 0 : i32
      %dma_start3A_157 = tpu.memref_slice %arg8[%dma_start3A_156] : memref<1048576xf32, #tpu.memory_space<vmem_shared>> -> memref<1048576xf32, #tpu.memory_space<vmem_shared>>
      tpu.enqueue_indirect_dma source(%arg6 : memref<5120xf32, #tpu.memory_space<vmem>>) target(%dma_start3A_157 : memref<1048576xf32, #tpu.memory_space<vmem_shared>>) offsets(%dma_start3A_155 : memref<5120xi32, #tpu.memory_space<vmem>>) semaphore(%run_scoped3A : memref<!tpu.dma_semaphore, #tpu.memory_space<semaphore_mem>>) {add = true}
      %dma_wait3A = arith.constant 20480 : i32
      %dma_wait3A_158 = tpu.memref_slice %arg5[%dma_wait3A] : memref<25600xi32, #tpu.memory_space<vmem>> -> memref<5120xi32, #tpu.memory_space<vmem>>
      %dma_wait3A_159 = arith.constant 0 : i32
      %dma_wait3A_160 = tpu.memref_slice %arg8[%dma_wait3A_159] : memref<1048576xf32, #tpu.memory_space<vmem_shared>> -> memref<1048576xf32, #tpu.memory_space<vmem_shared>>
      tpu.wait_indirect_dma semaphore(%run_scoped3A : memref<!tpu.dma_semaphore, #tpu.memory_space<semaphore_mem>>) src(%arg6 : memref<5120xf32, #tpu.memory_space<vmem>>) dst(%dma_wait3A_160 : memref<1048576xf32, #tpu.memory_space<vmem_shared>>)
      tpu.yield
    }) : () -> ()
    %barrier3A_90 = arith.constant 0 : index
    tpu.barrier barrier_id(%barrier3A_90)
    %mul3A_91 = arith.constant 65536 : i32
    %mul3A_92 = arith.muli %arg1, %mul3A_91 : i32
    %add3A_93 = arith.constant 0 : i32
    %add3A_94 = arith.addi %mul3A_92, %add3A_93 : i32
    "tpu.region"() ({
      %run_scoped3A = tpu.sem_alloc : memref<!tpu.dma_semaphore, #tpu.memory_space<semaphore_mem>>
      %dma_start3A = tpu.memref_slice %arg8[%add3A_94] : memref<1048576xf32, #tpu.memory_space<vmem_shared>> -> memref<4096xf32, #tpu.memory_space<vmem_shared>>
      %dma_start3A_155 = tpu.memref_slice %arg8[%add3A_94] : memref<1048576xf32, #tpu.memory_space<vmem_shared>> -> memref<4096xf32, #tpu.memory_space<vmem_shared>>
      tpu.enqueue_dma source(%dma_start3A_155 : memref<4096xf32, #tpu.memory_space<vmem_shared>>) target(%arg7 : memref<4096xf32, #tpu.memory_space<vmem>>) target_semaphore(%run_scoped3A : memref<!tpu.dma_semaphore, #tpu.memory_space<semaphore_mem>>)
      %dma_wait3A = tpu.memref_slice %arg8[%add3A_94] : memref<1048576xf32, #tpu.memory_space<vmem_shared>> -> memref<4096xf32, #tpu.memory_space<vmem_shared>>
      %dma_wait3A_156 = tpu.memref_slice %arg8[%add3A_94] : memref<1048576xf32, #tpu.memory_space<vmem_shared>> -> memref<4096xf32, #tpu.memory_space<vmem_shared>>
      tpu.wait_dma2 semaphore(%run_scoped3A : memref<!tpu.dma_semaphore, #tpu.memory_space<semaphore_mem>>) src(%dma_wait3A_156 : memref<4096xf32, #tpu.memory_space<vmem_shared>>) dst(%arg7 : memref<4096xf32, #tpu.memory_space<vmem>>)
      tpu.yield
    }) : () -> ()
    "tpu.region"() ({
      %run_scoped3A = tpu.sem_alloc : memref<!tpu.dma_semaphore, #tpu.memory_space<semaphore_mem>>
      %dma_start3A = tpu.memref_slice %arg3[%arg0, %add3A_94] : memref<2x1048576xf32, #tpu.memory_space<hbm>> -> memref<1x4096xf32, #tpu.memory_space<hbm>>
      %dma_start3A_155 = tpu.memref_squeeze %dma_start3A : memref<1x4096xf32, #tpu.memory_space<hbm>> -> memref<4096xf32, #tpu.memory_space<hbm>>
      %dma_start3A_156 = tpu.memref_slice %arg3[%arg0, %add3A_94] : memref<2x1048576xf32, #tpu.memory_space<hbm>> -> memref<1x4096xf32, #tpu.memory_space<hbm>>
      %dma_start3A_157 = tpu.memref_squeeze %dma_start3A_156 : memref<1x4096xf32, #tpu.memory_space<hbm>> -> memref<4096xf32, #tpu.memory_space<hbm>>
      tpu.enqueue_dma source(%arg7 : memref<4096xf32, #tpu.memory_space<vmem>>) target(%dma_start3A_157 : memref<4096xf32, #tpu.memory_space<hbm>>) target_semaphore(%run_scoped3A : memref<!tpu.dma_semaphore, #tpu.memory_space<semaphore_mem>>)
      %dma_wait3A = tpu.memref_slice %arg3[%arg0, %add3A_94] : memref<2x1048576xf32, #tpu.memory_space<hbm>> -> memref<1x4096xf32, #tpu.memory_space<hbm>>
      %dma_wait3A_158 = tpu.memref_squeeze %dma_wait3A : memref<1x4096xf32, #tpu.memory_space<hbm>> -> memref<4096xf32, #tpu.memory_space<hbm>>
      %dma_wait3A_159 = tpu.memref_slice %arg3[%arg0, %add3A_94] : memref<2x1048576xf32, #tpu.memory_space<hbm>> -> memref<1x4096xf32, #tpu.memory_space<hbm>>
      %dma_wait3A_160 = tpu.memref_squeeze %dma_wait3A_159 : memref<1x4096xf32, #tpu.memory_space<hbm>> -> memref<4096xf32, #tpu.memory_space<hbm>>
      tpu.wait_dma2 semaphore(%run_scoped3A : memref<!tpu.dma_semaphore, #tpu.memory_space<semaphore_mem>>) src(%arg7 : memref<4096xf32, #tpu.memory_space<vmem>>) dst(%dma_wait3A_160 : memref<4096xf32, #tpu.memory_space<hbm>>)
      tpu.yield
    }) : () -> ()
    %mul3A_95 = arith.constant 65536 : i32
    %mul3A_96 = arith.muli %arg1, %mul3A_95 : i32
    %add3A_97 = arith.constant 4096 : i32
    %add3A_98 = arith.addi %mul3A_96, %add3A_97 : i32
    "tpu.region"() ({
      %run_scoped3A = tpu.sem_alloc : memref<!tpu.dma_semaphore, #tpu.memory_space<semaphore_mem>>
      %dma_start3A = tpu.memref_slice %arg8[%add3A_98] : memref<1048576xf32, #tpu.memory_space<vmem_shared>> -> memref<4096xf32, #tpu.memory_space<vmem_shared>>
      %dma_start3A_155 = tpu.memref_slice %arg8[%add3A_98] : memref<1048576xf32, #tpu.memory_space<vmem_shared>> -> memref<4096xf32, #tpu.memory_space<vmem_shared>>
      tpu.enqueue_dma source(%dma_start3A_155 : memref<4096xf32, #tpu.memory_space<vmem_shared>>) target(%arg7 : memref<4096xf32, #tpu.memory_space<vmem>>) target_semaphore(%run_scoped3A : memref<!tpu.dma_semaphore, #tpu.memory_space<semaphore_mem>>)
      %dma_wait3A = tpu.memref_slice %arg8[%add3A_98] : memref<1048576xf32, #tpu.memory_space<vmem_shared>> -> memref<4096xf32, #tpu.memory_space<vmem_shared>>
      %dma_wait3A_156 = tpu.memref_slice %arg8[%add3A_98] : memref<1048576xf32, #tpu.memory_space<vmem_shared>> -> memref<4096xf32, #tpu.memory_space<vmem_shared>>
      tpu.wait_dma2 semaphore(%run_scoped3A : memref<!tpu.dma_semaphore, #tpu.memory_space<semaphore_mem>>) src(%dma_wait3A_156 : memref<4096xf32, #tpu.memory_space<vmem_shared>>) dst(%arg7 : memref<4096xf32, #tpu.memory_space<vmem>>)
      tpu.yield
    }) : () -> ()
    "tpu.region"() ({
      %run_scoped3A = tpu.sem_alloc : memref<!tpu.dma_semaphore, #tpu.memory_space<semaphore_mem>>
      %dma_start3A = tpu.memref_slice %arg3[%arg0, %add3A_98] : memref<2x1048576xf32, #tpu.memory_space<hbm>> -> memref<1x4096xf32, #tpu.memory_space<hbm>>
      %dma_start3A_155 = tpu.memref_squeeze %dma_start3A : memref<1x4096xf32, #tpu.memory_space<hbm>> -> memref<4096xf32, #tpu.memory_space<hbm>>
      %dma_start3A_156 = tpu.memref_slice %arg3[%arg0, %add3A_98] : memref<2x1048576xf32, #tpu.memory_space<hbm>> -> memref<1x4096xf32, #tpu.memory_space<hbm>>
      %dma_start3A_157 = tpu.memref_squeeze %dma_start3A_156 : memref<1x4096xf32, #tpu.memory_space<hbm>> -> memref<4096xf32, #tpu.memory_space<hbm>>
      tpu.enqueue_dma source(%arg7 : memref<4096xf32, #tpu.memory_space<vmem>>) target(%dma_start3A_157 : memref<4096xf32, #tpu.memory_space<hbm>>) target_semaphore(%run_scoped3A : memref<!tpu.dma_semaphore, #tpu.memory_space<semaphore_mem>>)
      %dma_wait3A = tpu.memref_slice %arg3[%arg0, %add3A_98] : memref<2x1048576xf32, #tpu.memory_space<hbm>> -> memref<1x4096xf32, #tpu.memory_space<hbm>>
      %dma_wait3A_158 = tpu.memref_squeeze %dma_wait3A : memref<1x4096xf32, #tpu.memory_space<hbm>> -> memref<4096xf32, #tpu.memory_space<hbm>>
      %dma_wait3A_159 = tpu.memref_slice %arg3[%arg0, %add3A_98] : memref<2x1048576xf32, #tpu.memory_space<hbm>> -> memref<1x4096xf32, #tpu.memory_space<hbm>>
      %dma_wait3A_160 = tpu.memref_squeeze %dma_wait3A_159 : memref<1x4096xf32, #tpu.memory_space<hbm>> -> memref<4096xf32, #tpu.memory_space<hbm>>
      tpu.wait_dma2 semaphore(%run_scoped3A : memref<!tpu.dma_semaphore, #tpu.memory_space<semaphore_mem>>) src(%arg7 : memref<4096xf32, #tpu.memory_space<vmem>>) dst(%dma_wait3A_160 : memref<4096xf32, #tpu.memory_space<hbm>>)
      tpu.yield
    }) : () -> ()
    %mul3A_99 = arith.constant 65536 : i32
    %mul3A_100 = arith.muli %arg1, %mul3A_99 : i32
    %add3A_101 = arith.constant 8192 : i32
    %add3A_102 = arith.addi %mul3A_100, %add3A_101 : i32
    "tpu.region"() ({
      %run_scoped3A = tpu.sem_alloc : memref<!tpu.dma_semaphore, #tpu.memory_space<semaphore_mem>>
      %dma_start3A = tpu.memref_slice %arg8[%add3A_102] : memref<1048576xf32, #tpu.memory_space<vmem_shared>> -> memref<4096xf32, #tpu.memory_space<vmem_shared>>
      %dma_start3A_155 = tpu.memref_slice %arg8[%add3A_102] : memref<1048576xf32, #tpu.memory_space<vmem_shared>> -> memref<4096xf32, #tpu.memory_space<vmem_shared>>
      tpu.enqueue_dma source(%dma_start3A_155 : memref<4096xf32, #tpu.memory_space<vmem_shared>>) target(%arg7 : memref<4096xf32, #tpu.memory_space<vmem>>) target_semaphore(%run_scoped3A : memref<!tpu.dma_semaphore, #tpu.memory_space<semaphore_mem>>)
      %dma_wait3A = tpu.memref_slice %arg8[%add3A_102] : memref<1048576xf32, #tpu.memory_space<vmem_shared>> -> memref<4096xf32, #tpu.memory_space<vmem_shared>>
      %dma_wait3A_156 = tpu.memref_slice %arg8[%add3A_102] : memref<1048576xf32, #tpu.memory_space<vmem_shared>> -> memref<4096xf32, #tpu.memory_space<vmem_shared>>
      tpu.wait_dma2 semaphore(%run_scoped3A : memref<!tpu.dma_semaphore, #tpu.memory_space<semaphore_mem>>) src(%dma_wait3A_156 : memref<4096xf32, #tpu.memory_space<vmem_shared>>) dst(%arg7 : memref<4096xf32, #tpu.memory_space<vmem>>)
      tpu.yield
    }) : () -> ()
    "tpu.region"() ({
      %run_scoped3A = tpu.sem_alloc : memref<!tpu.dma_semaphore, #tpu.memory_space<semaphore_mem>>
      %dma_start3A = tpu.memref_slice %arg3[%arg0, %add3A_102] : memref<2x1048576xf32, #tpu.memory_space<hbm>> -> memref<1x4096xf32, #tpu.memory_space<hbm>>
      %dma_start3A_155 = tpu.memref_squeeze %dma_start3A : memref<1x4096xf32, #tpu.memory_space<hbm>> -> memref<4096xf32, #tpu.memory_space<hbm>>
      %dma_start3A_156 = tpu.memref_slice %arg3[%arg0, %add3A_102] : memref<2x1048576xf32, #tpu.memory_space<hbm>> -> memref<1x4096xf32, #tpu.memory_space<hbm>>
      %dma_start3A_157 = tpu.memref_squeeze %dma_start3A_156 : memref<1x4096xf32, #tpu.memory_space<hbm>> -> memref<4096xf32, #tpu.memory_space<hbm>>
      tpu.enqueue_dma source(%arg7 : memref<4096xf32, #tpu.memory_space<vmem>>) target(%dma_start3A_157 : memref<4096xf32, #tpu.memory_space<hbm>>) target_semaphore(%run_scoped3A : memref<!tpu.dma_semaphore, #tpu.memory_space<semaphore_mem>>)
      %dma_wait3A = tpu.memref_slice %arg3[%arg0, %add3A_102] : memref<2x1048576xf32, #tpu.memory_space<hbm>> -> memref<1x4096xf32, #tpu.memory_space<hbm>>
      %dma_wait3A_158 = tpu.memref_squeeze %dma_wait3A : memref<1x4096xf32, #tpu.memory_space<hbm>> -> memref<4096xf32, #tpu.memory_space<hbm>>
      %dma_wait3A_159 = tpu.memref_slice %arg3[%arg0, %add3A_102] : memref<2x1048576xf32, #tpu.memory_space<hbm>> -> memref<1x4096xf32, #tpu.memory_space<hbm>>
      %dma_wait3A_160 = tpu.memref_squeeze %dma_wait3A_159 : memref<1x4096xf32, #tpu.memory_space<hbm>> -> memref<4096xf32, #tpu.memory_space<hbm>>
      tpu.wait_dma2 semaphore(%run_scoped3A : memref<!tpu.dma_semaphore, #tpu.memory_space<semaphore_mem>>) src(%arg7 : memref<4096xf32, #tpu.memory_space<vmem>>) dst(%dma_wait3A_160 : memref<4096xf32, #tpu.memory_space<hbm>>)
      tpu.yield
    }) : () -> ()
    %mul3A_103 = arith.constant 65536 : i32
    %mul3A_104 = arith.muli %arg1, %mul3A_103 : i32
    %add3A_105 = arith.constant 12288 : i32
    %add3A_106 = arith.addi %mul3A_104, %add3A_105 : i32
    "tpu.region"() ({
      %run_scoped3A = tpu.sem_alloc : memref<!tpu.dma_semaphore, #tpu.memory_space<semaphore_mem>>
      %dma_start3A = tpu.memref_slice %arg8[%add3A_106] : memref<1048576xf32, #tpu.memory_space<vmem_shared>> -> memref<4096xf32, #tpu.memory_space<vmem_shared>>
      %dma_start3A_155 = tpu.memref_slice %arg8[%add3A_106] : memref<1048576xf32, #tpu.memory_space<vmem_shared>> -> memref<4096xf32, #tpu.memory_space<vmem_shared>>
      tpu.enqueue_dma source(%dma_start3A_155 : memref<4096xf32, #tpu.memory_space<vmem_shared>>) target(%arg7 : memref<4096xf32, #tpu.memory_space<vmem>>) target_semaphore(%run_scoped3A : memref<!tpu.dma_semaphore, #tpu.memory_space<semaphore_mem>>)
      %dma_wait3A = tpu.memref_slice %arg8[%add3A_106] : memref<1048576xf32, #tpu.memory_space<vmem_shared>> -> memref<4096xf32, #tpu.memory_space<vmem_shared>>
      %dma_wait3A_156 = tpu.memref_slice %arg8[%add3A_106] : memref<1048576xf32, #tpu.memory_space<vmem_shared>> -> memref<4096xf32, #tpu.memory_space<vmem_shared>>
      tpu.wait_dma2 semaphore(%run_scoped3A : memref<!tpu.dma_semaphore, #tpu.memory_space<semaphore_mem>>) src(%dma_wait3A_156 : memref<4096xf32, #tpu.memory_space<vmem_shared>>) dst(%arg7 : memref<4096xf32, #tpu.memory_space<vmem>>)
      tpu.yield
    }) : () -> ()
    "tpu.region"() ({
      %run_scoped3A = tpu.sem_alloc : memref<!tpu.dma_semaphore, #tpu.memory_space<semaphore_mem>>
      %dma_start3A = tpu.memref_slice %arg3[%arg0, %add3A_106] : memref<2x1048576xf32, #tpu.memory_space<hbm>> -> memref<1x4096xf32, #tpu.memory_space<hbm>>
      %dma_start3A_155 = tpu.memref_squeeze %dma_start3A : memref<1x4096xf32, #tpu.memory_space<hbm>> -> memref<4096xf32, #tpu.memory_space<hbm>>
      %dma_start3A_156 = tpu.memref_slice %arg3[%arg0, %add3A_106] : memref<2x1048576xf32, #tpu.memory_space<hbm>> -> memref<1x4096xf32, #tpu.memory_space<hbm>>
      %dma_start3A_157 = tpu.memref_squeeze %dma_start3A_156 : memref<1x4096xf32, #tpu.memory_space<hbm>> -> memref<4096xf32, #tpu.memory_space<hbm>>
      tpu.enqueue_dma source(%arg7 : memref<4096xf32, #tpu.memory_space<vmem>>) target(%dma_start3A_157 : memref<4096xf32, #tpu.memory_space<hbm>>) target_semaphore(%run_scoped3A : memref<!tpu.dma_semaphore, #tpu.memory_space<semaphore_mem>>)
      %dma_wait3A = tpu.memref_slice %arg3[%arg0, %add3A_106] : memref<2x1048576xf32, #tpu.memory_space<hbm>> -> memref<1x4096xf32, #tpu.memory_space<hbm>>
      %dma_wait3A_158 = tpu.memref_squeeze %dma_wait3A : memref<1x4096xf32, #tpu.memory_space<hbm>> -> memref<4096xf32, #tpu.memory_space<hbm>>
      %dma_wait3A_159 = tpu.memref_slice %arg3[%arg0, %add3A_106] : memref<2x1048576xf32, #tpu.memory_space<hbm>> -> memref<1x4096xf32, #tpu.memory_space<hbm>>
      %dma_wait3A_160 = tpu.memref_squeeze %dma_wait3A_159 : memref<1x4096xf32, #tpu.memory_space<hbm>> -> memref<4096xf32, #tpu.memory_space<hbm>>
      tpu.wait_dma2 semaphore(%run_scoped3A : memref<!tpu.dma_semaphore, #tpu.memory_space<semaphore_mem>>) src(%arg7 : memref<4096xf32, #tpu.memory_space<vmem>>) dst(%dma_wait3A_160 : memref<4096xf32, #tpu.memory_space<hbm>>)
      tpu.yield
    }) : () -> ()
    %mul3A_107 = arith.constant 65536 : i32
    %mul3A_108 = arith.muli %arg1, %mul3A_107 : i32
    %add3A_109 = arith.constant 16384 : i32
    %add3A_110 = arith.addi %mul3A_108, %add3A_109 : i32
    "tpu.region"() ({
      %run_scoped3A = tpu.sem_alloc : memref<!tpu.dma_semaphore, #tpu.memory_space<semaphore_mem>>
      %dma_start3A = tpu.memref_slice %arg8[%add3A_110] : memref<1048576xf32, #tpu.memory_space<vmem_shared>> -> memref<4096xf32, #tpu.memory_space<vmem_shared>>
      %dma_start3A_155 = tpu.memref_slice %arg8[%add3A_110] : memref<1048576xf32, #tpu.memory_space<vmem_shared>> -> memref<4096xf32, #tpu.memory_space<vmem_shared>>
      tpu.enqueue_dma source(%dma_start3A_155 : memref<4096xf32, #tpu.memory_space<vmem_shared>>) target(%arg7 : memref<4096xf32, #tpu.memory_space<vmem>>) target_semaphore(%run_scoped3A : memref<!tpu.dma_semaphore, #tpu.memory_space<semaphore_mem>>)
      %dma_wait3A = tpu.memref_slice %arg8[%add3A_110] : memref<1048576xf32, #tpu.memory_space<vmem_shared>> -> memref<4096xf32, #tpu.memory_space<vmem_shared>>
      %dma_wait3A_156 = tpu.memref_slice %arg8[%add3A_110] : memref<1048576xf32, #tpu.memory_space<vmem_shared>> -> memref<4096xf32, #tpu.memory_space<vmem_shared>>
      tpu.wait_dma2 semaphore(%run_scoped3A : memref<!tpu.dma_semaphore, #tpu.memory_space<semaphore_mem>>) src(%dma_wait3A_156 : memref<4096xf32, #tpu.memory_space<vmem_shared>>) dst(%arg7 : memref<4096xf32, #tpu.memory_space<vmem>>)
      tpu.yield
    }) : () -> ()
    "tpu.region"() ({
      %run_scoped3A = tpu.sem_alloc : memref<!tpu.dma_semaphore, #tpu.memory_space<semaphore_mem>>
      %dma_start3A = tpu.memref_slice %arg3[%arg0, %add3A_110] : memref<2x1048576xf32, #tpu.memory_space<hbm>> -> memref<1x4096xf32, #tpu.memory_space<hbm>>
      %dma_start3A_155 = tpu.memref_squeeze %dma_start3A : memref<1x4096xf32, #tpu.memory_space<hbm>> -> memref<4096xf32, #tpu.memory_space<hbm>>
      %dma_start3A_156 = tpu.memref_slice %arg3[%arg0, %add3A_110] : memref<2x1048576xf32, #tpu.memory_space<hbm>> -> memref<1x4096xf32, #tpu.memory_space<hbm>>
      %dma_start3A_157 = tpu.memref_squeeze %dma_start3A_156 : memref<1x4096xf32, #tpu.memory_space<hbm>> -> memref<4096xf32, #tpu.memory_space<hbm>>
      tpu.enqueue_dma source(%arg7 : memref<4096xf32, #tpu.memory_space<vmem>>) target(%dma_start3A_157 : memref<4096xf32, #tpu.memory_space<hbm>>) target_semaphore(%run_scoped3A : memref<!tpu.dma_semaphore, #tpu.memory_space<semaphore_mem>>)
      %dma_wait3A = tpu.memref_slice %arg3[%arg0, %add3A_110] : memref<2x1048576xf32, #tpu.memory_space<hbm>> -> memref<1x4096xf32, #tpu.memory_space<hbm>>
      %dma_wait3A_158 = tpu.memref_squeeze %dma_wait3A : memref<1x4096xf32, #tpu.memory_space<hbm>> -> memref<4096xf32, #tpu.memory_space<hbm>>
      %dma_wait3A_159 = tpu.memref_slice %arg3[%arg0, %add3A_110] : memref<2x1048576xf32, #tpu.memory_space<hbm>> -> memref<1x4096xf32, #tpu.memory_space<hbm>>
      %dma_wait3A_160 = tpu.memref_squeeze %dma_wait3A_159 : memref<1x4096xf32, #tpu.memory_space<hbm>> -> memref<4096xf32, #tpu.memory_space<hbm>>
      tpu.wait_dma2 semaphore(%run_scoped3A : memref<!tpu.dma_semaphore, #tpu.memory_space<semaphore_mem>>) src(%arg7 : memref<4096xf32, #tpu.memory_space<vmem>>) dst(%dma_wait3A_160 : memref<4096xf32, #tpu.memory_space<hbm>>)
      tpu.yield
    }) : () -> ()
    %mul3A_111 = arith.constant 65536 : i32
    %mul3A_112 = arith.muli %arg1, %mul3A_111 : i32
    %add3A_113 = arith.constant 20480 : i32
    %add3A_114 = arith.addi %mul3A_112, %add3A_113 : i32
    "tpu.region"() ({
      %run_scoped3A = tpu.sem_alloc : memref<!tpu.dma_semaphore, #tpu.memory_space<semaphore_mem>>
      %dma_start3A = tpu.memref_slice %arg8[%add3A_114] : memref<1048576xf32, #tpu.memory_space<vmem_shared>> -> memref<4096xf32, #tpu.memory_space<vmem_shared>>
      %dma_start3A_155 = tpu.memref_slice %arg8[%add3A_114] : memref<1048576xf32, #tpu.memory_space<vmem_shared>> -> memref<4096xf32, #tpu.memory_space<vmem_shared>>
      tpu.enqueue_dma source(%dma_start3A_155 : memref<4096xf32, #tpu.memory_space<vmem_shared>>) target(%arg7 : memref<4096xf32, #tpu.memory_space<vmem>>) target_semaphore(%run_scoped3A : memref<!tpu.dma_semaphore, #tpu.memory_space<semaphore_mem>>)
      %dma_wait3A = tpu.memref_slice %arg8[%add3A_114] : memref<1048576xf32, #tpu.memory_space<vmem_shared>> -> memref<4096xf32, #tpu.memory_space<vmem_shared>>
      %dma_wait3A_156 = tpu.memref_slice %arg8[%add3A_114] : memref<1048576xf32, #tpu.memory_space<vmem_shared>> -> memref<4096xf32, #tpu.memory_space<vmem_shared>>
      tpu.wait_dma2 semaphore(%run_scoped3A : memref<!tpu.dma_semaphore, #tpu.memory_space<semaphore_mem>>) src(%dma_wait3A_156 : memref<4096xf32, #tpu.memory_space<vmem_shared>>) dst(%arg7 : memref<4096xf32, #tpu.memory_space<vmem>>)
      tpu.yield
    }) : () -> ()
    "tpu.region"() ({
      %run_scoped3A = tpu.sem_alloc : memref<!tpu.dma_semaphore, #tpu.memory_space<semaphore_mem>>
      %dma_start3A = tpu.memref_slice %arg3[%arg0, %add3A_114] : memref<2x1048576xf32, #tpu.memory_space<hbm>> -> memref<1x4096xf32, #tpu.memory_space<hbm>>
      %dma_start3A_155 = tpu.memref_squeeze %dma_start3A : memref<1x4096xf32, #tpu.memory_space<hbm>> -> memref<4096xf32, #tpu.memory_space<hbm>>
      %dma_start3A_156 = tpu.memref_slice %arg3[%arg0, %add3A_114] : memref<2x1048576xf32, #tpu.memory_space<hbm>> -> memref<1x4096xf32, #tpu.memory_space<hbm>>
      %dma_start3A_157 = tpu.memref_squeeze %dma_start3A_156 : memref<1x4096xf32, #tpu.memory_space<hbm>> -> memref<4096xf32, #tpu.memory_space<hbm>>
      tpu.enqueue_dma source(%arg7 : memref<4096xf32, #tpu.memory_space<vmem>>) target(%dma_start3A_157 : memref<4096xf32, #tpu.memory_space<hbm>>) target_semaphore(%run_scoped3A : memref<!tpu.dma_semaphore, #tpu.memory_space<semaphore_mem>>)
      %dma_wait3A = tpu.memref_slice %arg3[%arg0, %add3A_114] : memref<2x1048576xf32, #tpu.memory_space<hbm>> -> memref<1x4096xf32, #tpu.memory_space<hbm>>
      %dma_wait3A_158 = tpu.memref_squeeze %dma_wait3A : memref<1x4096xf32, #tpu.memory_space<hbm>> -> memref<4096xf32, #tpu.memory_space<hbm>>
      %dma_wait3A_159 = tpu.memref_slice %arg3[%arg0, %add3A_114] : memref<2x1048576xf32, #tpu.memory_space<hbm>> -> memref<1x4096xf32, #tpu.memory_space<hbm>>
      %dma_wait3A_160 = tpu.memref_squeeze %dma_wait3A_159 : memref<1x4096xf32, #tpu.memory_space<hbm>> -> memref<4096xf32, #tpu.memory_space<hbm>>
      tpu.wait_dma2 semaphore(%run_scoped3A : memref<!tpu.dma_semaphore, #tpu.memory_space<semaphore_mem>>) src(%arg7 : memref<4096xf32, #tpu.memory_space<vmem>>) dst(%dma_wait3A_160 : memref<4096xf32, #tpu.memory_space<hbm>>)
      tpu.yield
    }) : () -> ()
    %mul3A_115 = arith.constant 65536 : i32
    %mul3A_116 = arith.muli %arg1, %mul3A_115 : i32
    %add3A_117 = arith.constant 24576 : i32
    %add3A_118 = arith.addi %mul3A_116, %add3A_117 : i32
    "tpu.region"() ({
      %run_scoped3A = tpu.sem_alloc : memref<!tpu.dma_semaphore, #tpu.memory_space<semaphore_mem>>
      %dma_start3A = tpu.memref_slice %arg8[%add3A_118] : memref<1048576xf32, #tpu.memory_space<vmem_shared>> -> memref<4096xf32, #tpu.memory_space<vmem_shared>>
      %dma_start3A_155 = tpu.memref_slice %arg8[%add3A_118] : memref<1048576xf32, #tpu.memory_space<vmem_shared>> -> memref<4096xf32, #tpu.memory_space<vmem_shared>>
      tpu.enqueue_dma source(%dma_start3A_155 : memref<4096xf32, #tpu.memory_space<vmem_shared>>) target(%arg7 : memref<4096xf32, #tpu.memory_space<vmem>>) target_semaphore(%run_scoped3A : memref<!tpu.dma_semaphore, #tpu.memory_space<semaphore_mem>>)
      %dma_wait3A = tpu.memref_slice %arg8[%add3A_118] : memref<1048576xf32, #tpu.memory_space<vmem_shared>> -> memref<4096xf32, #tpu.memory_space<vmem_shared>>
      %dma_wait3A_156 = tpu.memref_slice %arg8[%add3A_118] : memref<1048576xf32, #tpu.memory_space<vmem_shared>> -> memref<4096xf32, #tpu.memory_space<vmem_shared>>
      tpu.wait_dma2 semaphore(%run_scoped3A : memref<!tpu.dma_semaphore, #tpu.memory_space<semaphore_mem>>) src(%dma_wait3A_156 : memref<4096xf32, #tpu.memory_space<vmem_shared>>) dst(%arg7 : memref<4096xf32, #tpu.memory_space<vmem>>)
      tpu.yield
    }) : () -> ()
    "tpu.region"() ({
      %run_scoped3A = tpu.sem_alloc : memref<!tpu.dma_semaphore, #tpu.memory_space<semaphore_mem>>
      %dma_start3A = tpu.memref_slice %arg3[%arg0, %add3A_118] : memref<2x1048576xf32, #tpu.memory_space<hbm>> -> memref<1x4096xf32, #tpu.memory_space<hbm>>
      %dma_start3A_155 = tpu.memref_squeeze %dma_start3A : memref<1x4096xf32, #tpu.memory_space<hbm>> -> memref<4096xf32, #tpu.memory_space<hbm>>
      %dma_start3A_156 = tpu.memref_slice %arg3[%arg0, %add3A_118] : memref<2x1048576xf32, #tpu.memory_space<hbm>> -> memref<1x4096xf32, #tpu.memory_space<hbm>>
      %dma_start3A_157 = tpu.memref_squeeze %dma_start3A_156 : memref<1x4096xf32, #tpu.memory_space<hbm>> -> memref<4096xf32, #tpu.memory_space<hbm>>
      tpu.enqueue_dma source(%arg7 : memref<4096xf32, #tpu.memory_space<vmem>>) target(%dma_start3A_157 : memref<4096xf32, #tpu.memory_space<hbm>>) target_semaphore(%run_scoped3A : memref<!tpu.dma_semaphore, #tpu.memory_space<semaphore_mem>>)
      %dma_wait3A = tpu.memref_slice %arg3[%arg0, %add3A_118] : memref<2x1048576xf32, #tpu.memory_space<hbm>> -> memref<1x4096xf32, #tpu.memory_space<hbm>>
      %dma_wait3A_158 = tpu.memref_squeeze %dma_wait3A : memref<1x4096xf32, #tpu.memory_space<hbm>> -> memref<4096xf32, #tpu.memory_space<hbm>>
      %dma_wait3A_159 = tpu.memref_slice %arg3[%arg0, %add3A_118] : memref<2x1048576xf32, #tpu.memory_space<hbm>> -> memref<1x4096xf32, #tpu.memory_space<hbm>>
      %dma_wait3A_160 = tpu.memref_squeeze %dma_wait3A_159 : memref<1x4096xf32, #tpu.memory_space<hbm>> -> memref<4096xf32, #tpu.memory_space<hbm>>
      tpu.wait_dma2 semaphore(%run_scoped3A : memref<!tpu.dma_semaphore, #tpu.memory_space<semaphore_mem>>) src(%arg7 : memref<4096xf32, #tpu.memory_space<vmem>>) dst(%dma_wait3A_160 : memref<4096xf32, #tpu.memory_space<hbm>>)
      tpu.yield
    }) : () -> ()
    %mul3A_119 = arith.constant 65536 : i32
    %mul3A_120 = arith.muli %arg1, %mul3A_119 : i32
    %add3A_121 = arith.constant 28672 : i32
    %add3A_122 = arith.addi %mul3A_120, %add3A_121 : i32
    "tpu.region"() ({
      %run_scoped3A = tpu.sem_alloc : memref<!tpu.dma_semaphore, #tpu.memory_space<semaphore_mem>>
      %dma_start3A = tpu.memref_slice %arg8[%add3A_122] : memref<1048576xf32, #tpu.memory_space<vmem_shared>> -> memref<4096xf32, #tpu.memory_space<vmem_shared>>
      %dma_start3A_155 = tpu.memref_slice %arg8[%add3A_122] : memref<1048576xf32, #tpu.memory_space<vmem_shared>> -> memref<4096xf32, #tpu.memory_space<vmem_shared>>
      tpu.enqueue_dma source(%dma_start3A_155 : memref<4096xf32, #tpu.memory_space<vmem_shared>>) target(%arg7 : memref<4096xf32, #tpu.memory_space<vmem>>) target_semaphore(%run_scoped3A : memref<!tpu.dma_semaphore, #tpu.memory_space<semaphore_mem>>)
      %dma_wait3A = tpu.memref_slice %arg8[%add3A_122] : memref<1048576xf32, #tpu.memory_space<vmem_shared>> -> memref<4096xf32, #tpu.memory_space<vmem_shared>>
      %dma_wait3A_156 = tpu.memref_slice %arg8[%add3A_122] : memref<1048576xf32, #tpu.memory_space<vmem_shared>> -> memref<4096xf32, #tpu.memory_space<vmem_shared>>
      tpu.wait_dma2 semaphore(%run_scoped3A : memref<!tpu.dma_semaphore, #tpu.memory_space<semaphore_mem>>) src(%dma_wait3A_156 : memref<4096xf32, #tpu.memory_space<vmem_shared>>) dst(%arg7 : memref<4096xf32, #tpu.memory_space<vmem>>)
      tpu.yield
    }) : () -> ()
    "tpu.region"() ({
      %run_scoped3A = tpu.sem_alloc : memref<!tpu.dma_semaphore, #tpu.memory_space<semaphore_mem>>
      %dma_start3A = tpu.memref_slice %arg3[%arg0, %add3A_122] : memref<2x1048576xf32, #tpu.memory_space<hbm>> -> memref<1x4096xf32, #tpu.memory_space<hbm>>
      %dma_start3A_155 = tpu.memref_squeeze %dma_start3A : memref<1x4096xf32, #tpu.memory_space<hbm>> -> memref<4096xf32, #tpu.memory_space<hbm>>
      %dma_start3A_156 = tpu.memref_slice %arg3[%arg0, %add3A_122] : memref<2x1048576xf32, #tpu.memory_space<hbm>> -> memref<1x4096xf32, #tpu.memory_space<hbm>>
      %dma_start3A_157 = tpu.memref_squeeze %dma_start3A_156 : memref<1x4096xf32, #tpu.memory_space<hbm>> -> memref<4096xf32, #tpu.memory_space<hbm>>
      tpu.enqueue_dma source(%arg7 : memref<4096xf32, #tpu.memory_space<vmem>>) target(%dma_start3A_157 : memref<4096xf32, #tpu.memory_space<hbm>>) target_semaphore(%run_scoped3A : memref<!tpu.dma_semaphore, #tpu.memory_space<semaphore_mem>>)
      %dma_wait3A = tpu.memref_slice %arg3[%arg0, %add3A_122] : memref<2x1048576xf32, #tpu.memory_space<hbm>> -> memref<1x4096xf32, #tpu.memory_space<hbm>>
      %dma_wait3A_158 = tpu.memref_squeeze %dma_wait3A : memref<1x4096xf32, #tpu.memory_space<hbm>> -> memref<4096xf32, #tpu.memory_space<hbm>>
      %dma_wait3A_159 = tpu.memref_slice %arg3[%arg0, %add3A_122] : memref<2x1048576xf32, #tpu.memory_space<hbm>> -> memref<1x4096xf32, #tpu.memory_space<hbm>>
      %dma_wait3A_160 = tpu.memref_squeeze %dma_wait3A_159 : memref<1x4096xf32, #tpu.memory_space<hbm>> -> memref<4096xf32, #tpu.memory_space<hbm>>
      tpu.wait_dma2 semaphore(%run_scoped3A : memref<!tpu.dma_semaphore, #tpu.memory_space<semaphore_mem>>) src(%arg7 : memref<4096xf32, #tpu.memory_space<vmem>>) dst(%dma_wait3A_160 : memref<4096xf32, #tpu.memory_space<hbm>>)
      tpu.yield
    }) : () -> ()
    %mul3A_123 = arith.constant 65536 : i32
    %mul3A_124 = arith.muli %arg1, %mul3A_123 : i32
    %add3A_125 = arith.constant 32768 : i32
    %add3A_126 = arith.addi %mul3A_124, %add3A_125 : i32
    "tpu.region"() ({
      %run_scoped3A = tpu.sem_alloc : memref<!tpu.dma_semaphore, #tpu.memory_space<semaphore_mem>>
      %dma_start3A = tpu.memref_slice %arg8[%add3A_126] : memref<1048576xf32, #tpu.memory_space<vmem_shared>> -> memref<4096xf32, #tpu.memory_space<vmem_shared>>
      %dma_start3A_155 = tpu.memref_slice %arg8[%add3A_126] : memref<1048576xf32, #tpu.memory_space<vmem_shared>> -> memref<4096xf32, #tpu.memory_space<vmem_shared>>
      tpu.enqueue_dma source(%dma_start3A_155 : memref<4096xf32, #tpu.memory_space<vmem_shared>>) target(%arg7 : memref<4096xf32, #tpu.memory_space<vmem>>) target_semaphore(%run_scoped3A : memref<!tpu.dma_semaphore, #tpu.memory_space<semaphore_mem>>)
      %dma_wait3A = tpu.memref_slice %arg8[%add3A_126] : memref<1048576xf32, #tpu.memory_space<vmem_shared>> -> memref<4096xf32, #tpu.memory_space<vmem_shared>>
      %dma_wait3A_156 = tpu.memref_slice %arg8[%add3A_126] : memref<1048576xf32, #tpu.memory_space<vmem_shared>> -> memref<4096xf32, #tpu.memory_space<vmem_shared>>
      tpu.wait_dma2 semaphore(%run_scoped3A : memref<!tpu.dma_semaphore, #tpu.memory_space<semaphore_mem>>) src(%dma_wait3A_156 : memref<4096xf32, #tpu.memory_space<vmem_shared>>) dst(%arg7 : memref<4096xf32, #tpu.memory_space<vmem>>)
      tpu.yield
    }) : () -> ()
    "tpu.region"() ({
      %run_scoped3A = tpu.sem_alloc : memref<!tpu.dma_semaphore, #tpu.memory_space<semaphore_mem>>
      %dma_start3A = tpu.memref_slice %arg3[%arg0, %add3A_126] : memref<2x1048576xf32, #tpu.memory_space<hbm>> -> memref<1x4096xf32, #tpu.memory_space<hbm>>
      %dma_start3A_155 = tpu.memref_squeeze %dma_start3A : memref<1x4096xf32, #tpu.memory_space<hbm>> -> memref<4096xf32, #tpu.memory_space<hbm>>
      %dma_start3A_156 = tpu.memref_slice %arg3[%arg0, %add3A_126] : memref<2x1048576xf32, #tpu.memory_space<hbm>> -> memref<1x4096xf32, #tpu.memory_space<hbm>>
      %dma_start3A_157 = tpu.memref_squeeze %dma_start3A_156 : memref<1x4096xf32, #tpu.memory_space<hbm>> -> memref<4096xf32, #tpu.memory_space<hbm>>
      tpu.enqueue_dma source(%arg7 : memref<4096xf32, #tpu.memory_space<vmem>>) target(%dma_start3A_157 : memref<4096xf32, #tpu.memory_space<hbm>>) target_semaphore(%run_scoped3A : memref<!tpu.dma_semaphore, #tpu.memory_space<semaphore_mem>>)
      %dma_wait3A = tpu.memref_slice %arg3[%arg0, %add3A_126] : memref<2x1048576xf32, #tpu.memory_space<hbm>> -> memref<1x4096xf32, #tpu.memory_space<hbm>>
      %dma_wait3A_158 = tpu.memref_squeeze %dma_wait3A : memref<1x4096xf32, #tpu.memory_space<hbm>> -> memref<4096xf32, #tpu.memory_space<hbm>>
      %dma_wait3A_159 = tpu.memref_slice %arg3[%arg0, %add3A_126] : memref<2x1048576xf32, #tpu.memory_space<hbm>> -> memref<1x4096xf32, #tpu.memory_space<hbm>>
      %dma_wait3A_160 = tpu.memref_squeeze %dma_wait3A_159 : memref<1x4096xf32, #tpu.memory_space<hbm>> -> memref<4096xf32, #tpu.memory_space<hbm>>
      tpu.wait_dma2 semaphore(%run_scoped3A : memref<!tpu.dma_semaphore, #tpu.memory_space<semaphore_mem>>) src(%arg7 : memref<4096xf32, #tpu.memory_space<vmem>>) dst(%dma_wait3A_160 : memref<4096xf32, #tpu.memory_space<hbm>>)
      tpu.yield
    }) : () -> ()
    %mul3A_127 = arith.constant 65536 : i32
    %mul3A_128 = arith.muli %arg1, %mul3A_127 : i32
    %add3A_129 = arith.constant 36864 : i32
    %add3A_130 = arith.addi %mul3A_128, %add3A_129 : i32
    "tpu.region"() ({
      %run_scoped3A = tpu.sem_alloc : memref<!tpu.dma_semaphore, #tpu.memory_space<semaphore_mem>>
      %dma_start3A = tpu.memref_slice %arg8[%add3A_130] : memref<1048576xf32, #tpu.memory_space<vmem_shared>> -> memref<4096xf32, #tpu.memory_space<vmem_shared>>
      %dma_start3A_155 = tpu.memref_slice %arg8[%add3A_130] : memref<1048576xf32, #tpu.memory_space<vmem_shared>> -> memref<4096xf32, #tpu.memory_space<vmem_shared>>
      tpu.enqueue_dma source(%dma_start3A_155 : memref<4096xf32, #tpu.memory_space<vmem_shared>>) target(%arg7 : memref<4096xf32, #tpu.memory_space<vmem>>) target_semaphore(%run_scoped3A : memref<!tpu.dma_semaphore, #tpu.memory_space<semaphore_mem>>)
      %dma_wait3A = tpu.memref_slice %arg8[%add3A_130] : memref<1048576xf32, #tpu.memory_space<vmem_shared>> -> memref<4096xf32, #tpu.memory_space<vmem_shared>>
      %dma_wait3A_156 = tpu.memref_slice %arg8[%add3A_130] : memref<1048576xf32, #tpu.memory_space<vmem_shared>> -> memref<4096xf32, #tpu.memory_space<vmem_shared>>
      tpu.wait_dma2 semaphore(%run_scoped3A : memref<!tpu.dma_semaphore, #tpu.memory_space<semaphore_mem>>) src(%dma_wait3A_156 : memref<4096xf32, #tpu.memory_space<vmem_shared>>) dst(%arg7 : memref<4096xf32, #tpu.memory_space<vmem>>)
      tpu.yield
    }) : () -> ()
    "tpu.region"() ({
      %run_scoped3A = tpu.sem_alloc : memref<!tpu.dma_semaphore, #tpu.memory_space<semaphore_mem>>
      %dma_start3A = tpu.memref_slice %arg3[%arg0, %add3A_130] : memref<2x1048576xf32, #tpu.memory_space<hbm>> -> memref<1x4096xf32, #tpu.memory_space<hbm>>
      %dma_start3A_155 = tpu.memref_squeeze %dma_start3A : memref<1x4096xf32, #tpu.memory_space<hbm>> -> memref<4096xf32, #tpu.memory_space<hbm>>
      %dma_start3A_156 = tpu.memref_slice %arg3[%arg0, %add3A_130] : memref<2x1048576xf32, #tpu.memory_space<hbm>> -> memref<1x4096xf32, #tpu.memory_space<hbm>>
      %dma_start3A_157 = tpu.memref_squeeze %dma_start3A_156 : memref<1x4096xf32, #tpu.memory_space<hbm>> -> memref<4096xf32, #tpu.memory_space<hbm>>
      tpu.enqueue_dma source(%arg7 : memref<4096xf32, #tpu.memory_space<vmem>>) target(%dma_start3A_157 : memref<4096xf32, #tpu.memory_space<hbm>>) target_semaphore(%run_scoped3A : memref<!tpu.dma_semaphore, #tpu.memory_space<semaphore_mem>>)
      %dma_wait3A = tpu.memref_slice %arg3[%arg0, %add3A_130] : memref<2x1048576xf32, #tpu.memory_space<hbm>> -> memref<1x4096xf32, #tpu.memory_space<hbm>>
      %dma_wait3A_158 = tpu.memref_squeeze %dma_wait3A : memref<1x4096xf32, #tpu.memory_space<hbm>> -> memref<4096xf32, #tpu.memory_space<hbm>>
      %dma_wait3A_159 = tpu.memref_slice %arg3[%arg0, %add3A_130] : memref<2x1048576xf32, #tpu.memory_space<hbm>> -> memref<1x4096xf32, #tpu.memory_space<hbm>>
      %dma_wait3A_160 = tpu.memref_squeeze %dma_wait3A_159 : memref<1x4096xf32, #tpu.memory_space<hbm>> -> memref<4096xf32, #tpu.memory_space<hbm>>
      tpu.wait_dma2 semaphore(%run_scoped3A : memref<!tpu.dma_semaphore, #tpu.memory_space<semaphore_mem>>) src(%arg7 : memref<4096xf32, #tpu.memory_space<vmem>>) dst(%dma_wait3A_160 : memref<4096xf32, #tpu.memory_space<hbm>>)
      tpu.yield
    }) : () -> ()
    %mul3A_131 = arith.constant 65536 : i32
    %mul3A_132 = arith.muli %arg1, %mul3A_131 : i32
    %add3A_133 = arith.constant 40960 : i32
    %add3A_134 = arith.addi %mul3A_132, %add3A_133 : i32
    "tpu.region"() ({
      %run_scoped3A = tpu.sem_alloc : memref<!tpu.dma_semaphore, #tpu.memory_space<semaphore_mem>>
      %dma_start3A = tpu.memref_slice %arg8[%add3A_134] : memref<1048576xf32, #tpu.memory_space<vmem_shared>> -> memref<4096xf32, #tpu.memory_space<vmem_shared>>
      %dma_start3A_155 = tpu.memref_slice %arg8[%add3A_134] : memref<1048576xf32, #tpu.memory_space<vmem_shared>> -> memref<4096xf32, #tpu.memory_space<vmem_shared>>
      tpu.enqueue_dma source(%dma_start3A_155 : memref<4096xf32, #tpu.memory_space<vmem_shared>>) target(%arg7 : memref<4096xf32, #tpu.memory_space<vmem>>) target_semaphore(%run_scoped3A : memref<!tpu.dma_semaphore, #tpu.memory_space<semaphore_mem>>)
      %dma_wait3A = tpu.memref_slice %arg8[%add3A_134] : memref<1048576xf32, #tpu.memory_space<vmem_shared>> -> memref<4096xf32, #tpu.memory_space<vmem_shared>>
      %dma_wait3A_156 = tpu.memref_slice %arg8[%add3A_134] : memref<1048576xf32, #tpu.memory_space<vmem_shared>> -> memref<4096xf32, #tpu.memory_space<vmem_shared>>
      tpu.wait_dma2 semaphore(%run_scoped3A : memref<!tpu.dma_semaphore, #tpu.memory_space<semaphore_mem>>) src(%dma_wait3A_156 : memref<4096xf32, #tpu.memory_space<vmem_shared>>) dst(%arg7 : memref<4096xf32, #tpu.memory_space<vmem>>)
      tpu.yield
    }) : () -> ()
    "tpu.region"() ({
      %run_scoped3A = tpu.sem_alloc : memref<!tpu.dma_semaphore, #tpu.memory_space<semaphore_mem>>
      %dma_start3A = tpu.memref_slice %arg3[%arg0, %add3A_134] : memref<2x1048576xf32, #tpu.memory_space<hbm>> -> memref<1x4096xf32, #tpu.memory_space<hbm>>
      %dma_start3A_155 = tpu.memref_squeeze %dma_start3A : memref<1x4096xf32, #tpu.memory_space<hbm>> -> memref<4096xf32, #tpu.memory_space<hbm>>
      %dma_start3A_156 = tpu.memref_slice %arg3[%arg0, %add3A_134] : memref<2x1048576xf32, #tpu.memory_space<hbm>> -> memref<1x4096xf32, #tpu.memory_space<hbm>>
      %dma_start3A_157 = tpu.memref_squeeze %dma_start3A_156 : memref<1x4096xf32, #tpu.memory_space<hbm>> -> memref<4096xf32, #tpu.memory_space<hbm>>
      tpu.enqueue_dma source(%arg7 : memref<4096xf32, #tpu.memory_space<vmem>>) target(%dma_start3A_157 : memref<4096xf32, #tpu.memory_space<hbm>>) target_semaphore(%run_scoped3A : memref<!tpu.dma_semaphore, #tpu.memory_space<semaphore_mem>>)
      %dma_wait3A = tpu.memref_slice %arg3[%arg0, %add3A_134] : memref<2x1048576xf32, #tpu.memory_space<hbm>> -> memref<1x4096xf32, #tpu.memory_space<hbm>>
      %dma_wait3A_158 = tpu.memref_squeeze %dma_wait3A : memref<1x4096xf32, #tpu.memory_space<hbm>> -> memref<4096xf32, #tpu.memory_space<hbm>>
      %dma_wait3A_159 = tpu.memref_slice %arg3[%arg0, %add3A_134] : memref<2x1048576xf32, #tpu.memory_space<hbm>> -> memref<1x4096xf32, #tpu.memory_space<hbm>>
      %dma_wait3A_160 = tpu.memref_squeeze %dma_wait3A_159 : memref<1x4096xf32, #tpu.memory_space<hbm>> -> memref<4096xf32, #tpu.memory_space<hbm>>
      tpu.wait_dma2 semaphore(%run_scoped3A : memref<!tpu.dma_semaphore, #tpu.memory_space<semaphore_mem>>) src(%arg7 : memref<4096xf32, #tpu.memory_space<vmem>>) dst(%dma_wait3A_160 : memref<4096xf32, #tpu.memory_space<hbm>>)
      tpu.yield
    }) : () -> ()
    %mul3A_135 = arith.constant 65536 : i32
    %mul3A_136 = arith.muli %arg1, %mul3A_135 : i32
    %add3A_137 = arith.constant 45056 : i32
    %add3A_138 = arith.addi %mul3A_136, %add3A_137 : i32
    "tpu.region"() ({
      %run_scoped3A = tpu.sem_alloc : memref<!tpu.dma_semaphore, #tpu.memory_space<semaphore_mem>>
      %dma_start3A = tpu.memref_slice %arg8[%add3A_138] : memref<1048576xf32, #tpu.memory_space<vmem_shared>> -> memref<4096xf32, #tpu.memory_space<vmem_shared>>
      %dma_start3A_155 = tpu.memref_slice %arg8[%add3A_138] : memref<1048576xf32, #tpu.memory_space<vmem_shared>> -> memref<4096xf32, #tpu.memory_space<vmem_shared>>
      tpu.enqueue_dma source(%dma_start3A_155 : memref<4096xf32, #tpu.memory_space<vmem_shared>>) target(%arg7 : memref<4096xf32, #tpu.memory_space<vmem>>) target_semaphore(%run_scoped3A : memref<!tpu.dma_semaphore, #tpu.memory_space<semaphore_mem>>)
      %dma_wait3A = tpu.memref_slice %arg8[%add3A_138] : memref<1048576xf32, #tpu.memory_space<vmem_shared>> -> memref<4096xf32, #tpu.memory_space<vmem_shared>>
      %dma_wait3A_156 = tpu.memref_slice %arg8[%add3A_138] : memref<1048576xf32, #tpu.memory_space<vmem_shared>> -> memref<4096xf32, #tpu.memory_space<vmem_shared>>
      tpu.wait_dma2 semaphore(%run_scoped3A : memref<!tpu.dma_semaphore, #tpu.memory_space<semaphore_mem>>) src(%dma_wait3A_156 : memref<4096xf32, #tpu.memory_space<vmem_shared>>) dst(%arg7 : memref<4096xf32, #tpu.memory_space<vmem>>)
      tpu.yield
    }) : () -> ()
    "tpu.region"() ({
      %run_scoped3A = tpu.sem_alloc : memref<!tpu.dma_semaphore, #tpu.memory_space<semaphore_mem>>
      %dma_start3A = tpu.memref_slice %arg3[%arg0, %add3A_138] : memref<2x1048576xf32, #tpu.memory_space<hbm>> -> memref<1x4096xf32, #tpu.memory_space<hbm>>
      %dma_start3A_155 = tpu.memref_squeeze %dma_start3A : memref<1x4096xf32, #tpu.memory_space<hbm>> -> memref<4096xf32, #tpu.memory_space<hbm>>
      %dma_start3A_156 = tpu.memref_slice %arg3[%arg0, %add3A_138] : memref<2x1048576xf32, #tpu.memory_space<hbm>> -> memref<1x4096xf32, #tpu.memory_space<hbm>>
      %dma_start3A_157 = tpu.memref_squeeze %dma_start3A_156 : memref<1x4096xf32, #tpu.memory_space<hbm>> -> memref<4096xf32, #tpu.memory_space<hbm>>
      tpu.enqueue_dma source(%arg7 : memref<4096xf32, #tpu.memory_space<vmem>>) target(%dma_start3A_157 : memref<4096xf32, #tpu.memory_space<hbm>>) target_semaphore(%run_scoped3A : memref<!tpu.dma_semaphore, #tpu.memory_space<semaphore_mem>>)
      %dma_wait3A = tpu.memref_slice %arg3[%arg0, %add3A_138] : memref<2x1048576xf32, #tpu.memory_space<hbm>> -> memref<1x4096xf32, #tpu.memory_space<hbm>>
      %dma_wait3A_158 = tpu.memref_squeeze %dma_wait3A : memref<1x4096xf32, #tpu.memory_space<hbm>> -> memref<4096xf32, #tpu.memory_space<hbm>>
      %dma_wait3A_159 = tpu.memref_slice %arg3[%arg0, %add3A_138] : memref<2x1048576xf32, #tpu.memory_space<hbm>> -> memref<1x4096xf32, #tpu.memory_space<hbm>>
      %dma_wait3A_160 = tpu.memref_squeeze %dma_wait3A_159 : memref<1x4096xf32, #tpu.memory_space<hbm>> -> memref<4096xf32, #tpu.memory_space<hbm>>
      tpu.wait_dma2 semaphore(%run_scoped3A : memref<!tpu.dma_semaphore, #tpu.memory_space<semaphore_mem>>) src(%arg7 : memref<4096xf32, #tpu.memory_space<vmem>>) dst(%dma_wait3A_160 : memref<4096xf32, #tpu.memory_space<hbm>>)
      tpu.yield
    }) : () -> ()
    %mul3A_139 = arith.constant 65536 : i32
    %mul3A_140 = arith.muli %arg1, %mul3A_139 : i32
    %add3A_141 = arith.constant 49152 : i32
    %add3A_142 = arith.addi %mul3A_140, %add3A_141 : i32
    "tpu.region"() ({
      %run_scoped3A = tpu.sem_alloc : memref<!tpu.dma_semaphore, #tpu.memory_space<semaphore_mem>>
      %dma_start3A = tpu.memref_slice %arg8[%add3A_142] : memref<1048576xf32, #tpu.memory_space<vmem_shared>> -> memref<4096xf32, #tpu.memory_space<vmem_shared>>
      %dma_start3A_155 = tpu.memref_slice %arg8[%add3A_142] : memref<1048576xf32, #tpu.memory_space<vmem_shared>> -> memref<4096xf32, #tpu.memory_space<vmem_shared>>
      tpu.enqueue_dma source(%dma_start3A_155 : memref<4096xf32, #tpu.memory_space<vmem_shared>>) target(%arg7 : memref<4096xf32, #tpu.memory_space<vmem>>) target_semaphore(%run_scoped3A : memref<!tpu.dma_semaphore, #tpu.memory_space<semaphore_mem>>)
      %dma_wait3A = tpu.memref_slice %arg8[%add3A_142] : memref<1048576xf32, #tpu.memory_space<vmem_shared>> -> memref<4096xf32, #tpu.memory_space<vmem_shared>>
      %dma_wait3A_156 = tpu.memref_slice %arg8[%add3A_142] : memref<1048576xf32, #tpu.memory_space<vmem_shared>> -> memref<4096xf32, #tpu.memory_space<vmem_shared>>
      tpu.wait_dma2 semaphore(%run_scoped3A : memref<!tpu.dma_semaphore, #tpu.memory_space<semaphore_mem>>) src(%dma_wait3A_156 : memref<4096xf32, #tpu.memory_space<vmem_shared>>) dst(%arg7 : memref<4096xf32, #tpu.memory_space<vmem>>)
      tpu.yield
    }) : () -> ()
    "tpu.region"() ({
      %run_scoped3A = tpu.sem_alloc : memref<!tpu.dma_semaphore, #tpu.memory_space<semaphore_mem>>
      %dma_start3A = tpu.memref_slice %arg3[%arg0, %add3A_142] : memref<2x1048576xf32, #tpu.memory_space<hbm>> -> memref<1x4096xf32, #tpu.memory_space<hbm>>
      %dma_start3A_155 = tpu.memref_squeeze %dma_start3A : memref<1x4096xf32, #tpu.memory_space<hbm>> -> memref<4096xf32, #tpu.memory_space<hbm>>
      %dma_start3A_156 = tpu.memref_slice %arg3[%arg0, %add3A_142] : memref<2x1048576xf32, #tpu.memory_space<hbm>> -> memref<1x4096xf32, #tpu.memory_space<hbm>>
      %dma_start3A_157 = tpu.memref_squeeze %dma_start3A_156 : memref<1x4096xf32, #tpu.memory_space<hbm>> -> memref<4096xf32, #tpu.memory_space<hbm>>
      tpu.enqueue_dma source(%arg7 : memref<4096xf32, #tpu.memory_space<vmem>>) target(%dma_start3A_157 : memref<4096xf32, #tpu.memory_space<hbm>>) target_semaphore(%run_scoped3A : memref<!tpu.dma_semaphore, #tpu.memory_space<semaphore_mem>>)
      %dma_wait3A = tpu.memref_slice %arg3[%arg0, %add3A_142] : memref<2x1048576xf32, #tpu.memory_space<hbm>> -> memref<1x4096xf32, #tpu.memory_space<hbm>>
      %dma_wait3A_158 = tpu.memref_squeeze %dma_wait3A : memref<1x4096xf32, #tpu.memory_space<hbm>> -> memref<4096xf32, #tpu.memory_space<hbm>>
      %dma_wait3A_159 = tpu.memref_slice %arg3[%arg0, %add3A_142] : memref<2x1048576xf32, #tpu.memory_space<hbm>> -> memref<1x4096xf32, #tpu.memory_space<hbm>>
      %dma_wait3A_160 = tpu.memref_squeeze %dma_wait3A_159 : memref<1x4096xf32, #tpu.memory_space<hbm>> -> memref<4096xf32, #tpu.memory_space<hbm>>
      tpu.wait_dma2 semaphore(%run_scoped3A : memref<!tpu.dma_semaphore, #tpu.memory_space<semaphore_mem>>) src(%arg7 : memref<4096xf32, #tpu.memory_space<vmem>>) dst(%dma_wait3A_160 : memref<4096xf32, #tpu.memory_space<hbm>>)
      tpu.yield
    }) : () -> ()
    %mul3A_143 = arith.constant 65536 : i32
    %mul3A_144 = arith.muli %arg1, %mul3A_143 : i32
    %add3A_145 = arith.constant 53248 : i32
    %add3A_146 = arith.addi %mul3A_144, %add3A_145 : i32
    "tpu.region"() ({
      %run_scoped3A = tpu.sem_alloc : memref<!tpu.dma_semaphore, #tpu.memory_space<semaphore_mem>>
      %dma_start3A = tpu.memref_slice %arg8[%add3A_146] : memref<1048576xf32, #tpu.memory_space<vmem_shared>> -> memref<4096xf32, #tpu.memory_space<vmem_shared>>
      %dma_start3A_155 = tpu.memref_slice %arg8[%add3A_146] : memref<1048576xf32, #tpu.memory_space<vmem_shared>> -> memref<4096xf32, #tpu.memory_space<vmem_shared>>
      tpu.enqueue_dma source(%dma_start3A_155 : memref<4096xf32, #tpu.memory_space<vmem_shared>>) target(%arg7 : memref<4096xf32, #tpu.memory_space<vmem>>) target_semaphore(%run_scoped3A : memref<!tpu.dma_semaphore, #tpu.memory_space<semaphore_mem>>)
      %dma_wait3A = tpu.memref_slice %arg8[%add3A_146] : memref<1048576xf32, #tpu.memory_space<vmem_shared>> -> memref<4096xf32, #tpu.memory_space<vmem_shared>>
      %dma_wait3A_156 = tpu.memref_slice %arg8[%add3A_146] : memref<1048576xf32, #tpu.memory_space<vmem_shared>> -> memref<4096xf32, #tpu.memory_space<vmem_shared>>
      tpu.wait_dma2 semaphore(%run_scoped3A : memref<!tpu.dma_semaphore, #tpu.memory_space<semaphore_mem>>) src(%dma_wait3A_156 : memref<4096xf32, #tpu.memory_space<vmem_shared>>) dst(%arg7 : memref<4096xf32, #tpu.memory_space<vmem>>)
      tpu.yield
    }) : () -> ()
    "tpu.region"() ({
      %run_scoped3A = tpu.sem_alloc : memref<!tpu.dma_semaphore, #tpu.memory_space<semaphore_mem>>
      %dma_start3A = tpu.memref_slice %arg3[%arg0, %add3A_146] : memref<2x1048576xf32, #tpu.memory_space<hbm>> -> memref<1x4096xf32, #tpu.memory_space<hbm>>
      %dma_start3A_155 = tpu.memref_squeeze %dma_start3A : memref<1x4096xf32, #tpu.memory_space<hbm>> -> memref<4096xf32, #tpu.memory_space<hbm>>
      %dma_start3A_156 = tpu.memref_slice %arg3[%arg0, %add3A_146] : memref<2x1048576xf32, #tpu.memory_space<hbm>> -> memref<1x4096xf32, #tpu.memory_space<hbm>>
      %dma_start3A_157 = tpu.memref_squeeze %dma_start3A_156 : memref<1x4096xf32, #tpu.memory_space<hbm>> -> memref<4096xf32, #tpu.memory_space<hbm>>
      tpu.enqueue_dma source(%arg7 : memref<4096xf32, #tpu.memory_space<vmem>>) target(%dma_start3A_157 : memref<4096xf32, #tpu.memory_space<hbm>>) target_semaphore(%run_scoped3A : memref<!tpu.dma_semaphore, #tpu.memory_space<semaphore_mem>>)
      %dma_wait3A = tpu.memref_slice %arg3[%arg0, %add3A_146] : memref<2x1048576xf32, #tpu.memory_space<hbm>> -> memref<1x4096xf32, #tpu.memory_space<hbm>>
      %dma_wait3A_158 = tpu.memref_squeeze %dma_wait3A : memref<1x4096xf32, #tpu.memory_space<hbm>> -> memref<4096xf32, #tpu.memory_space<hbm>>
      %dma_wait3A_159 = tpu.memref_slice %arg3[%arg0, %add3A_146] : memref<2x1048576xf32, #tpu.memory_space<hbm>> -> memref<1x4096xf32, #tpu.memory_space<hbm>>
      %dma_wait3A_160 = tpu.memref_squeeze %dma_wait3A_159 : memref<1x4096xf32, #tpu.memory_space<hbm>> -> memref<4096xf32, #tpu.memory_space<hbm>>
      tpu.wait_dma2 semaphore(%run_scoped3A : memref<!tpu.dma_semaphore, #tpu.memory_space<semaphore_mem>>) src(%arg7 : memref<4096xf32, #tpu.memory_space<vmem>>) dst(%dma_wait3A_160 : memref<4096xf32, #tpu.memory_space<hbm>>)
      tpu.yield
    }) : () -> ()
    %mul3A_147 = arith.constant 65536 : i32
    %mul3A_148 = arith.muli %arg1, %mul3A_147 : i32
    %add3A_149 = arith.constant 57344 : i32
    %add3A_150 = arith.addi %mul3A_148, %add3A_149 : i32
    "tpu.region"() ({
      %run_scoped3A = tpu.sem_alloc : memref<!tpu.dma_semaphore, #tpu.memory_space<semaphore_mem>>
      %dma_start3A = tpu.memref_slice %arg8[%add3A_150] : memref<1048576xf32, #tpu.memory_space<vmem_shared>> -> memref<4096xf32, #tpu.memory_space<vmem_shared>>
      %dma_start3A_155 = tpu.memref_slice %arg8[%add3A_150] : memref<1048576xf32, #tpu.memory_space<vmem_shared>> -> memref<4096xf32, #tpu.memory_space<vmem_shared>>
      tpu.enqueue_dma source(%dma_start3A_155 : memref<4096xf32, #tpu.memory_space<vmem_shared>>) target(%arg7 : memref<4096xf32, #tpu.memory_space<vmem>>) target_semaphore(%run_scoped3A : memref<!tpu.dma_semaphore, #tpu.memory_space<semaphore_mem>>)
      %dma_wait3A = tpu.memref_slice %arg8[%add3A_150] : memref<1048576xf32, #tpu.memory_space<vmem_shared>> -> memref<4096xf32, #tpu.memory_space<vmem_shared>>
      %dma_wait3A_156 = tpu.memref_slice %arg8[%add3A_150] : memref<1048576xf32, #tpu.memory_space<vmem_shared>> -> memref<4096xf32, #tpu.memory_space<vmem_shared>>
      tpu.wait_dma2 semaphore(%run_scoped3A : memref<!tpu.dma_semaphore, #tpu.memory_space<semaphore_mem>>) src(%dma_wait3A_156 : memref<4096xf32, #tpu.memory_space<vmem_shared>>) dst(%arg7 : memref<4096xf32, #tpu.memory_space<vmem>>)
      tpu.yield
    }) : () -> ()
    "tpu.region"() ({
      %run_scoped3A = tpu.sem_alloc : memref<!tpu.dma_semaphore, #tpu.memory_space<semaphore_mem>>
      %dma_start3A = tpu.memref_slice %arg3[%arg0, %add3A_150] : memref<2x1048576xf32, #tpu.memory_space<hbm>> -> memref<1x4096xf32, #tpu.memory_space<hbm>>
      %dma_start3A_155 = tpu.memref_squeeze %dma_start3A : memref<1x4096xf32, #tpu.memory_space<hbm>> -> memref<4096xf32, #tpu.memory_space<hbm>>
      %dma_start3A_156 = tpu.memref_slice %arg3[%arg0, %add3A_150] : memref<2x1048576xf32, #tpu.memory_space<hbm>> -> memref<1x4096xf32, #tpu.memory_space<hbm>>
      %dma_start3A_157 = tpu.memref_squeeze %dma_start3A_156 : memref<1x4096xf32, #tpu.memory_space<hbm>> -> memref<4096xf32, #tpu.memory_space<hbm>>
      tpu.enqueue_dma source(%arg7 : memref<4096xf32, #tpu.memory_space<vmem>>) target(%dma_start3A_157 : memref<4096xf32, #tpu.memory_space<hbm>>) target_semaphore(%run_scoped3A : memref<!tpu.dma_semaphore, #tpu.memory_space<semaphore_mem>>)
      %dma_wait3A = tpu.memref_slice %arg3[%arg0, %add3A_150] : memref<2x1048576xf32, #tpu.memory_space<hbm>> -> memref<1x4096xf32, #tpu.memory_space<hbm>>
      %dma_wait3A_158 = tpu.memref_squeeze %dma_wait3A : memref<1x4096xf32, #tpu.memory_space<hbm>> -> memref<4096xf32, #tpu.memory_space<hbm>>
      %dma_wait3A_159 = tpu.memref_slice %arg3[%arg0, %add3A_150] : memref<2x1048576xf32, #tpu.memory_space<hbm>> -> memref<1x4096xf32, #tpu.memory_space<hbm>>
      %dma_wait3A_160 = tpu.memref_squeeze %dma_wait3A_159 : memref<1x4096xf32, #tpu.memory_space<hbm>> -> memref<4096xf32, #tpu.memory_space<hbm>>
      tpu.wait_dma2 semaphore(%run_scoped3A : memref<!tpu.dma_semaphore, #tpu.memory_space<semaphore_mem>>) src(%arg7 : memref<4096xf32, #tpu.memory_space<vmem>>) dst(%dma_wait3A_160 : memref<4096xf32, #tpu.memory_space<hbm>>)
      tpu.yield
    }) : () -> ()
    %mul3A_151 = arith.constant 65536 : i32
    %mul3A_152 = arith.muli %arg1, %mul3A_151 : i32
    %add3A_153 = arith.constant 61440 : i32
    %add3A_154 = arith.addi %mul3A_152, %add3A_153 : i32
    "tpu.region"() ({
      %run_scoped3A = tpu.sem_alloc : memref<!tpu.dma_semaphore, #tpu.memory_space<semaphore_mem>>
      %dma_start3A = tpu.memref_slice %arg8[%add3A_154] : memref<1048576xf32, #tpu.memory_space<vmem_shared>> -> memref<4096xf32, #tpu.memory_space<vmem_shared>>
      %dma_start3A_155 = tpu.memref_slice %arg8[%add3A_154] : memref<1048576xf32, #tpu.memory_space<vmem_shared>> -> memref<4096xf32, #tpu.memory_space<vmem_shared>>
      tpu.enqueue_dma source(%dma_start3A_155 : memref<4096xf32, #tpu.memory_space<vmem_shared>>) target(%arg7 : memref<4096xf32, #tpu.memory_space<vmem>>) target_semaphore(%run_scoped3A : memref<!tpu.dma_semaphore, #tpu.memory_space<semaphore_mem>>)
      %dma_wait3A = tpu.memref_slice %arg8[%add3A_154] : memref<1048576xf32, #tpu.memory_space<vmem_shared>> -> memref<4096xf32, #tpu.memory_space<vmem_shared>>
      %dma_wait3A_156 = tpu.memref_slice %arg8[%add3A_154] : memref<1048576xf32, #tpu.memory_space<vmem_shared>> -> memref<4096xf32, #tpu.memory_space<vmem_shared>>
      tpu.wait_dma2 semaphore(%run_scoped3A : memref<!tpu.dma_semaphore, #tpu.memory_space<semaphore_mem>>) src(%dma_wait3A_156 : memref<4096xf32, #tpu.memory_space<vmem_shared>>) dst(%arg7 : memref<4096xf32, #tpu.memory_space<vmem>>)
      tpu.yield
    }) : () -> ()
    "tpu.region"() ({
      %run_scoped3A = tpu.sem_alloc : memref<!tpu.dma_semaphore, #tpu.memory_space<semaphore_mem>>
      %dma_start3A = tpu.memref_slice %arg3[%arg0, %add3A_154] : memref<2x1048576xf32, #tpu.memory_space<hbm>> -> memref<1x4096xf32, #tpu.memory_space<hbm>>
      %dma_start3A_155 = tpu.memref_squeeze %dma_start3A : memref<1x4096xf32, #tpu.memory_space<hbm>> -> memref<4096xf32, #tpu.memory_space<hbm>>
      %dma_start3A_156 = tpu.memref_slice %arg3[%arg0, %add3A_154] : memref<2x1048576xf32, #tpu.memory_space<hbm>> -> memref<1x4096xf32, #tpu.memory_space<hbm>>
      %dma_start3A_157 = tpu.memref_squeeze %dma_start3A_156 : memref<1x4096xf32, #tpu.memory_space<hbm>> -> memref<4096xf32, #tpu.memory_space<hbm>>
      tpu.enqueue_dma source(%arg7 : memref<4096xf32, #tpu.memory_space<vmem>>) target(%dma_start3A_157 : memref<4096xf32, #tpu.memory_space<hbm>>) target_semaphore(%run_scoped3A : memref<!tpu.dma_semaphore, #tpu.memory_space<semaphore_mem>>)
      %dma_wait3A = tpu.memref_slice %arg3[%arg0, %add3A_154] : memref<2x1048576xf32, #tpu.memory_space<hbm>> -> memref<1x4096xf32, #tpu.memory_space<hbm>>
      %dma_wait3A_158 = tpu.memref_squeeze %dma_wait3A : memref<1x4096xf32, #tpu.memory_space<hbm>> -> memref<4096xf32, #tpu.memory_space<hbm>>
      %dma_wait3A_159 = tpu.memref_slice %arg3[%arg0, %add3A_154] : memref<2x1048576xf32, #tpu.memory_space<hbm>> -> memref<1x4096xf32, #tpu.memory_space<hbm>>
      %dma_wait3A_160 = tpu.memref_squeeze %dma_wait3A_159 : memref<1x4096xf32, #tpu.memory_space<hbm>> -> memref<4096xf32, #tpu.memory_space<hbm>>
      tpu.wait_dma2 semaphore(%run_scoped3A : memref<!tpu.dma_semaphore, #tpu.memory_space<semaphore_mem>>) src(%arg7 : memref<4096xf32, #tpu.memory_space<vmem>>) dst(%dma_wait3A_160 : memref<4096xf32, #tpu.memory_space<hbm>>)
      tpu.yield
    }) : () -> ()
    return
  }
}

#map = affine_map<(d0, d1) -> (0, 0)>
#map1 = affine_map<(d0, d1) -> (0)>
module attributes {stable_mosaic.version = 14 : i64} {
  func.func @_sc_dot(%arg0: i32, %arg1: i32, %arg2: memref<2x1048576xf32, #tpu.memory_space<hbm>>, %arg3: memref<1015808xf32, #tpu.memory_space<hbm>>, %arg4: memref<32x16xf32, #tpu.memory_space<hbm>>, %arg5: memref<15872xf32, #tpu.memory_space<vmem>>, %arg6: memref<15872xf32, #tpu.memory_space<vmem>>, %arg7: memref<15872xf32, #tpu.memory_space<vmem>>, %arg8: memref<15872xf32, #tpu.memory_space<vmem>>, %arg9: memref<16xf32, #tpu.memory_space<vmem>>, %arg10: memref<!tpu.dma_semaphore, #tpu.memory_space<semaphore_mem>>, %arg11: memref<!tpu.dma_semaphore, #tpu.memory_space<semaphore_mem>>) attributes {dimension_semantics = [#tpu.dimension_semantics<core_parallel>, #tpu.dimension_semantics<subcore_parallel>], iteration_bounds = array<i64: 2, 16>, scalar_prefetch = 0 : i64, scratch_operands = 7 : i64, tpu.core_type = #tpu.core_type<sc_vector_subcore>, window_params = [{transform_indices = #map}, {transform_indices = #map1}, {transform_indices = #map}]} {
    %mul3A = arith.constant 2 : i32
    %mul3A_0 = arith.muli %arg1, %mul3A : i32
    %add3A = arith.addi %mul3A_0, %arg0 : i32
    %mul3A_1 = arith.constant 63488 : i32
    %mul3A_2 = arith.muli %arg1, %mul3A_1 : i32
    %add3A_3 = arith.constant 0 : i32
    %add3A_4 = arith.addi %mul3A_2, %add3A_3 : i32
    %dma_start3A = tpu.memref_slice %arg3[%add3A_4] : memref<1015808xf32, #tpu.memory_space<hbm>> -> memref<15872xf32, #tpu.memory_space<hbm>>
    %dma_start3A_5 = tpu.memref_slice %arg3[%add3A_4] : memref<1015808xf32, #tpu.memory_space<hbm>> -> memref<15872xf32, #tpu.memory_space<hbm>>
    tpu.enqueue_dma source(%dma_start3A_5 : memref<15872xf32, #tpu.memory_space<hbm>>) target(%arg5 : memref<15872xf32, #tpu.memory_space<vmem>>) target_semaphore(%arg10 : memref<!tpu.dma_semaphore, #tpu.memory_space<semaphore_mem>>)
    %dma_start3A_6 = tpu.memref_slice %arg2[%arg0, %add3A_4] : memref<2x1048576xf32, #tpu.memory_space<hbm>> -> memref<1x15872xf32, #tpu.memory_space<hbm>>
    %dma_start3A_7 = tpu.memref_squeeze %dma_start3A_6 : memref<1x15872xf32, #tpu.memory_space<hbm>> -> memref<15872xf32, #tpu.memory_space<hbm>>
    %dma_start3A_8 = tpu.memref_slice %arg2[%arg0, %add3A_4] : memref<2x1048576xf32, #tpu.memory_space<hbm>> -> memref<1x15872xf32, #tpu.memory_space<hbm>>
    %dma_start3A_9 = tpu.memref_squeeze %dma_start3A_8 : memref<1x15872xf32, #tpu.memory_space<hbm>> -> memref<15872xf32, #tpu.memory_space<hbm>>
    tpu.enqueue_dma source(%dma_start3A_9 : memref<15872xf32, #tpu.memory_space<hbm>>) target(%arg6 : memref<15872xf32, #tpu.memory_space<vmem>>) target_semaphore(%arg10 : memref<!tpu.dma_semaphore, #tpu.memory_space<semaphore_mem>>)
    %broadcast_in_dim3A = arith.constant 0.000000e+00 : f32
    %broadcast_in_dim3A_10 = vector.broadcast %broadcast_in_dim3A : f32 to vector<16xf32>
    %mul3A_11 = arith.constant 63488 : i32
    %mul3A_12 = arith.muli %arg1, %mul3A_11 : i32
    %add3A_13 = arith.constant 15872 : i32
    %add3A_14 = arith.addi %mul3A_12, %add3A_13 : i32
    %dma_start3A_15 = tpu.memref_slice %arg3[%add3A_14] : memref<1015808xf32, #tpu.memory_space<hbm>> -> memref<15872xf32, #tpu.memory_space<hbm>>
    %dma_start3A_16 = tpu.memref_slice %arg3[%add3A_14] : memref<1015808xf32, #tpu.memory_space<hbm>> -> memref<15872xf32, #tpu.memory_space<hbm>>
    tpu.enqueue_dma source(%dma_start3A_16 : memref<15872xf32, #tpu.memory_space<hbm>>) target(%arg7 : memref<15872xf32, #tpu.memory_space<vmem>>) target_semaphore(%arg11 : memref<!tpu.dma_semaphore, #tpu.memory_space<semaphore_mem>>)
    %dma_start3A_17 = tpu.memref_slice %arg2[%arg0, %add3A_14] : memref<2x1048576xf32, #tpu.memory_space<hbm>> -> memref<1x15872xf32, #tpu.memory_space<hbm>>
    %dma_start3A_18 = tpu.memref_squeeze %dma_start3A_17 : memref<1x15872xf32, #tpu.memory_space<hbm>> -> memref<15872xf32, #tpu.memory_space<hbm>>
    %dma_start3A_19 = tpu.memref_slice %arg2[%arg0, %add3A_14] : memref<2x1048576xf32, #tpu.memory_space<hbm>> -> memref<1x15872xf32, #tpu.memory_space<hbm>>
    %dma_start3A_20 = tpu.memref_squeeze %dma_start3A_19 : memref<1x15872xf32, #tpu.memory_space<hbm>> -> memref<15872xf32, #tpu.memory_space<hbm>>
    tpu.enqueue_dma source(%dma_start3A_20 : memref<15872xf32, #tpu.memory_space<hbm>>) target(%arg8 : memref<15872xf32, #tpu.memory_space<vmem>>) target_semaphore(%arg11 : memref<!tpu.dma_semaphore, #tpu.memory_space<semaphore_mem>>)
    %dma_wait3A = tpu.memref_slice %arg3[%add3A_4] : memref<1015808xf32, #tpu.memory_space<hbm>> -> memref<15872xf32, #tpu.memory_space<hbm>>
    %dma_wait3A_21 = tpu.memref_slice %arg3[%add3A_4] : memref<1015808xf32, #tpu.memory_space<hbm>> -> memref<15872xf32, #tpu.memory_space<hbm>>
    tpu.wait_dma2 semaphore(%arg10 : memref<!tpu.dma_semaphore, #tpu.memory_space<semaphore_mem>>) src(%dma_wait3A_21 : memref<15872xf32, #tpu.memory_space<hbm>>) dst(%arg5 : memref<15872xf32, #tpu.memory_space<vmem>>)
    %dma_wait3A_22 = tpu.memref_slice %arg2[%arg0, %add3A_4] : memref<2x1048576xf32, #tpu.memory_space<hbm>> -> memref<1x15872xf32, #tpu.memory_space<hbm>>
    %dma_wait3A_23 = tpu.memref_squeeze %dma_wait3A_22 : memref<1x15872xf32, #tpu.memory_space<hbm>> -> memref<15872xf32, #tpu.memory_space<hbm>>
    %dma_wait3A_24 = tpu.memref_slice %arg2[%arg0, %add3A_4] : memref<2x1048576xf32, #tpu.memory_space<hbm>> -> memref<1x15872xf32, #tpu.memory_space<hbm>>
    %dma_wait3A_25 = tpu.memref_squeeze %dma_wait3A_24 : memref<1x15872xf32, #tpu.memory_space<hbm>> -> memref<15872xf32, #tpu.memory_space<hbm>>
    tpu.wait_dma2 semaphore(%arg10 : memref<!tpu.dma_semaphore, #tpu.memory_space<semaphore_mem>>) src(%dma_wait3A_25 : memref<15872xf32, #tpu.memory_space<hbm>>) dst(%arg6 : memref<15872xf32, #tpu.memory_space<vmem>>)
    %scan3A = arith.constant 0 : i32
    %scan3A_26 = arith.constant 248 : i32
    %scan3A_27 = arith.addi %scan3A, %scan3A_26 : i32
    %scan3A_28 = arith.constant 1 : i32
    %scan3A_29:4 = scf.for %scan3A_93 = %scan3A to %scan3A_27 step %scan3A_28 iter_args(%scan3A_94 = %broadcast_in_dim3A_10, %scan3A_95 = %broadcast_in_dim3A_10, %scan3A_96 = %broadcast_in_dim3A_10, %scan3A_97 = %broadcast_in_dim3A_10) -> (vector<16xf32>, vector<16xf32>, vector<16xf32>, vector<16xf32>)  : i32 {
      %mul3A_98 = arith.constant 4 : i32
      %mul3A_99 = arith.muli %scan3A_93, %mul3A_98 : i32
      %mul3A_100 = arith.constant 16 : i32
      %mul3A_101 = arith.muli %mul3A_99, %mul3A_100 : i32
      %add3A_102 = arith.constant 0 : i32
      %add3A_103 = arith.addi %mul3A_101, %add3A_102 : i32
      %get3A = arith.index_cast %add3A_103 : i32 to index
      %get3A_104 = tpu.vector_load %arg6[%get3A] {strides = array<i32>} : memref<15872xf32, #tpu.memory_space<vmem>>, vector<16xf32>,
      %get3A_105 = vector.shape_cast %get3A_104 : vector<16xf32> to vector<16xf32>
      %gt3A = arith.constant 0.000000e+00 : f32
      %gt3A_106 = vector.broadcast %gt3A : f32 to vector<16xf32>
      %gt3A_107 = arith.cmpf ogt, %get3A_105, %gt3A_106 : vector<16xf32>
      %add3A_108 = arith.constant 0 : i32
      %add3A_109 = arith.addi %mul3A_101, %add3A_108 : i32
      %get3A_110 = arith.index_cast %add3A_109 : i32 to index
      %get3A_111 = tpu.vector_load %arg5[%get3A_110] {strides = array<i32>} : memref<15872xf32, #tpu.memory_space<vmem>>, vector<16xf32>,
      %get3A_112 = vector.shape_cast %get3A_111 : vector<16xf32> to vector<16xf32>
      %mul3A_113 = arith.mulf %get3A_112, %get3A_105 : vector<16xf32>
      %jit3A = arith.constant 0.000000e+00 : f32
      %broadcast_in_dim3A_114 = vector.broadcast %jit3A : f32 to vector<16xf32>
      %select_n3A = arith.select %gt3A_107, %mul3A_113, %broadcast_in_dim3A_114 : vector<16xi1>, vector<16xf32>
      %add3A_115 = arith.addf %scan3A_94, %select_n3A : vector<16xf32>
      %add3A_116 = arith.constant 16 : i32
      %add3A_117 = arith.addi %mul3A_101, %add3A_116 : i32
      %get3A_118 = arith.index_cast %add3A_117 : i32 to index
      %get3A_119 = tpu.vector_load %arg6[%get3A_118] {strides = array<i32>} : memref<15872xf32, #tpu.memory_space<vmem>>, vector<16xf32>,
      %get3A_120 = vector.shape_cast %get3A_119 : vector<16xf32> to vector<16xf32>
      %gt3A_121 = arith.constant 0.000000e+00 : f32
      %gt3A_122 = vector.broadcast %gt3A_121 : f32 to vector<16xf32>
      %gt3A_123 = arith.cmpf ogt, %get3A_120, %gt3A_122 : vector<16xf32>
      %add3A_124 = arith.constant 16 : i32
      %add3A_125 = arith.addi %mul3A_101, %add3A_124 : i32
      %get3A_126 = arith.index_cast %add3A_125 : i32 to index
      %get3A_127 = tpu.vector_load %arg5[%get3A_126] {strides = array<i32>} : memref<15872xf32, #tpu.memory_space<vmem>>, vector<16xf32>,
      %get3A_128 = vector.shape_cast %get3A_127 : vector<16xf32> to vector<16xf32>
      %mul3A_129 = arith.mulf %get3A_128, %get3A_120 : vector<16xf32>
      %jit3A_130 = arith.constant 0.000000e+00 : f32
      %broadcast_in_dim3A_131 = vector.broadcast %jit3A_130 : f32 to vector<16xf32>
      %select_n3A_132 = arith.select %gt3A_123, %mul3A_129, %broadcast_in_dim3A_131 : vector<16xi1>, vector<16xf32>
      %add3A_133 = arith.addf %scan3A_95, %select_n3A_132 : vector<16xf32>
      %add3A_134 = arith.constant 32 : i32
      %add3A_135 = arith.addi %mul3A_101, %add3A_134 : i32
      %get3A_136 = arith.index_cast %add3A_135 : i32 to index
      %get3A_137 = tpu.vector_load %arg6[%get3A_136] {strides = array<i32>} : memref<15872xf32, #tpu.memory_space<vmem>>, vector<16xf32>,
      %get3A_138 = vector.shape_cast %get3A_137 : vector<16xf32> to vector<16xf32>
      %gt3A_139 = arith.constant 0.000000e+00 : f32
      %gt3A_140 = vector.broadcast %gt3A_139 : f32 to vector<16xf32>
      %gt3A_141 = arith.cmpf ogt, %get3A_138, %gt3A_140 : vector<16xf32>
      %add3A_142 = arith.constant 32 : i32
      %add3A_143 = arith.addi %mul3A_101, %add3A_142 : i32
      %get3A_144 = arith.index_cast %add3A_143 : i32 to index
      %get3A_145 = tpu.vector_load %arg5[%get3A_144] {strides = array<i32>} : memref<15872xf32, #tpu.memory_space<vmem>>, vector<16xf32>,
      %get3A_146 = vector.shape_cast %get3A_145 : vector<16xf32> to vector<16xf32>
      %mul3A_147 = arith.mulf %get3A_146, %get3A_138 : vector<16xf32>
      %jit3A_148 = arith.constant 0.000000e+00 : f32
      %broadcast_in_dim3A_149 = vector.broadcast %jit3A_148 : f32 to vector<16xf32>
      %select_n3A_150 = arith.select %gt3A_141, %mul3A_147, %broadcast_in_dim3A_149 : vector<16xi1>, vector<16xf32>
      %add3A_151 = arith.addf %scan3A_96, %select_n3A_150 : vector<16xf32>
      %add3A_152 = arith.constant 48 : i32
      %add3A_153 = arith.addi %mul3A_101, %add3A_152 : i32
      %get3A_154 = arith.index_cast %add3A_153 : i32 to index
      %get3A_155 = tpu.vector_load %arg6[%get3A_154] {strides = array<i32>} : memref<15872xf32, #tpu.memory_space<vmem>>, vector<16xf32>,
      %get3A_156 = vector.shape_cast %get3A_155 : vector<16xf32> to vector<16xf32>
      %gt3A_157 = arith.constant 0.000000e+00 : f32
      %gt3A_158 = vector.broadcast %gt3A_157 : f32 to vector<16xf32>
      %gt3A_159 = arith.cmpf ogt, %get3A_156, %gt3A_158 : vector<16xf32>
      %add3A_160 = arith.constant 48 : i32
      %add3A_161 = arith.addi %mul3A_101, %add3A_160 : i32
      %get3A_162 = arith.index_cast %add3A_161 : i32 to index
      %get3A_163 = tpu.vector_load %arg5[%get3A_162] {strides = array<i32>} : memref<15872xf32, #tpu.memory_space<vmem>>, vector<16xf32>,
      %get3A_164 = vector.shape_cast %get3A_163 : vector<16xf32> to vector<16xf32>
      %mul3A_165 = arith.mulf %get3A_164, %get3A_156 : vector<16xf32>
      %jit3A_166 = arith.constant 0.000000e+00 : f32
      %broadcast_in_dim3A_167 = vector.broadcast %jit3A_166 : f32 to vector<16xf32>
      %select_n3A_168 = arith.select %gt3A_159, %mul3A_165, %broadcast_in_dim3A_167 : vector<16xi1>, vector<16xf32>
      %add3A_169 = arith.addf %scan3A_97, %select_n3A_168 : vector<16xf32>
      scf.yield %add3A_115, %add3A_133, %add3A_151, %add3A_169 : vector<16xf32>, vector<16xf32>, vector<16xf32>, vector<16xf32>
    }
    %scan3A_30 = arith.constant 248 : i32
    %mul3A_31 = arith.constant 63488 : i32
    %mul3A_32 = arith.muli %arg1, %mul3A_31 : i32
    %add3A_33 = arith.constant 31744 : i32
    %add3A_34 = arith.addi %mul3A_32, %add3A_33 : i32
    %dma_start3A_35 = tpu.memref_slice %arg3[%add3A_34] : memref<1015808xf32, #tpu.memory_space<hbm>> -> memref<15872xf32, #tpu.memory_space<hbm>>
    %dma_start3A_36 = tpu.memref_slice %arg3[%add3A_34] : memref<1015808xf32, #tpu.memory_space<hbm>> -> memref<15872xf32, #tpu.memory_space<hbm>>
    tpu.enqueue_dma source(%dma_start3A_36 : memref<15872xf32, #tpu.memory_space<hbm>>) target(%arg5 : memref<15872xf32, #tpu.memory_space<vmem>>) target_semaphore(%arg10 : memref<!tpu.dma_semaphore, #tpu.memory_space<semaphore_mem>>)
    %dma_start3A_37 = tpu.memref_slice %arg2[%arg0, %add3A_34] : memref<2x1048576xf32, #tpu.memory_space<hbm>> -> memref<1x15872xf32, #tpu.memory_space<hbm>>
    %dma_start3A_38 = tpu.memref_squeeze %dma_start3A_37 : memref<1x15872xf32, #tpu.memory_space<hbm>> -> memref<15872xf32, #tpu.memory_space<hbm>>
    %dma_start3A_39 = tpu.memref_slice %arg2[%arg0, %add3A_34] : memref<2x1048576xf32, #tpu.memory_space<hbm>> -> memref<1x15872xf32, #tpu.memory_space<hbm>>
    %dma_start3A_40 = tpu.memref_squeeze %dma_start3A_39 : memref<1x15872xf32, #tpu.memory_space<hbm>> -> memref<15872xf32, #tpu.memory_space<hbm>>
    tpu.enqueue_dma source(%dma_start3A_40 : memref<15872xf32, #tpu.memory_space<hbm>>) target(%arg6 : memref<15872xf32, #tpu.memory_space<vmem>>) target_semaphore(%arg10 : memref<!tpu.dma_semaphore, #tpu.memory_space<semaphore_mem>>)
    %dma_wait3A_41 = tpu.memref_slice %arg3[%add3A_14] : memref<1015808xf32, #tpu.memory_space<hbm>> -> memref<15872xf32, #tpu.memory_space<hbm>>
    %dma_wait3A_42 = tpu.memref_slice %arg3[%add3A_14] : memref<1015808xf32, #tpu.memory_space<hbm>> -> memref<15872xf32, #tpu.memory_space<hbm>>
    tpu.wait_dma2 semaphore(%arg11 : memref<!tpu.dma_semaphore, #tpu.memory_space<semaphore_mem>>) src(%dma_wait3A_42 : memref<15872xf32, #tpu.memory_space<hbm>>) dst(%arg7 : memref<15872xf32, #tpu.memory_space<vmem>>)
    %dma_wait3A_43 = tpu.memref_slice %arg2[%arg0, %add3A_14] : memref<2x1048576xf32, #tpu.memory_space<hbm>> -> memref<1x15872xf32, #tpu.memory_space<hbm>>
    %dma_wait3A_44 = tpu.memref_squeeze %dma_wait3A_43 : memref<1x15872xf32, #tpu.memory_space<hbm>> -> memref<15872xf32, #tpu.memory_space<hbm>>
    %dma_wait3A_45 = tpu.memref_slice %arg2[%arg0, %add3A_14] : memref<2x1048576xf32, #tpu.memory_space<hbm>> -> memref<1x15872xf32, #tpu.memory_space<hbm>>
    %dma_wait3A_46 = tpu.memref_squeeze %dma_wait3A_45 : memref<1x15872xf32, #tpu.memory_space<hbm>> -> memref<15872xf32, #tpu.memory_space<hbm>>
    tpu.wait_dma2 semaphore(%arg11 : memref<!tpu.dma_semaphore, #tpu.memory_space<semaphore_mem>>) src(%dma_wait3A_46 : memref<15872xf32, #tpu.memory_space<hbm>>) dst(%arg8 : memref<15872xf32, #tpu.memory_space<vmem>>)
    %scan3A_47 = arith.constant 0 : i32
    %scan3A_48 = arith.constant 248 : i32
    %scan3A_49 = arith.addi %scan3A_47, %scan3A_48 : i32
    %scan3A_50 = arith.constant 1 : i32
    %scan3A_51:4 = scf.for %scan3A_93 = %scan3A_47 to %scan3A_49 step %scan3A_50 iter_args(%scan3A_94 = %scan3A_29#0, %scan3A_95 = %scan3A_29#1, %scan3A_96 = %scan3A_29#2, %scan3A_97 = %scan3A_29#3) -> (vector<16xf32>, vector<16xf32>, vector<16xf32>, vector<16xf32>)  : i32 {
      %mul3A_98 = arith.constant 4 : i32
      %mul3A_99 = arith.muli %scan3A_93, %mul3A_98 : i32
      %mul3A_100 = arith.constant 16 : i32
      %mul3A_101 = arith.muli %mul3A_99, %mul3A_100 : i32
      %add3A_102 = arith.constant 0 : i32
      %add3A_103 = arith.addi %mul3A_101, %add3A_102 : i32
      %get3A = arith.index_cast %add3A_103 : i32 to index
      %get3A_104 = tpu.vector_load %arg8[%get3A] {strides = array<i32>} : memref<15872xf32, #tpu.memory_space<vmem>>, vector<16xf32>,
      %get3A_105 = vector.shape_cast %get3A_104 : vector<16xf32> to vector<16xf32>
      %gt3A = arith.constant 0.000000e+00 : f32
      %gt3A_106 = vector.broadcast %gt3A : f32 to vector<16xf32>
      %gt3A_107 = arith.cmpf ogt, %get3A_105, %gt3A_106 : vector<16xf32>
      %add3A_108 = arith.constant 0 : i32
      %add3A_109 = arith.addi %mul3A_101, %add3A_108 : i32
      %get3A_110 = arith.index_cast %add3A_109 : i32 to index
      %get3A_111 = tpu.vector_load %arg7[%get3A_110] {strides = array<i32>} : memref<15872xf32, #tpu.memory_space<vmem>>, vector<16xf32>,
      %get3A_112 = vector.shape_cast %get3A_111 : vector<16xf32> to vector<16xf32>
      %mul3A_113 = arith.mulf %get3A_112, %get3A_105 : vector<16xf32>
      %jit3A = arith.constant 0.000000e+00 : f32
      %broadcast_in_dim3A_114 = vector.broadcast %jit3A : f32 to vector<16xf32>
      %select_n3A = arith.select %gt3A_107, %mul3A_113, %broadcast_in_dim3A_114 : vector<16xi1>, vector<16xf32>
      %add3A_115 = arith.addf %scan3A_94, %select_n3A : vector<16xf32>
      %add3A_116 = arith.constant 16 : i32
      %add3A_117 = arith.addi %mul3A_101, %add3A_116 : i32
      %get3A_118 = arith.index_cast %add3A_117 : i32 to index
      %get3A_119 = tpu.vector_load %arg8[%get3A_118] {strides = array<i32>} : memref<15872xf32, #tpu.memory_space<vmem>>, vector<16xf32>,
      %get3A_120 = vector.shape_cast %get3A_119 : vector<16xf32> to vector<16xf32>
      %gt3A_121 = arith.constant 0.000000e+00 : f32
      %gt3A_122 = vector.broadcast %gt3A_121 : f32 to vector<16xf32>
      %gt3A_123 = arith.cmpf ogt, %get3A_120, %gt3A_122 : vector<16xf32>
      %add3A_124 = arith.constant 16 : i32
      %add3A_125 = arith.addi %mul3A_101, %add3A_124 : i32
      %get3A_126 = arith.index_cast %add3A_125 : i32 to index
      %get3A_127 = tpu.vector_load %arg7[%get3A_126] {strides = array<i32>} : memref<15872xf32, #tpu.memory_space<vmem>>, vector<16xf32>,
      %get3A_128 = vector.shape_cast %get3A_127 : vector<16xf32> to vector<16xf32>
      %mul3A_129 = arith.mulf %get3A_128, %get3A_120 : vector<16xf32>
      %jit3A_130 = arith.constant 0.000000e+00 : f32
      %broadcast_in_dim3A_131 = vector.broadcast %jit3A_130 : f32 to vector<16xf32>
      %select_n3A_132 = arith.select %gt3A_123, %mul3A_129, %broadcast_in_dim3A_131 : vector<16xi1>, vector<16xf32>
      %add3A_133 = arith.addf %scan3A_95, %select_n3A_132 : vector<16xf32>
      %add3A_134 = arith.constant 32 : i32
      %add3A_135 = arith.addi %mul3A_101, %add3A_134 : i32
      %get3A_136 = arith.index_cast %add3A_135 : i32 to index
      %get3A_137 = tpu.vector_load %arg8[%get3A_136] {strides = array<i32>} : memref<15872xf32, #tpu.memory_space<vmem>>, vector<16xf32>,
      %get3A_138 = vector.shape_cast %get3A_137 : vector<16xf32> to vector<16xf32>
      %gt3A_139 = arith.constant 0.000000e+00 : f32
      %gt3A_140 = vector.broadcast %gt3A_139 : f32 to vector<16xf32>
      %gt3A_141 = arith.cmpf ogt, %get3A_138, %gt3A_140 : vector<16xf32>
      %add3A_142 = arith.constant 32 : i32
      %add3A_143 = arith.addi %mul3A_101, %add3A_142 : i32
      %get3A_144 = arith.index_cast %add3A_143 : i32 to index
      %get3A_145 = tpu.vector_load %arg7[%get3A_144] {strides = array<i32>} : memref<15872xf32, #tpu.memory_space<vmem>>, vector<16xf32>,
      %get3A_146 = vector.shape_cast %get3A_145 : vector<16xf32> to vector<16xf32>
      %mul3A_147 = arith.mulf %get3A_146, %get3A_138 : vector<16xf32>
      %jit3A_148 = arith.constant 0.000000e+00 : f32
      %broadcast_in_dim3A_149 = vector.broadcast %jit3A_148 : f32 to vector<16xf32>
      %select_n3A_150 = arith.select %gt3A_141, %mul3A_147, %broadcast_in_dim3A_149 : vector<16xi1>, vector<16xf32>
      %add3A_151 = arith.addf %scan3A_96, %select_n3A_150 : vector<16xf32>
      %add3A_152 = arith.constant 48 : i32
      %add3A_153 = arith.addi %mul3A_101, %add3A_152 : i32
      %get3A_154 = arith.index_cast %add3A_153 : i32 to index
      %get3A_155 = tpu.vector_load %arg8[%get3A_154] {strides = array<i32>} : memref<15872xf32, #tpu.memory_space<vmem>>, vector<16xf32>,
      %get3A_156 = vector.shape_cast %get3A_155 : vector<16xf32> to vector<16xf32>
      %gt3A_157 = arith.constant 0.000000e+00 : f32
      %gt3A_158 = vector.broadcast %gt3A_157 : f32 to vector<16xf32>
      %gt3A_159 = arith.cmpf ogt, %get3A_156, %gt3A_158 : vector<16xf32>
      %add3A_160 = arith.constant 48 : i32
      %add3A_161 = arith.addi %mul3A_101, %add3A_160 : i32
      %get3A_162 = arith.index_cast %add3A_161 : i32 to index
      %get3A_163 = tpu.vector_load %arg7[%get3A_162] {strides = array<i32>} : memref<15872xf32, #tpu.memory_space<vmem>>, vector<16xf32>,
      %get3A_164 = vector.shape_cast %get3A_163 : vector<16xf32> to vector<16xf32>
      %mul3A_165 = arith.mulf %get3A_164, %get3A_156 : vector<16xf32>
      %jit3A_166 = arith.constant 0.000000e+00 : f32
      %broadcast_in_dim3A_167 = vector.broadcast %jit3A_166 : f32 to vector<16xf32>
      %select_n3A_168 = arith.select %gt3A_159, %mul3A_165, %broadcast_in_dim3A_167 : vector<16xi1>, vector<16xf32>
      %add3A_169 = arith.addf %scan3A_97, %select_n3A_168 : vector<16xf32>
      scf.yield %add3A_115, %add3A_133, %add3A_151, %add3A_169 : vector<16xf32>, vector<16xf32>, vector<16xf32>, vector<16xf32>
    }
    %scan3A_52 = arith.constant 248 : i32
    %mul3A_53 = arith.constant 63488 : i32
    %mul3A_54 = arith.muli %arg1, %mul3A_53 : i32
    %add3A_55 = arith.constant 47616 : i32
    %add3A_56 = arith.addi %mul3A_54, %add3A_55 : i32
    %dma_start3A_57 = tpu.memref_slice %arg3[%add3A_56] : memref<1015808xf32, #tpu.memory_space<hbm>> -> memref<15872xf32, #tpu.memory_space<hbm>>
    %dma_start3A_58 = tpu.memref_slice %arg3[%add3A_56] : memref<1015808xf32, #tpu.memory_space<hbm>> -> memref<15872xf32, #tpu.memory_space<hbm>>
    tpu.enqueue_dma source(%dma_start3A_58 : memref<15872xf32, #tpu.memory_space<hbm>>) target(%arg7 : memref<15872xf32, #tpu.memory_space<vmem>>) target_semaphore(%arg11 : memref<!tpu.dma_semaphore, #tpu.memory_space<semaphore_mem>>)
    %dma_start3A_59 = tpu.memref_slice %arg2[%arg0, %add3A_56] : memref<2x1048576xf32, #tpu.memory_space<hbm>> -> memref<1x15872xf32, #tpu.memory_space<hbm>>
    %dma_start3A_60 = tpu.memref_squeeze %dma_start3A_59 : memref<1x15872xf32, #tpu.memory_space<hbm>> -> memref<15872xf32, #tpu.memory_space<hbm>>
    %dma_start3A_61 = tpu.memref_slice %arg2[%arg0, %add3A_56] : memref<2x1048576xf32, #tpu.memory_space<hbm>> -> memref<1x15872xf32, #tpu.memory_space<hbm>>
    %dma_start3A_62 = tpu.memref_squeeze %dma_start3A_61 : memref<1x15872xf32, #tpu.memory_space<hbm>> -> memref<15872xf32, #tpu.memory_space<hbm>>
    tpu.enqueue_dma source(%dma_start3A_62 : memref<15872xf32, #tpu.memory_space<hbm>>) target(%arg8 : memref<15872xf32, #tpu.memory_space<vmem>>) target_semaphore(%arg11 : memref<!tpu.dma_semaphore, #tpu.memory_space<semaphore_mem>>)
    %dma_wait3A_63 = tpu.memref_slice %arg3[%add3A_34] : memref<1015808xf32, #tpu.memory_space<hbm>> -> memref<15872xf32, #tpu.memory_space<hbm>>
    %dma_wait3A_64 = tpu.memref_slice %arg3[%add3A_34] : memref<1015808xf32, #tpu.memory_space<hbm>> -> memref<15872xf32, #tpu.memory_space<hbm>>
    tpu.wait_dma2 semaphore(%arg10 : memref<!tpu.dma_semaphore, #tpu.memory_space<semaphore_mem>>) src(%dma_wait3A_64 : memref<15872xf32, #tpu.memory_space<hbm>>) dst(%arg5 : memref<15872xf32, #tpu.memory_space<vmem>>)
    %dma_wait3A_65 = tpu.memref_slice %arg2[%arg0, %add3A_34] : memref<2x1048576xf32, #tpu.memory_space<hbm>> -> memref<1x15872xf32, #tpu.memory_space<hbm>>
    %dma_wait3A_66 = tpu.memref_squeeze %dma_wait3A_65 : memref<1x15872xf32, #tpu.memory_space<hbm>> -> memref<15872xf32, #tpu.memory_space<hbm>>
    %dma_wait3A_67 = tpu.memref_slice %arg2[%arg0, %add3A_34] : memref<2x1048576xf32, #tpu.memory_space<hbm>> -> memref<1x15872xf32, #tpu.memory_space<hbm>>
    %dma_wait3A_68 = tpu.memref_squeeze %dma_wait3A_67 : memref<1x15872xf32, #tpu.memory_space<hbm>> -> memref<15872xf32, #tpu.memory_space<hbm>>
    tpu.wait_dma2 semaphore(%arg10 : memref<!tpu.dma_semaphore, #tpu.memory_space<semaphore_mem>>) src(%dma_wait3A_68 : memref<15872xf32, #tpu.memory_space<hbm>>) dst(%arg6 : memref<15872xf32, #tpu.memory_space<vmem>>)
    %scan3A_69 = arith.constant 0 : i32
    %scan3A_70 = arith.constant 248 : i32
    %scan3A_71 = arith.addi %scan3A_69, %scan3A_70 : i32
    %scan3A_72 = arith.constant 1 : i32
    %scan3A_73:4 = scf.for %scan3A_93 = %scan3A_69 to %scan3A_71 step %scan3A_72 iter_args(%scan3A_94 = %scan3A_51#0, %scan3A_95 = %scan3A_51#1, %scan3A_96 = %scan3A_51#2, %scan3A_97 = %scan3A_51#3) -> (vector<16xf32>, vector<16xf32>, vector<16xf32>, vector<16xf32>)  : i32 {
      %mul3A_98 = arith.constant 4 : i32
      %mul3A_99 = arith.muli %scan3A_93, %mul3A_98 : i32
      %mul3A_100 = arith.constant 16 : i32
      %mul3A_101 = arith.muli %mul3A_99, %mul3A_100 : i32
      %add3A_102 = arith.constant 0 : i32
      %add3A_103 = arith.addi %mul3A_101, %add3A_102 : i32
      %get3A = arith.index_cast %add3A_103 : i32 to index
      %get3A_104 = tpu.vector_load %arg6[%get3A] {strides = array<i32>} : memref<15872xf32, #tpu.memory_space<vmem>>, vector<16xf32>,
      %get3A_105 = vector.shape_cast %get3A_104 : vector<16xf32> to vector<16xf32>
      %gt3A = arith.constant 0.000000e+00 : f32
      %gt3A_106 = vector.broadcast %gt3A : f32 to vector<16xf32>
      %gt3A_107 = arith.cmpf ogt, %get3A_105, %gt3A_106 : vector<16xf32>
      %add3A_108 = arith.constant 0 : i32
      %add3A_109 = arith.addi %mul3A_101, %add3A_108 : i32
      %get3A_110 = arith.index_cast %add3A_109 : i32 to index
      %get3A_111 = tpu.vector_load %arg5[%get3A_110] {strides = array<i32>} : memref<15872xf32, #tpu.memory_space<vmem>>, vector<16xf32>,
      %get3A_112 = vector.shape_cast %get3A_111 : vector<16xf32> to vector<16xf32>
      %mul3A_113 = arith.mulf %get3A_112, %get3A_105 : vector<16xf32>
      %jit3A = arith.constant 0.000000e+00 : f32
      %broadcast_in_dim3A_114 = vector.broadcast %jit3A : f32 to vector<16xf32>
      %select_n3A = arith.select %gt3A_107, %mul3A_113, %broadcast_in_dim3A_114 : vector<16xi1>, vector<16xf32>
      %add3A_115 = arith.addf %scan3A_94, %select_n3A : vector<16xf32>
      %add3A_116 = arith.constant 16 : i32
      %add3A_117 = arith.addi %mul3A_101, %add3A_116 : i32
      %get3A_118 = arith.index_cast %add3A_117 : i32 to index
      %get3A_119 = tpu.vector_load %arg6[%get3A_118] {strides = array<i32>} : memref<15872xf32, #tpu.memory_space<vmem>>, vector<16xf32>,
      %get3A_120 = vector.shape_cast %get3A_119 : vector<16xf32> to vector<16xf32>
      %gt3A_121 = arith.constant 0.000000e+00 : f32
      %gt3A_122 = vector.broadcast %gt3A_121 : f32 to vector<16xf32>
      %gt3A_123 = arith.cmpf ogt, %get3A_120, %gt3A_122 : vector<16xf32>
      %add3A_124 = arith.constant 16 : i32
      %add3A_125 = arith.addi %mul3A_101, %add3A_124 : i32
      %get3A_126 = arith.index_cast %add3A_125 : i32 to index
      %get3A_127 = tpu.vector_load %arg5[%get3A_126] {strides = array<i32>} : memref<15872xf32, #tpu.memory_space<vmem>>, vector<16xf32>,
      %get3A_128 = vector.shape_cast %get3A_127 : vector<16xf32> to vector<16xf32>
      %mul3A_129 = arith.mulf %get3A_128, %get3A_120 : vector<16xf32>
      %jit3A_130 = arith.constant 0.000000e+00 : f32
      %broadcast_in_dim3A_131 = vector.broadcast %jit3A_130 : f32 to vector<16xf32>
      %select_n3A_132 = arith.select %gt3A_123, %mul3A_129, %broadcast_in_dim3A_131 : vector<16xi1>, vector<16xf32>
      %add3A_133 = arith.addf %scan3A_95, %select_n3A_132 : vector<16xf32>
      %add3A_134 = arith.constant 32 : i32
      %add3A_135 = arith.addi %mul3A_101, %add3A_134 : i32
      %get3A_136 = arith.index_cast %add3A_135 : i32 to index
      %get3A_137 = tpu.vector_load %arg6[%get3A_136] {strides = array<i32>} : memref<15872xf32, #tpu.memory_space<vmem>>, vector<16xf32>,
      %get3A_138 = vector.shape_cast %get3A_137 : vector<16xf32> to vector<16xf32>
      %gt3A_139 = arith.constant 0.000000e+00 : f32
      %gt3A_140 = vector.broadcast %gt3A_139 : f32 to vector<16xf32>
      %gt3A_141 = arith.cmpf ogt, %get3A_138, %gt3A_140 : vector<16xf32>
      %add3A_142 = arith.constant 32 : i32
      %add3A_143 = arith.addi %mul3A_101, %add3A_142 : i32
      %get3A_144 = arith.index_cast %add3A_143 : i32 to index
      %get3A_145 = tpu.vector_load %arg5[%get3A_144] {strides = array<i32>} : memref<15872xf32, #tpu.memory_space<vmem>>, vector<16xf32>,
      %get3A_146 = vector.shape_cast %get3A_145 : vector<16xf32> to vector<16xf32>
      %mul3A_147 = arith.mulf %get3A_146, %get3A_138 : vector<16xf32>
      %jit3A_148 = arith.constant 0.000000e+00 : f32
      %broadcast_in_dim3A_149 = vector.broadcast %jit3A_148 : f32 to vector<16xf32>
      %select_n3A_150 = arith.select %gt3A_141, %mul3A_147, %broadcast_in_dim3A_149 : vector<16xi1>, vector<16xf32>
      %add3A_151 = arith.addf %scan3A_96, %select_n3A_150 : vector<16xf32>
      %add3A_152 = arith.constant 48 : i32
      %add3A_153 = arith.addi %mul3A_101, %add3A_152 : i32
      %get3A_154 = arith.index_cast %add3A_153 : i32 to index
      %get3A_155 = tpu.vector_load %arg6[%get3A_154] {strides = array<i32>} : memref<15872xf32, #tpu.memory_space<vmem>>, vector<16xf32>,
      %get3A_156 = vector.shape_cast %get3A_155 : vector<16xf32> to vector<16xf32>
      %gt3A_157 = arith.constant 0.000000e+00 : f32
      %gt3A_158 = vector.broadcast %gt3A_157 : f32 to vector<16xf32>
      %gt3A_159 = arith.cmpf ogt, %get3A_156, %gt3A_158 : vector<16xf32>
      %add3A_160 = arith.constant 48 : i32
      %add3A_161 = arith.addi %mul3A_101, %add3A_160 : i32
      %get3A_162 = arith.index_cast %add3A_161 : i32 to index
      %get3A_163 = tpu.vector_load %arg5[%get3A_162] {strides = array<i32>} : memref<15872xf32, #tpu.memory_space<vmem>>, vector<16xf32>,
      %get3A_164 = vector.shape_cast %get3A_163 : vector<16xf32> to vector<16xf32>
      %mul3A_165 = arith.mulf %get3A_164, %get3A_156 : vector<16xf32>
      %jit3A_166 = arith.constant 0.000000e+00 : f32
      %broadcast_in_dim3A_167 = vector.broadcast %jit3A_166 : f32 to vector<16xf32>
      %select_n3A_168 = arith.select %gt3A_159, %mul3A_165, %broadcast_in_dim3A_167 : vector<16xi1>, vector<16xf32>
      %add3A_169 = arith.addf %scan3A_97, %select_n3A_168 : vector<16xf32>
      scf.yield %add3A_115, %add3A_133, %add3A_151, %add3A_169 : vector<16xf32>, vector<16xf32>, vector<16xf32>, vector<16xf32>
    }
    %scan3A_74 = arith.constant 248 : i32
    %dma_wait3A_75 = tpu.memref_slice %arg3[%add3A_56] : memref<1015808xf32, #tpu.memory_space<hbm>> -> memref<15872xf32, #tpu.memory_space<hbm>>
    %dma_wait3A_76 = tpu.memref_slice %arg3[%add3A_56] : memref<1015808xf32, #tpu.memory_space<hbm>> -> memref<15872xf32, #tpu.memory_space<hbm>>
    tpu.wait_dma2 semaphore(%arg11 : memref<!tpu.dma_semaphore, #tpu.memory_space<semaphore_mem>>) src(%dma_wait3A_76 : memref<15872xf32, #tpu.memory_space<hbm>>) dst(%arg7 : memref<15872xf32, #tpu.memory_space<vmem>>)
    %dma_wait3A_77 = tpu.memref_slice %arg2[%arg0, %add3A_56] : memref<2x1048576xf32, #tpu.memory_space<hbm>> -> memref<1x15872xf32, #tpu.memory_space<hbm>>
    %dma_wait3A_78 = tpu.memref_squeeze %dma_wait3A_77 : memref<1x15872xf32, #tpu.memory_space<hbm>> -> memref<15872xf32, #tpu.memory_space<hbm>>
    %dma_wait3A_79 = tpu.memref_slice %arg2[%arg0, %add3A_56] : memref<2x1048576xf32, #tpu.memory_space<hbm>> -> memref<1x15872xf32, #tpu.memory_space<hbm>>
    %dma_wait3A_80 = tpu.memref_squeeze %dma_wait3A_79 : memref<1x15872xf32, #tpu.memory_space<hbm>> -> memref<15872xf32, #tpu.memory_space<hbm>>
    tpu.wait_dma2 semaphore(%arg11 : memref<!tpu.dma_semaphore, #tpu.memory_space<semaphore_mem>>) src(%dma_wait3A_80 : memref<15872xf32, #tpu.memory_space<hbm>>) dst(%arg8 : memref<15872xf32, #tpu.memory_space<vmem>>)
    %scan3A_81 = arith.constant 0 : i32
    %scan3A_82 = arith.constant 248 : i32
    %scan3A_83 = arith.addi %scan3A_81, %scan3A_82 : i32
    %scan3A_84 = arith.constant 1 : i32
    %scan3A_85:4 = scf.for %scan3A_93 = %scan3A_81 to %scan3A_83 step %scan3A_84 iter_args(%scan3A_94 = %scan3A_73#0, %scan3A_95 = %scan3A_73#1, %scan3A_96 = %scan3A_73#2, %scan3A_97 = %scan3A_73#3) -> (vector<16xf32>, vector<16xf32>, vector<16xf32>, vector<16xf32>)  : i32 {
      %mul3A_98 = arith.constant 4 : i32
      %mul3A_99 = arith.muli %scan3A_93, %mul3A_98 : i32
      %mul3A_100 = arith.constant 16 : i32
      %mul3A_101 = arith.muli %mul3A_99, %mul3A_100 : i32
      %add3A_102 = arith.constant 0 : i32
      %add3A_103 = arith.addi %mul3A_101, %add3A_102 : i32
      %get3A = arith.index_cast %add3A_103 : i32 to index
      %get3A_104 = tpu.vector_load %arg8[%get3A] {strides = array<i32>} : memref<15872xf32, #tpu.memory_space<vmem>>, vector<16xf32>,
      %get3A_105 = vector.shape_cast %get3A_104 : vector<16xf32> to vector<16xf32>
      %gt3A = arith.constant 0.000000e+00 : f32
      %gt3A_106 = vector.broadcast %gt3A : f32 to vector<16xf32>
      %gt3A_107 = arith.cmpf ogt, %get3A_105, %gt3A_106 : vector<16xf32>
      %add3A_108 = arith.constant 0 : i32
      %add3A_109 = arith.addi %mul3A_101, %add3A_108 : i32
      %get3A_110 = arith.index_cast %add3A_109 : i32 to index
      %get3A_111 = tpu.vector_load %arg7[%get3A_110] {strides = array<i32>} : memref<15872xf32, #tpu.memory_space<vmem>>, vector<16xf32>,
      %get3A_112 = vector.shape_cast %get3A_111 : vector<16xf32> to vector<16xf32>
      %mul3A_113 = arith.mulf %get3A_112, %get3A_105 : vector<16xf32>
      %jit3A = arith.constant 0.000000e+00 : f32
      %broadcast_in_dim3A_114 = vector.broadcast %jit3A : f32 to vector<16xf32>
      %select_n3A = arith.select %gt3A_107, %mul3A_113, %broadcast_in_dim3A_114 : vector<16xi1>, vector<16xf32>
      %add3A_115 = arith.addf %scan3A_94, %select_n3A : vector<16xf32>
      %add3A_116 = arith.constant 16 : i32
      %add3A_117 = arith.addi %mul3A_101, %add3A_116 : i32
      %get3A_118 = arith.index_cast %add3A_117 : i32 to index
      %get3A_119 = tpu.vector_load %arg8[%get3A_118] {strides = array<i32>} : memref<15872xf32, #tpu.memory_space<vmem>>, vector<16xf32>,
      %get3A_120 = vector.shape_cast %get3A_119 : vector<16xf32> to vector<16xf32>
      %gt3A_121 = arith.constant 0.000000e+00 : f32
      %gt3A_122 = vector.broadcast %gt3A_121 : f32 to vector<16xf32>
      %gt3A_123 = arith.cmpf ogt, %get3A_120, %gt3A_122 : vector<16xf32>
      %add3A_124 = arith.constant 16 : i32
      %add3A_125 = arith.addi %mul3A_101, %add3A_124 : i32
      %get3A_126 = arith.index_cast %add3A_125 : i32 to index
      %get3A_127 = tpu.vector_load %arg7[%get3A_126] {strides = array<i32>} : memref<15872xf32, #tpu.memory_space<vmem>>, vector<16xf32>,
      %get3A_128 = vector.shape_cast %get3A_127 : vector<16xf32> to vector<16xf32>
      %mul3A_129 = arith.mulf %get3A_128, %get3A_120 : vector<16xf32>
      %jit3A_130 = arith.constant 0.000000e+00 : f32
      %broadcast_in_dim3A_131 = vector.broadcast %jit3A_130 : f32 to vector<16xf32>
      %select_n3A_132 = arith.select %gt3A_123, %mul3A_129, %broadcast_in_dim3A_131 : vector<16xi1>, vector<16xf32>
      %add3A_133 = arith.addf %scan3A_95, %select_n3A_132 : vector<16xf32>
      %add3A_134 = arith.constant 32 : i32
      %add3A_135 = arith.addi %mul3A_101, %add3A_134 : i32
      %get3A_136 = arith.index_cast %add3A_135 : i32 to index
      %get3A_137 = tpu.vector_load %arg8[%get3A_136] {strides = array<i32>} : memref<15872xf32, #tpu.memory_space<vmem>>, vector<16xf32>,
      %get3A_138 = vector.shape_cast %get3A_137 : vector<16xf32> to vector<16xf32>
      %gt3A_139 = arith.constant 0.000000e+00 : f32
      %gt3A_140 = vector.broadcast %gt3A_139 : f32 to vector<16xf32>
      %gt3A_141 = arith.cmpf ogt, %get3A_138, %gt3A_140 : vector<16xf32>
      %add3A_142 = arith.constant 32 : i32
      %add3A_143 = arith.addi %mul3A_101, %add3A_142 : i32
      %get3A_144 = arith.index_cast %add3A_143 : i32 to index
      %get3A_145 = tpu.vector_load %arg7[%get3A_144] {strides = array<i32>} : memref<15872xf32, #tpu.memory_space<vmem>>, vector<16xf32>,
      %get3A_146 = vector.shape_cast %get3A_145 : vector<16xf32> to vector<16xf32>
      %mul3A_147 = arith.mulf %get3A_146, %get3A_138 : vector<16xf32>
      %jit3A_148 = arith.constant 0.000000e+00 : f32
      %broadcast_in_dim3A_149 = vector.broadcast %jit3A_148 : f32 to vector<16xf32>
      %select_n3A_150 = arith.select %gt3A_141, %mul3A_147, %broadcast_in_dim3A_149 : vector<16xi1>, vector<16xf32>
      %add3A_151 = arith.addf %scan3A_96, %select_n3A_150 : vector<16xf32>
      %add3A_152 = arith.constant 48 : i32
      %add3A_153 = arith.addi %mul3A_101, %add3A_152 : i32
      %get3A_154 = arith.index_cast %add3A_153 : i32 to index
      %get3A_155 = tpu.vector_load %arg8[%get3A_154] {strides = array<i32>} : memref<15872xf32, #tpu.memory_space<vmem>>, vector<16xf32>,
      %get3A_156 = vector.shape_cast %get3A_155 : vector<16xf32> to vector<16xf32>
      %gt3A_157 = arith.constant 0.000000e+00 : f32
      %gt3A_158 = vector.broadcast %gt3A_157 : f32 to vector<16xf32>
      %gt3A_159 = arith.cmpf ogt, %get3A_156, %gt3A_158 : vector<16xf32>
      %add3A_160 = arith.constant 48 : i32
      %add3A_161 = arith.addi %mul3A_101, %add3A_160 : i32
      %get3A_162 = arith.index_cast %add3A_161 : i32 to index
      %get3A_163 = tpu.vector_load %arg7[%get3A_162] {strides = array<i32>} : memref<15872xf32, #tpu.memory_space<vmem>>, vector<16xf32>,
      %get3A_164 = vector.shape_cast %get3A_163 : vector<16xf32> to vector<16xf32>
      %mul3A_165 = arith.mulf %get3A_164, %get3A_156 : vector<16xf32>
      %jit3A_166 = arith.constant 0.000000e+00 : f32
      %broadcast_in_dim3A_167 = vector.broadcast %jit3A_166 : f32 to vector<16xf32>
      %select_n3A_168 = arith.select %gt3A_159, %mul3A_165, %broadcast_in_dim3A_167 : vector<16xi1>, vector<16xf32>
      %add3A_169 = arith.addf %scan3A_97, %select_n3A_168 : vector<16xf32>
      scf.yield %add3A_115, %add3A_133, %add3A_151, %add3A_169 : vector<16xf32>, vector<16xf32>, vector<16xf32>, vector<16xf32>
    }
    %scan3A_86 = arith.constant 248 : i32
    %add3A_87 = arith.addf %scan3A_85#0, %scan3A_85#1 : vector<16xf32>
    %add3A_88 = arith.addf %scan3A_85#2, %scan3A_85#3 : vector<16xf32>
    %add3A_89 = arith.addf %add3A_87, %add3A_88 : vector<16xf32>
    %swap3A = arith.constant 0 : index
    %swap3A_90 = tpu.vector_load %arg9[%swap3A] {strides = array<i32>} : memref<16xf32, #tpu.memory_space<vmem>>, vector<16xf32>,
    %swap3A_91 = vector.shape_cast %swap3A_90 : vector<16xf32> to vector<16xf32>
    %swap3A_92 = vector.shape_cast %add3A_89 : vector<16xf32> to vector<16xf32>
    tpu.vector_store %arg9[%swap3A], %swap3A_92 {strides = array<i32>} : memref<16xf32, #tpu.memory_space<vmem>>, vector<16xf32>,
    "tpu.region"() ({
      %run_scoped3A = tpu.sem_alloc : memref<!tpu.dma_semaphore, #tpu.memory_space<semaphore_mem>>
      %dma_start3A_93 = arith.constant 0 : i32
      %dma_start3A_94 = tpu.memref_slice %arg4[%add3A, %dma_start3A_93] : memref<32x16xf32, #tpu.memory_space<hbm>> -> memref<1x16xf32, #tpu.memory_space<hbm>>
      %dma_start3A_95 = tpu.memref_squeeze %dma_start3A_94 : memref<1x16xf32, #tpu.memory_space<hbm>> -> memref<16xf32, #tpu.memory_space<hbm>>
      %dma_start3A_96 = arith.constant 0 : i32
      %dma_start3A_97 = tpu.memref_slice %arg4[%add3A, %dma_start3A_96] : memref<32x16xf32, #tpu.memory_space<hbm>> -> memref<1x16xf32, #tpu.memory_space<hbm>>
      %dma_start3A_98 = tpu.memref_squeeze %dma_start3A_97 : memref<1x16xf32, #tpu.memory_space<hbm>> -> memref<16xf32, #tpu.memory_space<hbm>>
      tpu.enqueue_dma source(%arg9 : memref<16xf32, #tpu.memory_space<vmem>>) target(%dma_start3A_98 : memref<16xf32, #tpu.memory_space<hbm>>) target_semaphore(%run_scoped3A : memref<!tpu.dma_semaphore, #tpu.memory_space<semaphore_mem>>)
      %dma_wait3A_99 = arith.constant 0 : i32
      %dma_wait3A_100 = tpu.memref_slice %arg4[%add3A, %dma_wait3A_99] : memref<32x16xf32, #tpu.memory_space<hbm>> -> memref<1x16xf32, #tpu.memory_space<hbm>>
      %dma_wait3A_101 = tpu.memref_squeeze %dma_wait3A_100 : memref<1x16xf32, #tpu.memory_space<hbm>> -> memref<16xf32, #tpu.memory_space<hbm>>
      %dma_wait3A_102 = arith.constant 0 : i32
      %dma_wait3A_103 = tpu.memref_slice %arg4[%add3A, %dma_wait3A_102] : memref<32x16xf32, #tpu.memory_space<hbm>> -> memref<1x16xf32, #tpu.memory_space<hbm>>
      %dma_wait3A_104 = tpu.memref_squeeze %dma_wait3A_103 : memref<1x16xf32, #tpu.memory_space<hbm>> -> memref<16xf32, #tpu.memory_space<hbm>>
      tpu.wait_dma2 semaphore(%run_scoped3A : memref<!tpu.dma_semaphore, #tpu.memory_space<semaphore_mem>>) src(%arg9 : memref<16xf32, #tpu.memory_space<vmem>>) dst(%dma_wait3A_104 : memref<16xf32, #tpu.memory_space<hbm>>)
      tpu.yield
    }) : () -> ()
    return
  }
}

module attributes {stable_mosaic.version = 14 : i64} {
  func.func @_mlp_body(%arg0: memref<32x16xf32, #tpu.memory_space<vmem>>, %arg1: memref<1x64xf32, #tpu.memory_space<vmem>>, %arg2: memref<1x64xf32, #tpu.memory_space<vmem>>, %arg3: memref<64x128xf32, #tpu.memory_space<vmem>>, %arg4: memref<1x128xf32, #tpu.memory_space<vmem>>, %arg5: memref<128x128xf32, #tpu.memory_space<vmem>>, %arg6: memref<1x128xf32, #tpu.memory_space<vmem>>, %arg7: memref<1x128xf32, #tpu.memory_space<vmem>>) attributes {dimension_semantics = [], scalar_prefetch = 0 : i64, scratch_operands = 0 : i64, tpu.core_type = #tpu.core_type<tc>} {
    %get3A = arith.constant 0 : index
    %get3A_0 = arith.constant 0 : index
    %get3A_1 = vector.load %arg0[%get3A, %get3A_0] : memref<32x16xf32, #tpu.memory_space<vmem>>, vector<32x16xf32>
    %reduce_sum3A = vector.shape_cast %get3A_1 : vector<32x16xf32> to vector<1x32x16xf32>
    %reduce_sum3A_2 = arith.constant dense<0.000000e+00> : vector<1xf32>
    %reduce_sum3A_3 = vector.multi_reduction <add>, %reduce_sum3A, %reduce_sum3A_2 [1, 2] : vector<1x32x16xf32> to vector<1xf32>
    %reduce_sum3A_4 = vector.shape_cast %reduce_sum3A_3 : vector<1xf32> to vector<1x1x1xf32>
    %reduce_sum3A_5 = vector.extract %reduce_sum3A_4[0, 0, 0] : f32 from vector<1x1x1xf32>
    %get3A_6 = arith.constant 0 : index
    %get3A_7 = arith.constant 0 : index
    %get3A_8 = vector.load %arg1[%get3A_6, %get3A_7] : memref<1x64xf32, #tpu.memory_space<vmem>>, vector<1x64xf32>
    %mul3A = vector.broadcast %reduce_sum3A_5 : f32 to vector<1x64xf32>
    %mul3A_9 = arith.mulf %mul3A, %get3A_8 : vector<1x64xf32>
    %get3A_10 = arith.constant 0 : index
    %get3A_11 = arith.constant 0 : index
    %get3A_12 = vector.load %arg2[%get3A_10, %get3A_11] : memref<1x64xf32, #tpu.memory_space<vmem>>, vector<1x64xf32>
    %add3A = arith.addf %mul3A_9, %get3A_12 : vector<1x64xf32>
    %tanh3A = math.tanh %add3A : vector<1x64xf32>
    %get3A_13 = arith.constant 0 : index
    %get3A_14 = arith.constant 0 : index
    %get3A_15 = vector.load %arg3[%get3A_13, %get3A_14] : memref<64x128xf32, #tpu.memory_space<vmem>>, vector<64x128xf32>
    %dot_general3A = arith.constant dense<0.000000e+00> : vector<1x128xf32>
    %dot_general3A_16 = tpu.matmul %tanh3A, %get3A_15, %dot_general3A {dimension_numbers = #tpu.dot_dimension_numbers<[1], [0], [0], [1], [0, 0, 1, 1], [], []>, transpose_lhs_hint = false} : vector<1x64xf32>, vector<64x128xf32>, vector<1x128xf32> -> vector<1x128xf32>
    %get3A_17 = arith.constant 0 : index
    %get3A_18 = arith.constant 0 : index
    %get3A_19 = vector.load %arg4[%get3A_17, %get3A_18] : memref<1x128xf32, #tpu.memory_space<vmem>>, vector<1x128xf32>
    %add3A_20 = arith.addf %dot_general3A_16, %get3A_19 : vector<1x128xf32>
    %tanh3A_21 = math.tanh %add3A_20 : vector<1x128xf32>
    %get3A_22 = arith.constant 0 : index
    %get3A_23 = arith.constant 0 : index
    %get3A_24 = vector.load %arg5[%get3A_22, %get3A_23] : memref<128x128xf32, #tpu.memory_space<vmem>>, vector<128x128xf32>
    %dot_general3A_25 = arith.constant dense<0.000000e+00> : vector<1x128xf32>
    %dot_general3A_26 = tpu.matmul %tanh3A_21, %get3A_24, %dot_general3A_25 {dimension_numbers = #tpu.dot_dimension_numbers<[1], [0], [0], [1], [0, 0, 1, 1], [], []>, transpose_lhs_hint = false} : vector<1x128xf32>, vector<128x128xf32>, vector<1x128xf32> -> vector<1x128xf32>
    %get3A_27 = arith.constant 0 : index
    %get3A_28 = arith.constant 0 : index
    %get3A_29 = vector.load %arg6[%get3A_27, %get3A_28] : memref<1x128xf32, #tpu.memory_space<vmem>>, vector<1x128xf32>
    %add3A_30 = arith.addf %dot_general3A_26, %get3A_29 : vector<1x128xf32>
    %swap3A = arith.constant 0 : index
    %swap3A_31 = arith.constant 0 : index
    %swap3A_32 = vector.load %arg7[%swap3A, %swap3A_31] : memref<1x128xf32, #tpu.memory_space<vmem>>, vector<1x128xf32>
    tpu.vector_store %arg7[%swap3A, %swap3A_31], %add3A_30 {strides = array<i32>} : memref<1x128xf32, #tpu.memory_space<vmem>>, vector<1x128xf32>,
    return
  }
}

module attributes {stable_mosaic.version = 14 : i64} {
  func.func @_rowsum_body(%arg0: i32, %arg1: memref<64x16384xf32, #tpu.memory_space<vmem>>, %arg2: memref<16384xf32, #tpu.memory_space<vmem>>) attributes {dimension_semantics = [#tpu.dimension_semantics<arbitrary>], iteration_bounds = array<i64: 62>, scalar_prefetch = 0 : i64, scratch_operands = 0 : i64, tpu.core_type = #tpu.core_type<tc>, window_params = [{transform_indices = @transform_0, window_bounds = array<i64: 64, 16384>}, {transform_indices = @transform_1, window_bounds = array<i64: 16384>}]} {
    %get3A = arith.constant 0 : index
    %get3A_0 = arith.constant 0 : index
    %get3A_1 = vector.load %arg1[%get3A, %get3A_0] : memref<64x16384xf32, #tpu.memory_space<vmem>>, vector<64x16384xf32>
    %reduce_sum3A = arith.constant dense<0.000000e+00> : vector<16384xf32>
    %reduce_sum3A_2 = vector.multi_reduction <add>, %get3A_1, %reduce_sum3A [0] : vector<64x16384xf32> to vector<16384xf32>
    %swap3A = arith.constant 0 : index
    %swap3A_3 = vector.load %arg2[%swap3A] : memref<16384xf32, #tpu.memory_space<vmem>>, vector<16384xf32>
    tpu.vector_store %arg2[%swap3A], %reduce_sum3A_2 {strides = array<i32>} : memref<16384xf32, #tpu.memory_space<vmem>>, vector<16384xf32>,
    return
  }
  func.func @transform_0(%arg0: i32) -> (i32, i32) {
    %c0_i32 = arith.constant 0 : i32
    %c0_i32_0 = arith.constant 0 : i32
    return %c0_i32, %arg0 : i32, i32
  }
  func.func @transform_1(%arg0: i32) -> i32 {
    %c0_i32 = arith.constant 0 : i32
    return %arg0 : i32
  }
}

</mosaic_0001>

<sc_bundles>
// kernel: kernel.6.cloned.1.call-start
scs
__scs_entry_jumppad:
0x0: {  	(pc) =	sbr.rel $0x88, $3  }
0x1: {  	(tag) =	ssettag $0x0;
	lr =	simm.s32 $0x1  }
0x2: {  	[smem:$0x3F99] =	sst lr;
	_ =	strace $0xD0000000  }
0x3: {  	_ = 	snop  }
0x4: {  	_ = 	snop  }
0x5: {  	_ = 	snop  }
0x6: {  	_ = 	snop  }
0x7: {  	_ = 	snop  }
__scs_overlays_trampoline_lowered:
0x8: {  	[smem:$0x3FA8] =	sst s0  }
0x9: {  	[smem:$0x3FA9] =	sst s1  }
0xa: {  	[smem:$0x3FAA] =	sst s2  }
0xb: {  	[smem:$0x3FAB] =	sst s3  }
0xc: {  	[smem:$0x3FAC] =	sst s4  }
0xd: {  	[smem:$0x3FAD] =	sst s5  }
0xe: {  	[smem:$0x3FAE] =	sst s6  }
0xf: {  	[smem:$0x3FAF] =	sst s7  }
0x10: {  	[smem:$0x3FB0] =	sst s8  }
0x11: {  	[smem:$0x3FB1] =	sst s9;
	s0 =	simm.s32 @!p0 $0x0  }
0x12: {  	s1 =	sld [smem:$0x3F97];
	s0 =	simm.s32 @p0 $0x1  }
0x13: {  	[smem:$0x3FB2] =	sst s0;
	s0 =	simm.s32 @!p1 $0x0  }
0x14: {  	s2 =	sld [smem:$0x3F96];
	s0 =	simm.s32 @p1 $0x1  }
0x15: {  	[smem:$0x3FB3] =	sst s0;
	s0 =	simm.s32 @!p2 $0x0  }
0x16: {  	s3 =	sld [smem:$0x3FDB];
	s0 =	simm.s32 @p2 $0x1  }
0x17: {  	s4 =	simm.s32 $0x1BF5;
	[smem:$0x3FB5] =	sst s0  }
0x18: {  	s0 =	sld [smem:$0x3F98];
	_ =	swait.ge [sflag:s4], $0x0  }
0x19: {  	s7 =	sld [smem:$0x3F99]  }
0x1a: {  	s8 =	sadd.s32 $0xFFFFE003, lr  }
0x1b: {  	s9 =	sadd.s32 $0xFFFFFEF7, lr;
	s5 =	simm.s32 $0xFFFFFFFF;
	p2 =	slt.u32 s8, $0xFFFFF086  }
0x1c: {  	p1 =	slt.u32 s9, $0xF7A;
	s5 =	simm.s32 @!p2 $0x0  }
0x1d: {  	s5 =	simm.s32 @p1 $0x1;
	p0 =	seq.s32 s7, s2  }
0x1e: {  	s7 =	smul.u32 @!p0 $0xF7A, s2;
	p2 =	seq.s32 @!p0 s5, $0x0  }
0x1f: {  	s9 =	smul.u32 $0xF7A, s1;
	s8 =	simm.s32 @!p0 $0x1BF5;
	p2 =	por !p2, p0  }
0x20: {  	[sflag:s8] =	ssyncset.s32 @!p0 $0xFFFFF086;
	s6 =	sadd.s32 @!p0 s3, s7;
	s7 =	simm.s32 @!p0 $0x108  }
0x21: {  	s3 =	sadd.s32 s3, s9;
	s6 =	sadd.s32 @!p0 $0x88, s6;
	s7 =	simm.s32 @p2 $0x1082  }
0x22: {  	[simem:s7], [sflag:s8] =	dma.local @!p0 [hbm:s6], $0xF7A  }
0x23: {  	s9 =	sor.u32 $0xD0000000, s2;
	s6 =	simm.s32 $0x108;
	_ =	swait.ge @!p0 [sflag:s8], $0x0  }
0x24: {  	s3 =	sadd.s32 $0x88, s3;
	s6 =	simm.s32 @!p1 $0x1082;
	[sflag:s4] =	ssyncset.s32 $0xFFFFF086  }
0x25: {  	[simem:s6], [sflag:s4] =	dma.local [hbm:s3], $0xF7A  }
0x26: {  	[smem:$0x3F99] =	sst s1;
	(tag) =	ssettag s2;
	_ =	strace s9  }
0x27: {  	s1 =	sld [smem:$0x3FA9]  }
0x28: {  	s2 =	sld [smem:$0x3FAA]  }
0x29: {  	s4 =	sld [smem:$0x3FAC]  }
0x2a: {  	p0 =	seq.s32 s5, $0x0;
	s5 =	sld [smem:$0x3FAD]  }
0x2b: {  	s6 =	sld [smem:$0x3FAE]  }
0x2c: {  	s7 =	sld [smem:$0x3FAF]  }
0x2d: {  	s3 =	simm.s32 $0x108;
	s8 =	sld [smem:$0x3FB0]  }
0x2e: {  	s3 =	simm.s32 @!p0 $0x1082;
	s9 =	sld [smem:$0x3FB1]  }
0x2f: {  	lr =	sadd.s32 s0, s3;
	s0 =	sld [smem:$0x3FA8]  }
0x30: {  	s3 =	sld [smem:$0x3FAB]  }
0x31: {  	[smem:$0x3FB4] =	sst s10  }
0x32: {  	s10 =	sld [smem:$0x3FB2];
	_ =	sdelay $0x3  }
0x33: {  	p0 =	seq.s32 s10, $0x1;
	s10 =	sld [smem:$0x3FB4];
	_ =	sdelay $0x3  }
0x34: {  	[smem:$0x3FB4] =	sst s10  }
0x35: {  	s10 =	sld [smem:$0x3FB3];
	_ =	sdelay $0x3  }
0x36: {  	p1 =	seq.s32 s10, $0x1;
	s10 =	sld [smem:$0x3FB4];
	_ =	sdelay $0x3  }
0x37: {  	[smem:$0x3FB4] =	sst s10  }
0x38: {  	s10 =	sld [smem:$0x3FB5]  }
0x39: {  	_ = 	snop;
	(pc) =	sbr.ind lr, $3  }
0x3a: {  	_ = 	snop  }
0x3b: {  	_ = 	snop  }
0x3c: {  	p2 =	seq.s32 s10, $0x1;
	s10 =	sld [smem:$0x3FB4]  }
0x3d: {  	_ =	shalt  }
0x3e: {  	_ =	shalt  }
0x3f: {  	_ =	shalt  }
0x40: {  	_ =	shalt  }
0x41: {  	_ =	shalt  }
0x42: {  	_ =	shalt  }
0x43: {  	_ =	shalt  }
0x44: {  	_ =	shalt  }
0x45: {  	_ =	shalt  }
0x46: {  	_ =	shalt  }
0x47: {  	_ =	shalt  }
0x48: {  	_ =	shalt  }
0x49: {  	_ =	shalt  }
0x4a: {  	_ =	shalt  }
0x4b: {  	_ =	shalt  }
0x4c: {  	_ =	shalt  }
0x4d: {  	_ =	shalt  }
0x4e: {  	_ =	shalt  }
0x4f: {  	_ =	shalt  }
0x50: {  	_ =	shalt  }
0x51: {  	_ =	shalt  }
0x52: {  	_ =	shalt  }
0x53: {  	_ =	shalt  }
0x54: {  	_ =	shalt  }
0x55: {  	_ =	shalt  }
0x56: {  	_ =	shalt  }
0x57: {  	_ =	shalt  }
0x58: {  	_ =	shalt  }
0x59: {  	_ =	shalt  }
0x5a: {  	_ =	shalt  }
0x5b: {  	_ =	shalt  }
0x5c: {  	_ =	shalt  }
0x5d: {  	_ =	shalt  }
0x5e: {  	_ =	shalt  }
0x5f: {  	_ =	shalt  }
0x60: {  	_ =	shalt  }
0x61: {  	_ =	shalt  }
0x62: {  	_ =	shalt  }
0x63: {  	_ =	shalt  }
0x64: {  	_ =	shalt  }
0x65: {  	_ =	shalt  }
0x66: {  	_ =	shalt  }
0x67: {  	_ =	shalt  }
0x68: {  	_ =	shalt  }
0x69: {  	_ =	shalt  }
0x6a: {  	_ =	shalt  }
0x6b: {  	_ =	shalt  }
0x6c: {  	_ =	shalt  }
0x6d: {  	_ =	shalt  }
0x6e: {  	_ =	shalt  }
0x6f: {  	_ =	shalt  }
0x70: {  	_ =	shalt  }
0x71: {  	_ =	shalt  }
0x72: {  	_ =	shalt  }
0x73: {  	_ =	shalt  }
0x74: {  	_ =	shalt  }
0x75: {  	_ =	shalt  }
0x76: {  	_ =	shalt  }
0x77: {  	_ =	shalt  }
0x78: {  	_ =	shalt  }
0x79: {  	_ =	shalt  }
0x7a: {  	_ =	shalt  }
0x7b: {  	_ =	shalt  }
0x7c: {  	_ =	shalt  }
0x7d: {  	_ =	shalt  }
0x7e: {  	_ =	shalt  }
0x7f: {  	_ =	shalt  }
0x80: {  	_ =	shalt  }
0x81: {  	_ =	shalt  }
0x82: {  	_ =	shalt  }
0x83: {  	_ =	shalt  }
0x84: {  	_ =	shalt  }
0x85: {  	_ =	shalt  }
0x86: {  	_ =	shalt  }
0x87: {  	_ =	shalt  }
.Lfunc_end0:
.L_simem_size_0:
called_computation_lowered:
.L_overlay_start_0:
0x88: {  	s2 =	sld [smem:$0x3FD9]  }
0x89: {  	s3 =	sld [smem:$0x3FFE];
	_ =	sdelay $0x1  }
0x8a: {  	s1 =	srdreg.scid  }
0x8b: {  	s0 =	sand.u32 $0x1, s1  }
0x8c: {  	s17 =	sshll.u32 s0, $0xA;
	s2 =	sadd.s32 s3, s2  }
0x8d: {  	s2 =	sadd.s32 s2, s17  }
0x8e: {  	[smem:$0x3FC0] =	sst s2  }
0x8f: {  	_ = 	snop  }
0x90: {  	s2 =	sld [smem:$0x3FC9];
	(tm) =	ssettm $0x1  }
0x91: {  	s18 =	sld [smem:$0x3FFB];
	_ =	sdelay $0x3  }
0x92: {  	_ =	strace s18  }
0x93: {  	s3 =	sld [smem:$0x3FFC];
	_ =	sdelay $0x3  }
0x94: {  	_ =	strace s3  }
0x95: {  	s3 =	sld [smem:$0x3FFD];
	_ =	sdelay $0x3  }
0x96: {  	_ =	strace s3  }
0x97: {  	_ =	strace $0x8FFFFFFF  }
0x98: {  	s19 =	sld [smem:$0x3FDB];
	_ =	sdelay $0x1  }
0x99: {  	s4 =	simm.s32 $_scs_section_size  }
0x9a: {  	s5 =	simm.s32 $_size__tile_overlayer_lowered;
	s6 =	simm.s32 $_tile_overlayer_lowered  }
0x9b: {  	s22 =	simm.s32 $0x1BFF;
	s21 =	sshll.u32 s6, $0x1;
	s3 =	sadd.s32 s4, s19  }
0x9c: {  	s7 =	simm.s32 $0x0;
	s20 =	sshll.u32 s5, $0x1;
	s5 =	sadd.s32 s21, s3  }
0x9d: {  	[timem:s7], [sflag:s22] =	dma.local [hbm:s5], s20  }
0x9e: {  	_ =	swait.ge [sflag:s22], s20  }
0x9f: {  	s4 =	ssub.s32 $0x0, s20;
	[sflag:s22] =	ssyncset.done $0x0  }
0xa0: {  	[sflag:s22] =	ssyncadd.s32 s4;
	_ =	sdelay $0x1  }
0xa1: {  	s23 =	simm.s32 $0x1B8B  }
0xa2: {  	_ =	swait.ge [sflag:s23], $0x1  }
0xa3: {  	[sflag:s23] =	ssyncset.done $0x0  }
0xa4: {  	s25 =	simm.s32 $0x1B8E;
	s24 =	sld [smem:$0x3FFE];
	[sflag:s23] =	ssyncadd.s32 $0xFFFFFFFF  }
0xa5: {  	s26 =	simm.s32 $execute0_lowered;
	[smem:$0x3FD2] =	sst s25  }
0xa6: {  	s5 =	sshll.u32 s26, $0x1;
	_ =	strace $0x80000046;
	[dreg:$0x1] =	wrdreg $0xFFFFFFFF  }
0xa7: {  	s28 =	simm.s32 $_size_execute0_lowered;
	s3 =	sadd.s32 s3, s5;
	[dreg:$0x0] =	wrdreg $0x0  }
0xa8: {  	s5 =	sshll.u32 s28, $0x1;
	[dreg:$0x2] =	wrdreg s3  }
0xa9: {  	[dreg:$0x3] =	wrdreg s5  }
0xaa: {  	[dreg:$0x4] =	wrdreg $0xC0  }
0xab: {  	_ =	task [dreg:s7], $0x5FFFF  }
0xac: {  	[dreg:$0x1] =	wrdreg $0xFFFFFFFF  }
0xad: {  	[dreg:$0x0] =	wrdreg $0x60  }
0xae: {  	[dreg:$0x2] =	wrdreg s2  }
0xaf: {  	[dreg:$0x3] =	wrdreg s24  }
0xb0: {  	[dreg:$0x4] =	wrdreg $0xF8000  }
0xb1: {  	[dreg:$0x5] =	wrdreg $0x9  }
0xb2: {  	_ =	task.clear_ibuf [dreg:s7], $0x6FFFF;
	_ =	strace $0x90000046  }
0xb3: {  	s29 =	simm.s32 $0x9;
	_ =	strace $0x80000048  }
0xb4: {  	_ =	swait.ge [sflag:s29], $0x1  }
0xb5: {  	[sflag:s29] =	ssyncadd.s32 $0xFFFFFFFF  }
0xb6: {  	_ =	strace $0x90000048  }
0xb7: {  	_ =	sfence  }
0xb8: {  	s30 =	sld [smem:$0x0];
	_ =	sdelay $0x2  }
0xb9: {  	s31 =	sshll.u32 s1, $0xD;
	s1 =	sshrl.u32 s1, $0x2  }
0xba: {  	s3 =	sand.u32 $0x4000, s31;
	s1 =	sadd.s32 s1, s30  }
0xbb: {  	s0 =	sor.u32 s3, s0;
	s1 =	sshll.u32 s1, $0x11  }
0xbc: {  	s0 =	sor.u32 s1, s0  }
0xbd: {  	s0 =	sadd.s32 $0x8F2B, s0  }
0xbe: {  	[sflag:s0] =	ssyncadd.remote.s32 $0x1  }
0xbf: {  	_ =	sfence.sel $0xFFFF  }
0xc0: {  	[dreg:$0x0] =	wrdreg $0xFFFFFFFF;
	(pc) =	sbr.abs _section_cstart, $3  }
0xc1: {  	[dreg:$0x1] =	wrdreg $0xFFFFFFFF  }
0xc2: {  	_ =	task.clear_ibuf [dreg:s7], $0x2FFFF;
	_ =	strace $0x9FFFFFFF  }
0xc3: {  	(tm) =	ssettm $0x7FFFFFFF  }
tec
execute0_lowered:
.L_overlay_start_1:
0x0: {  	(tag) =	ssettag $0x1  }
0x1: {  	s0 =	srdreg.scid;
	s1 =	rddreg [dreg:$0x0]  }
0x2: {  	s4 =	stileid.u32;
	s26 =	stileid.u32  }
0x3: {  	s2 =	sand.u32 $0x1, s0;
	s25 =	sshll.u32 s4, $0xA;
	s5 =	sshll.u32 s4, $0x9  }
0x4: {  	s14 =	sshll.u32 s26, $0x11;
	s0 =	ssub.s32 $0x2, s2;
	s24 =	sshll.u32 s2, $0x9  }
0x5: {  	s16 =	sor.u32 $0x20, s5;
	s22 =	sor.u32 $0x40, s5;
	s23 =	sor.u32 $0x60, s5  }
0x6: {  	s11 =	sor.u32 $0x80, s5;
	s12 =	sor.u32 $0xA0, s5;
	s13 =	sor.u32 $0xC0, s5  }
0x7: {  	s8 =	sor.u32 $0xE0, s5;
	s9 =	sor.u32 $0x100, s5;
	s10 =	sor.u32 $0x120, s5  }
0x8: {  	s6 =	sor.u32 $0x160, s5;
	s7 =	sor.u32 $0x180, s5;
	s2 =	sshll.u32 s2, $0x7  }
0x9: {  	s3 =	sshrl.u32 s0, $0x1;
	s14 =	sor.u32 s2, s14;
	s15 =	sshll.u32 s16, $0x8  }
0xa: {  	s17 =	sshll.u32 s22, $0x8;
	s18 =	sshll.u32 s23, $0x8;
	s19 =	sshll.u32 s11, $0x8  }
0xb: {  	s20 =	sshll.u32 s12, $0x8;
	s21 =	sshll.u32 s13, $0x8;
	s26 =	sshll.u32 s10, $0x8  }
0xc: {  	s29 =	sshll.u32 s6, $0x8;
	s30 =	sshll.u32 s7, $0x8;
	s22 =	sshll.u32 s22, $0x7  }
0xd: {  	s0 =	ssub.s32 s0, s3;
	s3 =	sor.u32 $0x140, s5;
	s15 =	sor.u32 s2, s15  }
0xe: {  	s17 =	sor.u32 s2, s17;
	s18 =	sor.u32 s2, s18;
	s19 =	sor.u32 s2, s19  }
0xf: {  	s20 =	sor.u32 s2, s20;
	s21 =	sor.u32 s2, s21;
	s26 =	sor.u32 s2, s26  }
0x10: {  	s29 =	sor.u32 s2, s29;
	s30 =	sor.u32 s2, s30;
	s14 =	sshrl.u32 s14, $0x3  }
0x11: {  	[dreg:$0x18] =	wrdreg s0;
	s0 =	sadd.s32 s1, s24;
	s1 =	sor.u32 $0x1C0, s5  }
0x12: {  	s24 =	sshll.u32 s8, $0x8;
	s28 =	sshll.u32 s3, $0x8;
	s15 =	sshrl.u32 s15, $0x3  }
0x13: {  	s17 =	sshrl.u32 s17, $0x3;
	s8 =	sshll.u32 s8, $0x7;
	s0 =	sadd.s32 s25, s0  }
0x14: {  	[dreg:$0x1a] =	wrdreg s1;
	s25 =	sshll.u32 s9, $0x8;
	s24 =	sor.u32 s2, s24  }
0x15: {  	s28 =	sor.u32 s2, s28;
	s4 =	sshll.u32 s1, $0x8;
	[dreg:$0x4] =	wrdreg s0  }
0x16: {  	s0 =	sor.u32 $0x1A0, s5;
	s5 =	sor.u32 $0x1E0, s5;
	s25 =	sor.u32 s2, s25  }
0x17: {  	s1 =	sor.u32 s2, s4;
	s24 =	sshrl.u32 s24, $0x3;
	[dreg:$0x19] =	wrdreg s0  }
0x18: {  	s31 =	sshll.u32 s0, $0x8;
	s0 =	sshll.u32 s5, $0x8;
	s25 =	sshrl.u32 s25, $0x3  }
0x19: {  	s1 =	sshrl.u32 s1, $0x3;
	s4 =	sor.u32 s2, s0;
	s0 =	rddreg [dreg:$0x1]  }
0x1a: {  	s31 =	sor.u32 s2, s31;
	s2 =	simm.s32 $0x0;
	s0 =	sadd.s32 $0x1800, s0  }
0x1b: {  	s5 =	sshll.u32 s5, $0x7;
	[smem:$0x7FF] =	sst s2;
	s14 =	sadd.s32 s0, s14  }
0x1c: {  	s2 =	sshrl.u32 s18, $0x3;
	s17 =	sadd.s32 s0, s17;
	[dreg:$0x5] =	wrdreg s14  }
0x1d: {  	s1 =	sadd.s32 s0, s1;
	s14 =	sadd.s32 s0, s15;
	[dreg:$0x7] =	wrdreg s17  }
0x1e: {  	s15 =	sshrl.u32 s19, $0x3;
	s17 =	sshrl.u32 s20, $0x3;
	[dreg:$0x13] =	wrdreg s1  }
0x1f: {  	s20 =	sshrl.u32 s21, $0x3;
	[dreg:$0x6] =	wrdreg s14;
	s14 =	sadd.s32 s0, s2  }
0x20: {  	s18 =	sadd.s32 s0, s15;
	s19 =	sadd.s32 s0, s17;
	[dreg:$0x8] =	wrdreg s14  }
0x21: {  	s21 =	sadd.s32 s0, s20;
	s15 =	sadd.s32 s0, s25;
	[dreg:$0x9] =	wrdreg s18  }
0x22: {  	s17 =	sshrl.u32 s26, $0x3;
	s20 =	sshrl.u32 s29, $0x3;
	[dreg:$0xa] =	wrdreg s19  }
0x23: {  	s25 =	sshrl.u32 s30, $0x3;
	s2 =	sshrl.u32 s31, $0x3;
	[dreg:$0xb] =	wrdreg s21  }
0x24: {  	s14 =	sadd.s32 s0, s24;
	[dreg:$0xd] =	wrdreg s15;
	s18 =	sadd.s32 s0, s17  }
0x25: {  	s19 =	sshrl.u32 s28, $0x3;
	s24 =	sadd.s32 s0, s20;
	[dreg:$0xc] =	wrdreg s14  }
0x26: {  	s26 =	sadd.s32 s0, s25;
	s15 =	sshrl.u32 s4, $0x3;
	[dreg:$0xe] =	wrdreg s18  }
0x27: {  	s17 =	stileid.u32;
	s25 =	sshll.u32 s11, $0x7;
	[dreg:$0x10] =	wrdreg s24  }
0x28: {  	s11 =	sshll.u32 s9, $0x7;
	s9 =	simm.s32 $0x1400;
	[dreg:$0x11] =	wrdreg s26  }
0x29: {  	s21 =	sadd.s32 s0, s19;
	s14 =	sadd.s32 s0, s2;
	s19 =	rddreg [dreg:$0x2]  }
0x2a: {  	s18 =	sshll.u32 s17, $0x10;
	s0 =	sadd.s32 s0, s15;
	s24 =	sshll.u32 s23, $0x7  }
0x2b: {  	s26 =	sshll.u32 s12, $0x7;
	s2 =	sshll.u32 s13, $0x7;
	s12 =	sshll.u32 s10, $0x7  }
0x2c: {  	s13 =	sshll.u32 s3, $0x7;
	s15 =	sshll.u32 s7, $0x7;
	[dreg:$0xf] =	wrdreg s21  }
0x2d: {  	s7 =	simm.s32 $0x1;
	s10 =	simm.s32 $0xD400;
	[dreg:$0x12] =	wrdreg s14  }
0x2e: {  	[dreg:$0x14] =	wrdreg s0;
	s20 =	sadd.s32 s18, s19;
	s21 =	sshll.u32 s16, $0x7  }
0x2f: {  	s23 =	sadd.s32 s22, s19;
	s24 =	sadd.s32 s24, s19;
	s25 =	sadd.s32 s25, s19  }
0x30: {  	s26 =	sadd.s32 s26, s19;
	s28 =	sadd.s32 s2, s19;
	s29 =	sadd.s32 s8, s19  }
0x31: {  	s30 =	sadd.s32 s11, s19;
	s31 =	sadd.s32 s12, s19;
	s14 =	sshll.u32 s6, $0x7  }
0x32: {  	_ =	strace $0x80000047;
	[dreg:$0x15] =	wrdreg s20;
	s0 =	sadd.s32 s21, s19  }
0x33: {  	s16 =	sadd.s32 s13, s19;
	s1 =	sadd.s32 s15, s19;
	[dreg:$0x16] =	wrdreg s0  }
0x34: {  	s5 =	sadd.s32 s5, s19;
	s8 =	simm.s32 $0xE800;
	s17 =	rddreg [dreg:$0x19]  }
0x35: {  	s11 =	simm.s32 $0x80;
	s12 =	simm.s32 $0x100;
	s20 =	rddreg [dreg:$0x1a]  }
0x36: {  	s13 =	simm.s32 $0x0;
	s0 =	sadd.s32 s14, s19;
	s22 =	rddreg [dreg:$0x18]  }
0x37: {  	s18 =	sshll.u32 s17, $0x7;
	s21 =	sshll.u32 s20, $0x7;
	s2 =	smax.u32 s22, $0x1  }
0x38: {  	v0 =	vimm.f32 $1.000000000e+00;
	v1 =	vimm.f32 $0.0e+00;
	s3 =	sadd.s32 s18, s19;
	s4 =	sadd.s32 s21, s19;
	[dreg:$0x17] =	wrdreg s2  }
.LBB2_1:
0x39: {  	s2 =	rddreg [dreg:$0x4];
	s18 =	simm.s32 $0x0  }
0x3a: {  	s6 =	simm.s32 $0x1000;
	s14 =	simm.s32 $0x20000;
	s21 =	simm.s32 $0x0  }
0x3b: {  	[tilespmem:s18], [sflag:$0x1] =	stream.strided.gather [hbm4b:s2+s6], $0x7000, s14, s6, $0x38;
	[tilespmem:$0x1F800] =	vst v63  }
0x3c: {  	s20 =	simm.s32 $0x0;
	s14 =	simm.s32 $0x0;
	s17 =	sand.u32 $0xC00, s18  }
0x3d: {  	s6 =	sand.u32 $0x380, s21;
	s22 =	sand.u32 $0x70, s18;
	s15 =	sand.u32 $0x7000, s14  }
0x3e: {  	s18 =	simm.s32 $0x0;
	_ =	swait.ge [sflag:s7], $0x7000;
	s15 =	sor.u32 s17, s15  }
0x3f: {  	[sflag:s7] =	ssyncset.done $0x0;
	s17 =	simm.s32 $0x0;
	s6 =	sor.u32 s6, s15  }
0x40: {  	[sflag:s7] =	ssyncadd.s32 $0xFFFF9000;
	s15 =	simm.s32 $0x1;
	s6 =	sor.u32 s22, s6  }
.LBB2_2:
0x41: {  	s2 =	sshll.u32 s15, $0x2;
	s17 =	sadd.s32 $0x80, s17  }
0x42: {  	v2 =	vld [tilespmem:s6+$0x0];
	s18 =	sadd.s32 $0x10, s18;
	s6 =	smov.u32 s14;
	p0 =	sne.s32 s15, $0x63F  }
.Ltmp0:
0x43: {  	s14 =	sshll.u32 s15, $0x4;
	s15 =	sadd.s32 $0x1, s15;
	(pc) =	sbr.rel @p0 .LBB2_2-.Ltmp0, $4  }
0x44: {  	s20 =	sand.u32 $0x1F0, s20;
	s21 =	sand.u32 $0x7000, s14;
	s22 =	sand.u32 $0xC00, s17  }
0x45: {  	s2 =	sand.u32 $0x380, s2;
	s6 =	sand.u32 $0x3FFFFE00, s6;
	s21 =	sor.u32 s22, s21  }
0x46: {  	s22 =	sand.u32 $0x70, s18;
	s20 =	sor.u32 s20, s6;
	s2 =	sor.u32 s2, s21  }
0x47: {  	s6 =	sor.u32 s22, s2;
	[tilespmem:s20+$0x7000] =	vst v2;
	s20 =	smov.u32 s18  }
0x48: {  	v2 =	vld [tilespmem:s6+$0x0];
	_ =	sdelay $0x2  }
0x49: {  	s2 =	sand.u32 $0x1F0, s20;
	s22 =	sand.u32 $0x3FFFFE00, s14  }
0x4a: {  	s2 =	sor.u32 s2, s22  }
0x4b: {  	s14 =	simm.s32 $0x40;
	s6 =	simm.s32 $0x0;
	[tilespmem:s2+$0x7000] =	vst v2  }
.LBB2_4:
0x4c: {  	p0 =	sne.s32 s14, $0x4FC0;
	[tilespmem:s6+$0xD400] =	vst v0;
	s2 =	smov.u32 s14;
	s14 =	sadd.s32 $0x40, s14  }
.Ltmp1:
0x4d: {  	(pc) =	sbr.rel @p0 .LBB2_4-.Ltmp1, $2  }
0x4e: {  	_ =	sdelay $0x2  }
0x4f: {  	s6 =	sshra.s32 s2, $0x2  }
0x50: {  	[tilespmem:s6+$0xD400] =	vst v0;
	s14 =	simm.s32 $0x40;
	s6 =	simm.s32 $0x0  }
.LBB2_6:
0x51: {  	p0 =	sne.s32 s14, $0x3FC0;
	[tilespmem:s6+$0xE800] =	vst v1;
	s2 =	smov.u32 s14;
	s14 =	sadd.s32 $0x40, s14  }
.Ltmp2:
0x52: {  	(pc) =	sbr.rel @p0 .LBB2_6-.Ltmp2, $2  }
0x53: {  	_ =	sdelay $0x2  }
0x54: {  	s6 =	sshra.s32 s2, $0x2  }
0x55: {  	[tilespmem:s6+$0xE800] =	vst v1;
	s2 =	rddreg [dreg:$0x15]  }
0x56: {  	[spmem:s2] =	stream.linear.scatter [tilespmem:s8], [sflag:$0x1], $0x1000, $0x38;
	[tilespmem:$0x1F800] =	vst v63  }
0x57: {  	_ =	swait.ge [sflag:s7], $0x1000  }
0x58: {  	[sflag:s7] =	ssyncset.done $0x0  }
0x59: {  	s15 =	rddreg [dreg:$0x16];
	[sflag:s7] =	ssyncadd.s32 $0xFFFFF000  }
0x5a: {  	[spmem:s15] =	stream.linear.scatter [tilespmem:s8], [sflag:$0x1], $0x1000, $0x38;
	[tilespmem:$0x1F800] =	vst v63  }
0x5b: {  	_ =	swait.ge [sflag:s7], $0x1000  }
0x5c: {  	[sflag:s7] =	ssyncset.done $0x0  }
0x5d: {  	[sflag:s7] =	ssyncadd.s32 $0xFFFFF000  }
0x5e: {  	[spmem:s23] =	stream.linear.scatter [tilespmem:s8], [sflag:$0x1], $0x1000, $0x38;
	[tilespmem:$0x1F800] =	vst v63  }
0x5f: {  	_ =	swait.ge [sflag:s7], $0x1000  }
0x60: {  	[sflag:s7] =	ssyncset.done $0x0  }
0x61: {  	[sflag:s7] =	ssyncadd.s32 $0xFFFFF000  }
0x62: {  	[spmem:s24] =	stream.linear.scatter [tilespmem:s8], [sflag:$0x1], $0x1000, $0x38;
	[tilespmem:$0x1F800] =	vst v63  }
0x63: {  	_ =	swait.ge [sflag:s7], $0x1000  }
0x64: {  	[sflag:s7] =	ssyncset.done $0x0  }
0x65: {  	[sflag:s7] =	ssyncadd.s32 $0xFFFFF000  }
0x66: {  	[spmem:s25] =	stream.linear.scatter [tilespmem:s8], [sflag:$0x1], $0x1000, $0x38;
	[tilespmem:$0x1F800] =	vst v63  }
0x67: {  	_ =	swait.ge [sflag:s7], $0x1000  }
0x68: {  	[sflag:s7] =	ssyncset.done $0x0  }
0x69: {  	[sflag:s7] =	ssyncadd.s32 $0xFFFFF000  }
0x6a: {  	[spmem:s26] =	stream.linear.scatter [tilespmem:s8], [sflag:$0x1], $0x1000, $0x38;
	[tilespmem:$0x1F800] =	vst v63  }
0x6b: {  	_ =	swait.ge [sflag:s7], $0x1000  }
0x6c: {  	[sflag:s7] =	ssyncset.done $0x0  }
0x6d: {  	[sflag:s7] =	ssyncadd.s32 $0xFFFFF000  }
0x6e: {  	[spmem:s28] =	stream.linear.scatter [tilespmem:s8], [sflag:$0x1], $0x1000, $0x38;
	[tilespmem:$0x1F800] =	vst v63  }
0x6f: {  	_ =	swait.ge [sflag:s7], $0x1000  }
0x70: {  	[sflag:s7] =	ssyncset.done $0x0  }
0x71: {  	[sflag:s7] =	ssyncadd.s32 $0xFFFFF000  }
0x72: {  	[spmem:s29] =	stream.linear.scatter [tilespmem:s8], [sflag:$0x1], $0x1000, $0x38;
	[tilespmem:$0x1F800] =	vst v63  }
0x73: {  	_ =	swait.ge [sflag:s7], $0x1000  }
0x74: {  	[sflag:s7] =	ssyncset.done $0x0  }
0x75: {  	[sflag:s7] =	ssyncadd.s32 $0xFFFFF000  }
0x76: {  	[spmem:s30] =	stream.linear.scatter [tilespmem:s8], [sflag:$0x1], $0x1000, $0x38;
	[tilespmem:$0x1F800] =	vst v63  }
0x77: {  	_ =	swait.ge [sflag:s7], $0x1000  }
0x78: {  	[sflag:s7] =	ssyncset.done $0x0  }
0x79: {  	[sflag:s7] =	ssyncadd.s32 $0xFFFFF000  }
0x7a: {  	[spmem:s31] =	stream.linear.scatter [tilespmem:s8], [sflag:$0x1], $0x1000, $0x38;
	[tilespmem:$0x1F800] =	vst v63  }
0x7b: {  	_ =	swait.ge [sflag:s7], $0x1000  }
0x7c: {  	[sflag:s7] =	ssyncset.done $0x0  }
0x7d: {  	[sflag:s7] =	ssyncadd.s32 $0xFFFFF000  }
0x7e: {  	[spmem:s16] =	stream.linear.scatter [tilespmem:s8], [sflag:$0x1], $0x1000, $0x38;
	[tilespmem:$0x1F800] =	vst v63  }
0x7f: {  	_ =	swait.ge [sflag:s7], $0x1000  }
0x80: {  	[sflag:s7] =	ssyncset.done $0x0  }
0x81: {  	[sflag:s7] =	ssyncadd.s32 $0xFFFFF000  }
0x82: {  	[spmem:s0] =	stream.linear.scatter [tilespmem:s8], [sflag:$0x1], $0x1000, $0x38;
	[tilespmem:$0x1F800] =	vst v63  }
0x83: {  	_ =	swait.ge [sflag:s7], $0x1000  }
0x84: {  	[sflag:s7] =	ssyncset.done $0x0  }
0x85: {  	[sflag:s7] =	ssyncadd.s32 $0xFFFFF000  }
0x86: {  	[spmem:s1] =	stream.linear.scatter [tilespmem:s8], [sflag:$0x1], $0x1000, $0x38;
	[tilespmem:$0x1F800] =	vst v63  }
0x87: {  	_ =	swait.ge [sflag:s7], $0x1000  }
0x88: {  	[sflag:s7] =	ssyncset.done $0x0  }
0x89: {  	[sflag:s7] =	ssyncadd.s32 $0xFFFFF000  }
0x8a: {  	[spmem:s3] =	stream.linear.scatter [tilespmem:s8], [sflag:$0x1], $0x1000, $0x38;
	[tilespmem:$0x1F800] =	vst v63  }
0x8b: {  	_ =	swait.ge [sflag:s7], $0x1000  }
0x8c: {  	[sflag:s7] =	ssyncset.done $0x0  }
0x8d: {  	[sflag:s7] =	ssyncadd.s32 $0xFFFFF000  }
0x8e: {  	[spmem:s4] =	stream.linear.scatter [tilespmem:s8], [sflag:$0x1], $0x1000, $0x38;
	[tilespmem:$0x1F800] =	vst v63  }
0x8f: {  	_ =	swait.ge [sflag:s7], $0x1000  }
0x90: {  	[sflag:s7] =	ssyncset.done $0x0  }
0x91: {  	[sflag:s7] =	ssyncadd.s32 $0xFFFFF000  }
0x92: {  	[spmem:s5] =	stream.linear.scatter [tilespmem:s8], [sflag:$0x1], $0x1000, $0x38;
	[tilespmem:$0x1F800] =	vst v63  }
0x93: {  	_ =	swait.ge [sflag:s7], $0x1000  }
0x94: {  	[sflag:s7] =	ssyncset.done $0x0  }
0x95: {  	[sflag:s7] =	ssyncadd.s32 $0xFFFFF000  }
0x96: {  	s14 =	simm.s32 $0x7000;
	[bflag:$0x0] =	sbarrier.arrive $0xFFFF  }
0x97: {  	[spmem:s19] =	stream.indirect.scatter.add.f32 [tilespmem:s10], [sflag:$0x1], $0x1, s14, s9, $0xb8;
	[tilespmem:$0x1F800] =	vst v63  }
0x98: {  	_ =	swait.ge [sflag:s7], $0x1400  }
0x99: {  	[sflag:s7] =	ssyncset.done $0x0  }
0x9a: {  	s17 =	simm.s32 $0x8400;
	[sflag:s7] =	ssyncadd.s32 $0xFFFFEC00  }
0x9b: {  	[spmem:s19] =	stream.indirect.scatter.add.f32 [tilespmem:s10], [sflag:$0x1], $0x1, s17, s9, $0xb8;
	[tilespmem:$0x1F800] =	vst v63  }
0x9c: {  	_ =	swait.ge [sflag:s7], $0x1400  }
0x9d: {  	[sflag:s7] =	ssyncset.done $0x0  }
0x9e: {  	s18 =	simm.s32 $0x9800;
	[sflag:s7] =	ssyncadd.s32 $0xFFFFEC00  }
0x9f: {  	[spmem:s19] =	stream.indirect.scatter.add.f32 [tilespmem:s10], [sflag:$0x1], $0x1, s18, s9, $0xb8;
	[tilespmem:$0x1F800] =	vst v63  }
0xa0: {  	_ =	swait.ge [sflag:s7], $0x1400  }
0xa1: {  	[sflag:s7] =	ssyncset.done $0x0  }
0xa2: {  	s20 =	simm.s32 $0xAC00;
	[sflag:s7] =	ssyncadd.s32 $0xFFFFEC00  }
0xa3: {  	[spmem:s19] =	stream.indirect.scatter.add.f32 [tilespmem:s10], [sflag:$0x1], $0x1, s20, s9, $0xb8;
	[tilespmem:$0x1F800] =	vst v63  }
0xa4: {  	_ =	swait.ge [sflag:s7], $0x1400  }
0xa5: {  	[sflag:s7] =	ssyncset.done $0x0  }
0xa6: {  	s21 =	simm.s32 $0xC000;
	[sflag:s7] =	ssyncadd.s32 $0xFFFFEC00  }
0xa7: {  	[spmem:s19] =	stream.indirect.scatter.add.f32 [tilespmem:s10], [sflag:$0x1], $0x1, s21, s9, $0xb8;
	[tilespmem:$0x1F800] =	vst v63  }
0xa8: {  	_ =	swait.ge [sflag:s7], $0x1400  }
0xa9: {  	[sflag:s7] =	ssyncset.done $0x0  }
0xaa: {  	[sflag:s7] =	ssyncadd.s32 $0xFFFFEC00  }
0xab: {  	[bflag:$0x0] =	sbarrier.arrive $0xFFFF  }
0xac: {  	[tilespmem:s8], [sflag:$0x1] =	stream.linear.gather [spmem:s2], $0x1000, $0x38;
	[tilespmem:$0x1F800] =	vst v63  }
0xad: {  	_ =	swait.ge [sflag:s7], $0x1000  }
0xae: {  	[sflag:s7] =	ssyncset.done $0x0  }
0xaf: {  	s22 =	rddreg [dreg:$0x5];
	[sflag:s7] =	ssyncadd.s32 $0xFFFFF000  }
0xb0: {  	[hbm4b:s22+s11] =	stream.strided.scatter [tilespmem:s8], [sflag:$0x1], $0x1000, s12, s11, $0x38;
	[tilespmem:$0x1F800] =	vst v63  }
0xb1: {  	_ =	swait.ge [sflag:s7], $0x1000  }
0xb2: {  	[sflag:s7] =	ssyncset.done $0x0  }
0xb3: {  	[sflag:s7] =	ssyncadd.s32 $0xFFFFF000  }
0xb4: {  	[tilespmem:s8], [sflag:$0x1] =	stream.linear.gather [spmem:s15], $0x1000, $0x38;
	[tilespmem:$0x1F800] =	vst v63  }
0xb5: {  	_ =	swait.ge [sflag:s7], $0x1000  }
0xb6: {  	[sflag:s7] =	ssyncset.done $0x0  }
0xb7: {  	s6 =	rddreg [dreg:$0x6];
	[sflag:s7] =	ssyncadd.s32 $0xFFFFF000  }
0xb8: {  	[hbm4b:s6+s11] =	stream.strided.scatter [tilespmem:s8], [sflag:$0x1], $0x1000, s12, s11, $0x38;
	[tilespmem:$0x1F800] =	vst v63  }
0xb9: {  	_ =	swait.ge [sflag:s7], $0x1000  }
0xba: {  	[sflag:s7] =	ssyncset.done $0x0  }
0xbb: {  	[sflag:s7] =	ssyncadd.s32 $0xFFFFF000  }
0xbc: {  	[tilespmem:s8], [sflag:$0x1] =	stream.linear.gather [spmem:s23], $0x1000, $0x38;
	[tilespmem:$0x1F800] =	vst v63  }
0xbd: {  	_ =	swait.ge [sflag:s7], $0x1000  }
0xbe: {  	[sflag:s7] =	ssyncset.done $0x0  }
0xbf: {  	s14 =	rddreg [dreg:$0x7];
	[sflag:s7] =	ssyncadd.s32 $0xFFFFF000  }
0xc0: {  	[hbm4b:s14+s11] =	stream.strided.scatter [tilespmem:s8], [sflag:$0x1], $0x1000, s12, s11, $0x38;
	[tilespmem:$0x1F800] =	vst v63  }
0xc1: {  	_ =	swait.ge [sflag:s7], $0x1000  }
0xc2: {  	[sflag:s7] =	ssyncset.done $0x0  }
0xc3: {  	[sflag:s7] =	ssyncadd.s32 $0xFFFFF000  }
0xc4: {  	[tilespmem:s8], [sflag:$0x1] =	stream.linear.gather [spmem:s24], $0x1000, $0x38;
	[tilespmem:$0x1F800] =	vst v63  }
0xc5: {  	_ =	swait.ge [sflag:s7], $0x1000  }
0xc6: {  	[sflag:s7] =	ssyncset.done $0x0  }
0xc7: {  	s15 =	rddreg [dreg:$0x8];
	[sflag:s7] =	ssyncadd.s32 $0xFFFFF000  }
0xc8: {  	[hbm4b:s15+s11] =	stream.strided.scatter [tilespmem:s8], [sflag:$0x1], $0x1000, s12, s11, $0x38;
	[tilespmem:$0x1F800] =	vst v63  }
0xc9: {  	_ =	swait.ge [sflag:s7], $0x1000  }
0xca: {  	[sflag:s7] =	ssyncset.done $0x0  }
0xcb: {  	[sflag:s7] =	ssyncadd.s32 $0xFFFFF000  }
0xcc: {  	[tilespmem:s8], [sflag:$0x1] =	stream.linear.gather [spmem:s25], $0x1000, $0x38;
	[tilespmem:$0x1F800] =	vst v63  }
0xcd: {  	_ =	swait.ge [sflag:s7], $0x1000  }
0xce: {  	[sflag:s7] =	ssyncset.done $0x0  }
0xcf: {  	s17 =	rddreg [dreg:$0x9];
	[sflag:s7] =	ssyncadd.s32 $0xFFFFF000  }
0xd0: {  	[hbm4b:s17+s11] =	stream.strided.scatter [tilespmem:s8], [sflag:$0x1], $0x1000, s12, s11, $0x38;
	[tilespmem:$0x1F800] =	vst v63  }
0xd1: {  	_ =	swait.ge [sflag:s7], $0x1000  }
0xd2: {  	[sflag:s7] =	ssyncset.done $0x0  }
0xd3: {  	[sflag:s7] =	ssyncadd.s32 $0xFFFFF000  }
0xd4: {  	[tilespmem:s8], [sflag:$0x1] =	stream.linear.gather [spmem:s26], $0x1000, $0x38;
	[tilespmem:$0x1F800] =	vst v63  }
0xd5: {  	_ =	swait.ge [sflag:s7], $0x1000  }
0xd6: {  	[sflag:s7] =	ssyncset.done $0x0  }
0xd7: {  	s18 =	rddreg [dreg:$0xa];
	[sflag:s7] =	ssyncadd.s32 $0xFFFFF000  }
0xd8: {  	[hbm4b:s18+s11] =	stream.strided.scatter [tilespmem:s8], [sflag:$0x1], $0x1000, s12, s11, $0x38;
	[tilespmem:$0x1F800] =	vst v63  }
0xd9: {  	_ =	swait.ge [sflag:s7], $0x1000  }
0xda: {  	[sflag:s7] =	ssyncset.done $0x0  }
0xdb: {  	[sflag:s7] =	ssyncadd.s32 $0xFFFFF000  }
0xdc: {  	[tilespmem:s8], [sflag:$0x1] =	stream.linear.gather [spmem:s28], $0x1000, $0x38;
	[tilespmem:$0x1F800] =	vst v63  }
0xdd: {  	_ =	swait.ge [sflag:s7], $0x1000  }
0xde: {  	[sflag:s7] =	ssyncset.done $0x0  }
0xdf: {  	s20 =	rddreg [dreg:$0xb];
	[sflag:s7] =	ssyncadd.s32 $0xFFFFF000  }
0xe0: {  	[hbm4b:s20+s11] =	stream.strided.scatter [tilespmem:s8], [sflag:$0x1], $0x1000, s12, s11, $0x38;
	[tilespmem:$0x1F800] =	vst v63  }
0xe1: {  	_ =	swait.ge [sflag:s7], $0x1000  }
0xe2: {  	[sflag:s7] =	ssyncset.done $0x0  }
0xe3: {  	[sflag:s7] =	ssyncadd.s32 $0xFFFFF000  }
0xe4: {  	[tilespmem:s8], [sflag:$0x1] =	stream.linear.gather [spmem:s29], $0x1000, $0x38;
	[tilespmem:$0x1F800] =	vst v63  }
0xe5: {  	_ =	swait.ge [sflag:s7], $0x1000  }
0xe6: {  	[sflag:s7] =	ssyncset.done $0x0  }
0xe7: {  	s21 =	rddreg [dreg:$0xc];
	[sflag:s7] =	ssyncadd.s32 $0xFFFFF000  }
0xe8: {  	[hbm4b:s21+s11] =	stream.strided.scatter [tilespmem:s8], [sflag:$0x1], $0x1000, s12, s11, $0x38;
	[tilespmem:$0x1F800] =	vst v63  }
0xe9: {  	_ =	swait.ge [sflag:s7], $0x1000  }
0xea: {  	[sflag:s7] =	ssyncset.done $0x0  }
0xeb: {  	[sflag:s7] =	ssyncadd.s32 $0xFFFFF000  }
0xec: {  	[tilespmem:s8], [sflag:$0x1] =	stream.linear.gather [spmem:s30], $0x1000, $0x38;
	[tilespmem:$0x1F800] =	vst v63  }
0xed: {  	_ =	swait.ge [sflag:s7], $0x1000  }
0xee: {  	[sflag:s7] =	ssyncset.done $0x0  }
0xef: {  	s22 =	rddreg [dreg:$0xd];
	[sflag:s7] =	ssyncadd.s32 $0xFFFFF000  }
0xf0: {  	[hbm4b:s22+s11] =	stream.strided.scatter [tilespmem:s8], [sflag:$0x1], $0x1000, s12, s11, $0x38;
	[tilespmem:$0x1F800] =	vst v63  }
0xf1: {  	_ =	swait.ge [sflag:s7], $0x1000  }
0xf2: {  	[sflag:s7] =	ssyncset.done $0x0  }
0xf3: {  	[sflag:s7] =	ssyncadd.s32 $0xFFFFF000  }
0xf4: {  	[tilespmem:s8], [sflag:$0x1] =	stream.linear.gather [spmem:s31], $0x1000, $0x38;
	[tilespmem:$0x1F800] =	vst v63  }
0xf5: {  	_ =	swait.ge [sflag:s7], $0x1000  }
0xf6: {  	[sflag:s7] =	ssyncset.done $0x0  }
0xf7: {  	s6 =	rddreg [dreg:$0xe];
	[sflag:s7] =	ssyncadd.s32 $0xFFFFF000  }
0xf8: {  	[hbm4b:s6+s11] =	stream.strided.scatter [tilespmem:s8], [sflag:$0x1], $0x1000, s12, s11, $0x38;
	[tilespmem:$0x1F800] =	vst v63  }
0xf9: {  	_ =	swait.ge [sflag:s7], $0x1000  }
0xfa: {  	[sflag:s7] =	ssyncset.done $0x0  }
0xfb: {  	[sflag:s7] =	ssyncadd.s32 $0xFFFFF000  }
0xfc: {  	[tilespmem:s8], [sflag:$0x1] =	stream.linear.gather [spmem:s16], $0x1000, $0x38;
	[tilespmem:$0x1F800] =	vst v63  }
0xfd: {  	_ =	swait.ge [sflag:s7], $0x1000  }
0xfe: {  	[sflag:s7] =	ssyncset.done $0x0  }
0xff: {  	s14 =	rddreg [dreg:$0xf];
	[sflag:s7] =	ssyncadd.s32 $0xFFFFF000  }
0x100: {  	[hbm4b:s14+s11] =	stream.strided.scatter [tilespmem:s8], [sflag:$0x1], $0x1000, s12, s11, $0x38;
	[tilespmem:$0x1F800] =	vst v63  }
0x101: {  	_ =	swait.ge [sflag:s7], $0x1000  }
0x102: {  	[sflag:s7] =	ssyncset.done $0x0  }
0x103: {  	[sflag:s7] =	ssyncadd.s32 $0xFFFFF000  }
0x104: {  	[tilespmem:s8], [sflag:$0x1] =	stream.linear.gather [spmem:s0], $0x1000, $0x38;
	[tilespmem:$0x1F800] =	vst v63  }
0x105: {  	_ =	swait.ge [sflag:s7], $0x1000  }
0x106: {  	[sflag:s7] =	ssyncset.done $0x0  }
0x107: {  	s15 =	rddreg [dreg:$0x10];
	[sflag:s7] =	ssyncadd.s32 $0xFFFFF000  }
0x108: {  	[hbm4b:s15+s11] =	stream.strided.scatter [tilespmem:s8], [sflag:$0x1], $0x1000, s12, s11, $0x38;
	[tilespmem:$0x1F800] =	vst v63  }
0x109: {  	_ =	swait.ge [sflag:s7], $0x1000  }
0x10a: {  	[sflag:s7] =	ssyncset.done $0x0  }
0x10b: {  	[sflag:s7] =	ssyncadd.s32 $0xFFFFF000  }
0x10c: {  	[tilespmem:s8], [sflag:$0x1] =	stream.linear.gather [spmem:s1], $0x1000, $0x38;
	[tilespmem:$0x1F800] =	vst v63  }
0x10d: {  	_ =	swait.ge [sflag:s7], $0x1000  }
0x10e: {  	[sflag:s7] =	ssyncset.done $0x0  }
0x10f: {  	s17 =	rddreg [dreg:$0x11];
	[sflag:s7] =	ssyncadd.s32 $0xFFFFF000  }
0x110: {  	[hbm4b:s17+s11] =	stream.strided.scatter [tilespmem:s8], [sflag:$0x1], $0x1000, s12, s11, $0x38;
	[tilespmem:$0x1F800] =	vst v63  }
0x111: {  	_ =	swait.ge [sflag:s7], $0x1000  }
0x112: {  	[sflag:s7] =	ssyncset.done $0x0  }
0x113: {  	[sflag:s7] =	ssyncadd.s32 $0xFFFFF000  }
0x114: {  	[tilespmem:s8], [sflag:$0x1] =	stream.linear.gather [spmem:s3], $0x1000, $0x38;
	[tilespmem:$0x1F800] =	vst v63  }
0x115: {  	_ =	swait.ge [sflag:s7], $0x1000  }
0x116: {  	[sflag:s7] =	ssyncset.done $0x0  }
0x117: {  	s18 =	rddreg [dreg:$0x12];
	[sflag:s7] =	ssyncadd.s32 $0xFFFFF000  }
0x118: {  	[hbm4b:s18+s11] =	stream.strided.scatter [tilespmem:s8], [sflag:$0x1], $0x1000, s12, s11, $0x38;
	[tilespmem:$0x1F800] =	vst v63  }
0x119: {  	_ =	swait.ge [sflag:s7], $0x1000  }
0x11a: {  	[sflag:s7] =	ssyncset.done $0x0  }
0x11b: {  	[sflag:s7] =	ssyncadd.s32 $0xFFFFF000  }
0x11c: {  	[tilespmem:s8], [sflag:$0x1] =	stream.linear.gather [spmem:s4], $0x1000, $0x38;
	[tilespmem:$0x1F800] =	vst v63  }
0x11d: {  	_ =	swait.ge [sflag:s7], $0x1000  }
0x11e: {  	[sflag:s7] =	ssyncset.done $0x0  }
0x11f: {  	s20 =	rddreg [dreg:$0x13];
	[sflag:s7] =	ssyncadd.s32 $0xFFFFF000  }
0x120: {  	[hbm4b:s20+s11] =	stream.strided.scatter [tilespmem:s8], [sflag:$0x1], $0x1000, s12, s11, $0x38;
	[tilespmem:$0x1F800] =	vst v63  }
0x121: {  	_ =	swait.ge [sflag:s7], $0x1000  }
0x122: {  	[sflag:s7] =	ssyncset.done $0x0  }
0x123: {  	[sflag:s7] =	ssyncadd.s32 $0xFFFFF000  }
0x124: {  	[tilespmem:s8], [sflag:$0x1] =	stream.linear.gather [spmem:s5], $0x1000, $0x38;
	[tilespmem:$0x1F800] =	vst v63  }
0x125: {  	_ =	swait.ge [sflag:s7], $0x1000  }
0x126: {  	[sflag:s7] =	ssyncset.done $0x0  }
0x127: {  	s21 =	rddreg [dreg:$0x14];
	[sflag:s7] =	ssyncadd.s32 $0xFFFFF000  }
0x128: {  	[hbm4b:s21+s11] =	stream.strided.scatter [tilespmem:s8], [sflag:$0x1], $0x1000, s12, s11, $0x38;
	[tilespmem:$0x1F800] =	vst v63  }
0x129: {  	_ =	swait.ge [sflag:s7], $0x1000  }
0x12a: {  	s13 =	sadd.s32 $0x1, s13;
	s22 =	rddreg [dreg:$0x17]  }
0x12b: {  	p0 =	sne.s32 s13, s22  }
.Ltmp3:
0x12c: {  	_ = 	snop;
	(pc) =	sbr.rel @p0 .LBB2_1-.Ltmp3, $3  }
0x12d: {  	_ =	sdelay $0x1  }
0x12e: {  	[sflag:s7] =	ssyncset.done $0x0  }
0x12f: {  	[sflag:s7] =	ssyncadd.s32 $0xFFFFF000  }
0x130: {  	_ =	sfence.sel $0x180000  }
0x131: {  	[bflag:$0x0] =	sbarrier.arrive $0xFFFF  }
0x132: {  	_ =	strace $0x90000047  }
0x133: {  	s0 =	stileid.u32;
	[bflag:$0x2] =	sbarrier.arrive $0xFFFF  }
0x134: {  	p0 =	sne.s32 s0, $0x0;
	s0 =	rddreg [dreg:$0x3]  }
0x135: {  	s0 =	sadd.s32 @!p0 $0x100000, s0  }
0x136: {  	[sflag:s0] =	ssyncadd.tile.s32 @!p0 $0x1;
	_ =	shalt  }
.Lfunc_end2:
_tile_overlayer_lowered:
.L_overlay_start_2:
0x137: {  	(tag) =	ssettag $0x2  }
0x138: {  	s0 =	rddreg [dreg:$0x0];
	s2 =	stileid.u32  }
0x139: {  	s1 =	rddreg [dreg:$0x1];
	p0 =	sne.s32 s2, $0x0  }
0x13a: {  	s3 =	rddreg [dreg:$0x2];
	[bflag:$0x3] =	sbarrier.arrive $0xFFFF;
	s2 =	simm.s32 @!p0 $0x1C01  }
0x13b: {  	[timem:s3], [sflag:s2] =	dma.local @!p0 [hbm:s0], s1  }
0x13c: {  	s0 =	simm.s32 @!p0 $0x1  }
0x13d: {  	_ =	swait.ge @!p0 [sflag:s0], s1  }
0x13e: {  	s1 =	ssub.s32 @!p0 $0x0, s1;
	[sflag:s0] =	ssyncset.done @!p0 $0x0  }
0x13f: {  	[sflag:s0] =	ssyncadd.s32 @!p0 s1  }
0x140: {  	[bflag:$0x3] =	sbarrier.arrive $0xFFFF  }
0x141: {  	_ =	shalt  }

// kernel: kernel.9.cloned.1.call-start
scs
__scs_entry_jumppad:
0x0: {  	(pc) =	sbr.rel $0x88, $3  }
0x1: {  	(tag) =	ssettag $0x0;
	lr =	simm.s32 $0x1  }
0x2: {  	[smem:$0x3F99] =	sst lr;
	_ =	strace $0xD0000000  }
0x3: {  	_ = 	snop  }
0x4: {  	_ = 	snop  }
0x5: {  	_ = 	snop  }
0x6: {  	_ = 	snop  }
0x7: {  	_ = 	snop  }
__scs_overlays_trampoline_lowered:
0x8: {  	[smem:$0x3FA8] =	sst s0  }
0x9: {  	[smem:$0x3FA9] =	sst s1  }
0xa: {  	[smem:$0x3FAA] =	sst s2  }
0xb: {  	[smem:$0x3FAB] =	sst s3  }
0xc: {  	[smem:$0x3FAC] =	sst s4  }
0xd: {  	[smem:$0x3FAD] =	sst s5  }
0xe: {  	[smem:$0x3FAE] =	sst s6  }
0xf: {  	[smem:$0x3FAF] =	sst s7  }
0x10: {  	[smem:$0x3FB0] =	sst s8  }
0x11: {  	[smem:$0x3FB1] =	sst s9;
	s0 =	simm.s32 @!p0 $0x0  }
0x12: {  	s1 =	sld [smem:$0x3F97];
	s0 =	simm.s32 @p0 $0x1  }
0x13: {  	[smem:$0x3FB2] =	sst s0;
	s0 =	simm.s32 @!p1 $0x0  }
0x14: {  	s2 =	sld [smem:$0x3F96];
	s0 =	simm.s32 @p1 $0x1  }
0x15: {  	[smem:$0x3FB3] =	sst s0;
	s0 =	simm.s32 @!p2 $0x0  }
0x16: {  	s3 =	sld [smem:$0x3FDB];
	s0 =	simm.s32 @p2 $0x1  }
0x17: {  	s4 =	simm.s32 $0x1BF5;
	[smem:$0x3FB5] =	sst s0  }
0x18: {  	s0 =	sld [smem:$0x3F98];
	_ =	swait.ge [sflag:s4], $0x0  }
0x19: {  	s7 =	sld [smem:$0x3F99]  }
0x1a: {  	s8 =	sadd.s32 $0xFFFFE003, lr  }
0x1b: {  	s9 =	sadd.s32 $0xFFFFFEF7, lr;
	s5 =	simm.s32 $0xFFFFFFFF;
	p2 =	slt.u32 s8, $0xFFFFF086  }
0x1c: {  	p1 =	slt.u32 s9, $0xF7A;
	s5 =	simm.s32 @!p2 $0x0  }
0x1d: {  	s5 =	simm.s32 @p1 $0x1;
	p0 =	seq.s32 s7, s2  }
0x1e: {  	s7 =	smul.u32 @!p0 $0xF7A, s2;
	p2 =	seq.s32 @!p0 s5, $0x0  }
0x1f: {  	s9 =	smul.u32 $0xF7A, s1;
	s8 =	simm.s32 @!p0 $0x1BF5;
	p2 =	por !p2, p0  }
0x20: {  	[sflag:s8] =	ssyncset.s32 @!p0 $0xFFFFF086;
	s6 =	sadd.s32 @!p0 s3, s7;
	s7 =	simm.s32 @!p0 $0x108  }
0x21: {  	s3 =	sadd.s32 s3, s9;
	s6 =	sadd.s32 @!p0 $0x88, s6;
	s7 =	simm.s32 @p2 $0x1082  }
0x22: {  	[simem:s7], [sflag:s8] =	dma.local @!p0 [hbm:s6], $0xF7A  }
0x23: {  	s9 =	sor.u32 $0xD0000000, s2;
	s6 =	simm.s32 $0x108;
	_ =	swait.ge @!p0 [sflag:s8], $0x0  }
0x24: {  	s3 =	sadd.s32 $0x88, s3;
	s6 =	simm.s32 @!p1 $0x1082;
	[sflag:s4] =	ssyncset.s32 $0xFFFFF086  }
0x25: {  	[simem:s6], [sflag:s4] =	dma.local [hbm:s3], $0xF7A  }
0x26: {  	[smem:$0x3F99] =	sst s1;
	(tag) =	ssettag s2;
	_ =	strace s9  }
0x27: {  	s1 =	sld [smem:$0x3FA9]  }
0x28: {  	s2 =	sld [smem:$0x3FAA]  }
0x29: {  	s4 =	sld [smem:$0x3FAC]  }
0x2a: {  	p0 =	seq.s32 s5, $0x0;
	s5 =	sld [smem:$0x3FAD]  }
0x2b: {  	s6 =	sld [smem:$0x3FAE]  }
0x2c: {  	s7 =	sld [smem:$0x3FAF]  }
0x2d: {  	s3 =	simm.s32 $0x108;
	s8 =	sld [smem:$0x3FB0]  }
0x2e: {  	s3 =	simm.s32 @!p0 $0x1082;
	s9 =	sld [smem:$0x3FB1]  }
0x2f: {  	lr =	sadd.s32 s0, s3;
	s0 =	sld [smem:$0x3FA8]  }
0x30: {  	s3 =	sld [smem:$0x3FAB]  }
0x31: {  	[smem:$0x3FB4] =	sst s10  }
0x32: {  	s10 =	sld [smem:$0x3FB2];
	_ =	sdelay $0x3  }
0x33: {  	p0 =	seq.s32 s10, $0x1;
	s10 =	sld [smem:$0x3FB4];
	_ =	sdelay $0x3  }
0x34: {  	[smem:$0x3FB4] =	sst s10  }
0x35: {  	s10 =	sld [smem:$0x3FB3];
	_ =	sdelay $0x3  }
0x36: {  	p1 =	seq.s32 s10, $0x1;
	s10 =	sld [smem:$0x3FB4];
	_ =	sdelay $0x3  }
0x37: {  	[smem:$0x3FB4] =	sst s10  }
0x38: {  	s10 =	sld [smem:$0x3FB5]  }
0x39: {  	_ = 	snop;
	(pc) =	sbr.ind lr, $3  }
0x3a: {  	_ = 	snop  }
0x3b: {  	_ = 	snop  }
0x3c: {  	p2 =	seq.s32 s10, $0x1;
	s10 =	sld [smem:$0x3FB4]  }
0x3d: {  	_ =	shalt  }
0x3e: {  	_ =	shalt  }
0x3f: {  	_ =	shalt  }
0x40: {  	_ =	shalt  }
0x41: {  	_ =	shalt  }
0x42: {  	_ =	shalt  }
0x43: {  	_ =	shalt  }
0x44: {  	_ =	shalt  }
0x45: {  	_ =	shalt  }
0x46: {  	_ =	shalt  }
0x47: {  	_ =	shalt  }
0x48: {  	_ =	shalt  }
0x49: {  	_ =	shalt  }
0x4a: {  	_ =	shalt  }
0x4b: {  	_ =	shalt  }
0x4c: {  	_ =	shalt  }
0x4d: {  	_ =	shalt  }
0x4e: {  	_ =	shalt  }
0x4f: {  	_ =	shalt  }
0x50: {  	_ =	shalt  }
0x51: {  	_ =	shalt  }
0x52: {  	_ =	shalt  }
0x53: {  	_ =	shalt  }
0x54: {  	_ =	shalt  }
0x55: {  	_ =	shalt  }
0x56: {  	_ =	shalt  }
0x57: {  	_ =	shalt  }
0x58: {  	_ =	shalt  }
0x59: {  	_ =	shalt  }
0x5a: {  	_ =	shalt  }
0x5b: {  	_ =	shalt  }
0x5c: {  	_ =	shalt  }
0x5d: {  	_ =	shalt  }
0x5e: {  	_ =	shalt  }
0x5f: {  	_ =	shalt  }
0x60: {  	_ =	shalt  }
0x61: {  	_ =	shalt  }
0x62: {  	_ =	shalt  }
0x63: {  	_ =	shalt  }
0x64: {  	_ =	shalt  }
0x65: {  	_ =	shalt  }
0x66: {  	_ =	shalt  }
0x67: {  	_ =	shalt  }
0x68: {  	_ =	shalt  }
0x69: {  	_ =	shalt  }
0x6a: {  	_ =	shalt  }
0x6b: {  	_ =	shalt  }
0x6c: {  	_ =	shalt  }
0x6d: {  	_ =	shalt  }
0x6e: {  	_ =	shalt  }
0x6f: {  	_ =	shalt  }
0x70: {  	_ =	shalt  }
0x71: {  	_ =	shalt  }
0x72: {  	_ =	shalt  }
0x73: {  	_ =	shalt  }
0x74: {  	_ =	shalt  }
0x75: {  	_ =	shalt  }
0x76: {  	_ =	shalt  }
0x77: {  	_ =	shalt  }
0x78: {  	_ =	shalt  }
0x79: {  	_ =	shalt  }
0x7a: {  	_ =	shalt  }
0x7b: {  	_ =	shalt  }
0x7c: {  	_ =	shalt  }
0x7d: {  	_ =	shalt  }
0x7e: {  	_ =	shalt  }
0x7f: {  	_ =	shalt  }
0x80: {  	_ =	shalt  }
0x81: {  	_ =	shalt  }
0x82: {  	_ =	shalt  }
0x83: {  	_ =	shalt  }
0x84: {  	_ =	shalt  }
0x85: {  	_ =	shalt  }
0x86: {  	_ =	shalt  }
0x87: {  	_ =	shalt  }
.Lfunc_end0:
.L_simem_size_0:
called_computation.1_lowered:
.L_overlay_start_0:
0x88: {  	s2 =	sld [smem:$0x3FD9]  }
0x89: {  	s3 =	sld [smem:$0x3FFE];
	_ =	sdelay $0x1  }
0x8a: {  	s1 =	srdreg.scid  }
0x8b: {  	s0 =	sand.u32 $0x1, s1  }
0x8c: {  	s16 =	sshll.u32 s0, $0xA;
	s2 =	sadd.s32 s3, s2  }
0x8d: {  	s2 =	sadd.s32 s2, s16  }
0x8e: {  	[smem:$0x3FC0] =	sst s2  }
0x8f: {  	_ = 	snop  }
0x90: {  	(tm) =	ssettm $0x1  }
0x91: {  	s17 =	sld [smem:$0x3FFB];
	_ =	sdelay $0x3  }
0x92: {  	_ =	strace s17  }
0x93: {  	s2 =	sld [smem:$0x3FFC];
	_ =	sdelay $0x3  }
0x94: {  	_ =	strace s2  }
0x95: {  	s2 =	sld [smem:$0x3FFD];
	_ =	sdelay $0x3  }
0x96: {  	_ =	strace s2  }
0x97: {  	_ =	strace $0x8FFFFFFF  }
0x98: {  	s18 =	sld [smem:$0x3FDB];
	_ =	sdelay $0x1  }
0x99: {  	s19 =	simm.s32 $_scs_section_size  }
0x9a: {  	s4 =	simm.s32 $_size__tile_overlayer_lowered;
	s5 =	simm.s32 $_tile_overlayer_lowered  }
0x9b: {  	s22 =	simm.s32 $0x1BFF;
	s21 =	sshll.u32 s5, $0x1;
	s2 =	sadd.s32 s19, s18  }
0x9c: {  	s6 =	simm.s32 $0x0;
	s20 =	sshll.u32 s4, $0x1;
	s4 =	sadd.s32 s21, s2  }
0x9d: {  	[timem:s6], [sflag:s22] =	dma.local [hbm:s4], s20  }
0x9e: {  	_ =	swait.ge [sflag:s22], s20  }
0x9f: {  	s3 =	ssub.s32 $0x0, s20;
	[sflag:s22] =	ssyncset.done $0x0  }
0xa0: {  	[sflag:s22] =	ssyncadd.s32 s3;
	_ =	sdelay $0x1  }
0xa1: {  	s23 =	simm.s32 $0x1B8B  }
0xa2: {  	_ =	swait.ge [sflag:s23], $0x1  }
0xa3: {  	[sflag:s23] =	ssyncset.done $0x0  }
0xa4: {  	s25 =	simm.s32 $0x1B8E;
	s24 =	sld [smem:$0x3FFE];
	[sflag:s23] =	ssyncadd.s32 $0xFFFFFFFF  }
0xa5: {  	s26 =	simm.s32 $execute0_lowered;
	[smem:$0x3FD2] =	sst s25  }
0xa6: {  	s4 =	sshll.u32 s26, $0x1;
	_ =	strace $0x80000049;
	[dreg:$0x1] =	wrdreg $0xFFFFFFFF  }
0xa7: {  	s28 =	simm.s32 $_size_execute0_lowered;
	s2 =	sadd.s32 s2, s4;
	[dreg:$0x0] =	wrdreg $0x0  }
0xa8: {  	s4 =	sshll.u32 s28, $0x1;
	[dreg:$0x2] =	wrdreg s2  }
0xa9: {  	[dreg:$0x3] =	wrdreg s4  }
0xaa: {  	[dreg:$0x4] =	wrdreg $0xC0  }
0xab: {  	_ =	task [dreg:s6], $0x5FFFF  }
0xac: {  	[dreg:$0x1] =	wrdreg $0xFFFFFFFF  }
0xad: {  	[dreg:$0x0] =	wrdreg $0x60  }
0xae: {  	[dreg:$0x2] =	wrdreg s24  }
0xaf: {  	[dreg:$0x3] =	wrdreg $0x9  }
0xb0: {  	_ =	task.clear_ibuf [dreg:s6], $0x4FFFF;
	_ =	strace $0x90000049  }
0xb1: {  	s29 =	simm.s32 $0x9;
	_ =	strace $0x8000004B  }
0xb2: {  	_ =	swait.ge [sflag:s29], $0x1  }
0xb3: {  	[sflag:s29] =	ssyncadd.s32 $0xFFFFFFFF  }
0xb4: {  	_ =	strace $0x9000004B  }
0xb5: {  	_ =	sfence  }
0xb6: {  	s30 =	sld [smem:$0x0];
	_ =	sdelay $0x2  }
0xb7: {  	s31 =	sshll.u32 s1, $0xD;
	s1 =	sshrl.u32 s1, $0x2  }
0xb8: {  	s3 =	sand.u32 $0x4000, s31;
	s1 =	sadd.s32 s1, s30  }
0xb9: {  	s0 =	sor.u32 s3, s0;
	s1 =	sshll.u32 s1, $0x11  }
0xba: {  	s0 =	sor.u32 s1, s0  }
0xbb: {  	s0 =	sadd.s32 $0x8F2B, s0  }
0xbc: {  	[sflag:s0] =	ssyncadd.remote.s32 $0x1  }
0xbd: {  	_ =	sfence.sel $0xFFFF  }
0xbe: {  	[dreg:$0x0] =	wrdreg $0xFFFFFFFF;
	(pc) =	sbr.abs _section_cstart, $3  }
0xbf: {  	[dreg:$0x1] =	wrdreg $0xFFFFFFFF  }
0xc0: {  	_ =	task.clear_ibuf [dreg:s6], $0x2FFFF;
	_ =	strace $0x9FFFFFFF  }
0xc1: {  	(tm) =	ssettm $0x7FFFFFFF  }
tec
execute0_lowered:
.L_overlay_start_1:
0x0: {  	(tag) =	ssettag $0x1  }
0x1: {  	s3 =	rddreg [dreg:$0x0]  }
0x2: {  	s0 =	rddreg [dreg:$0x1];
	s1 =	simm.s32 $0x0;
	s2 =	srdreg.scid  }
0x3: {  	s17 =	simm.s32 $0xBA00;
	s18 =	simm.s32 $0x1;
	s19 =	simm.s32 $0x2  }
0x4: {  	[smem:$0x7FF] =	sst s1;
	s10 =	sadd.s32 $0x1800, s3;
	s9 =	sadd.s32 $0x41800, s3  }
0x5: {  	s4 =	sand.u32 $0x1, s2;
	s2 =	stileid.u32;
	_ =	strace $0x8000004A  }
0x6: {  	s5 =	sshll.u32 s4, $0x4;
	s6 =	ssub.s32 $0x2, s4;
	s7 =	smul.u32 $0x1F000, s2  }
0x7: {  	s11 =	smul.u32 $0xF800, s2;
	s12 =	sshll.u32 s4, $0x7;
	s8 =	sshrl.u32 s6, $0x1  }
0x8: {  	s30 =	sshll.u32 s2, $0x5;
	s13 =	sadd.s32 s5, s3;
	s14 =	ssub.s32 s6, s8  }
0x9: {  	s20 =	sor.u32 s12, s7;
	s21 =	sshrl.u32 s11, $0x3;
	s23 =	sadd.s32 $0x3E00, s11  }
0xa: {  	s26 =	sadd.s32 $0x7C00, s11;
	s11 =	sadd.s32 $0xBA00, s11;
	s31 =	sadd.s32 s30, s13  }
0xb: {  	s13 =	simm.s32 $0x80;
	s22 =	sshrl.u32 s20, $0x3;
	s3 =	sadd.s32 s9, s21  }
0xc: {  	s24 =	sshll.u32 s23, $0x1;
	s6 =	sshrl.u32 s23, $0x3;
	s29 =	sshll.u32 s26, $0x1  }
0xd: {  	s8 =	sshrl.u32 s26, $0x3;
	s16 =	sshll.u32 s11, $0x1;
	s11 =	sshrl.u32 s11, $0x3  }
0xe: {  	s20 =	simm.s32 $0xF800;
	s21 =	simm.s32 $0x3;
	s4 =	sadd.s32 s10, s22  }
0xf: {  	s25 =	sor.u32 s12, s24;
	s5 =	sadd.s32 s9, s6;
	s7 =	sor.u32 s12, s29  }
0x10: {  	s12 =	sor.u32 s12, s16;
	s16 =	simm.s32 $0x7C00;
	s22 =	simm.s32 $0x0  }
0x11: {  	s28 =	sshrl.u32 s25, $0x3;
	s15 =	sshrl.u32 s7, $0x3;
	s7 =	sadd.s32 s9, s8  }
0x12: {  	s12 =	sshrl.u32 s12, $0x3;
	s9 =	sadd.s32 s9, s11;
	s11 =	sadd.s32 $0x60800, s31  }
0x13: {  	s6 =	sadd.s32 s10, s28;
	s8 =	sadd.s32 s10, s15;
	s10 =	sadd.s32 s10, s12  }
0x14: {  	s12 =	smax.u32 s14, $0x1;
	s14 =	simm.s32 $0x100;
	s15 =	simm.s32 $0x3E00  }
.LBB2_1:
0x15: {  	[tilespmem:s1], [sflag:$0x1] =	stream.linear.gather [hbm4b:s3+s1], $0x3E00, $0x38;
	[tilespmem:$0xF880] =	vst v63  }
0x16: {  	_ = 	snop  }
0x17: {  	[tilespmem:s15], [sflag:$0x1] =	stream.strided.gather [hbm4b:s4+s13], $0x3E00, s14, s13, $0x38;
	[tilespmem:$0xF880] =	vst v63  }
0x18: {  	_ = 	snop  }
0x19: {  	[tilespmem:s16], [sflag:$0x2] =	stream.linear.gather [hbm4b:s5+s1], $0x3E00, $0x38;
	[tilespmem:$0xF880] =	vst v63  }
0x1a: {  	_ = 	snop  }
0x1b: {  	[tilespmem:s17], [sflag:$0x2] =	stream.strided.gather [hbm4b:s6+s13], $0x3E00, s14, s13, $0x38;
	[tilespmem:$0xF880] =	vst v63  }
0x1c: {  	_ =	swait.ge [sflag:s18], $0x3E00  }
0x1d: {  	[sflag:s18] =	ssyncset.done $0x0  }
0x1e: {  	[sflag:s18] =	ssyncadd.s32 $0xFFFFC200  }
0x1f: {  	_ =	swait.ge [sflag:s18], $0x3E00  }
0x20: {  	[sflag:s18] =	ssyncset.done $0x0  }
0x21: {  	s24 =	simm.s32 $0x0;
	[sflag:s18] =	ssyncadd.s32 $0xFFFFC200  }
0x22: {  	v0 =	vld [tilespmem:s24+$0x3E30]  }
0x23: {  	v1 =	vld [tilespmem:s24+$0x30]  }
0x24: {  	v4 =	vld [tilespmem:s24+$0x3E00]  }
0x25: {  	v6 =	vld [tilespmem:s24+$0x0];
	_ =	sdelay $0x1  }
0x26: {  	v5 =	vld [tilespmem:s24+$0x3E10]  }
0x27: {  	v8 =	vld [tilespmem:s24+$0x10]  }
0x28: {  	v2 =	vimm.f32 $0.0e+00;
	v3 =	vld [tilespmem:s24+$0x3E20];
	v1 =	vmul.f32 v1, v0;
	vm1 =	vgt.f32 v0, $0.0e+00  }
0x29: {  	s23 =	simm.s32 $0x40;
	v7 =	vld [tilespmem:s24+$0x20];
	vm0 =	vgt.f32 v4, $0.0e+00;
	v9 =	vmul.f32 v6, v4;
	v6 =	vimm.f32 $0.0e+00  }
0x2a: {  	s24 =	simm.s32 $0x200;
	v4 =	vimm.f32 $0.0e+00;
	v0 =	vimm.f32 $0.0e+00;
	v10 =	vnsel vm1, $0x0, v1;
	v1 =	vld [tilespmem:s23+$0x3E30]  }
.LBB2_2:
0x2b: {  	p0 =	sne.s32 s24, $0xF700;
	v11 =	vld [tilespmem:s23+$0x30];
	vm1 =	vgt.f32 v5, $0.0e+00;
	v2 =	vadd.f32 v10, v2  }
0x2c: {  	v10 =	vld [tilespmem:s23+$0x3E00];
	v9 =	vnsel vm0, $0x0, v9;
	v8 =	vmul.f32 v8, v5  }
0x2d: {  	v12 =	vld [tilespmem:s23+$0x0];
	v6 =	vadd.f32 v9, v6;
	vm0 =	vgt.f32 v3, $0.0e+00  }
.Ltmp0:
0x2e: {  	v5 =	vld [tilespmem:s23+$0x3E10];
	v9 =	vnsel vm1, $0x0, v8;
	v7 =	vmul.f32 v7, v3;
	(pc) =	sbr.rel @p0 .LBB2_2-.Ltmp0, $4  }
0x2f: {  	v8 =	vld [tilespmem:s23+$0x10];
	v4 =	vadd.f32 v9, v4  }
0x30: {  	v3 =	vld [tilespmem:s23+$0x3E20];
	v11 =	vmul.f32 v11, v1;
	v9 =	vnsel vm0, $0x0, v7  }
0x31: {  	vm1 =	vgt.f32 v1, $0.0e+00;
	vm0 =	vgt.f32 v10, $0.0e+00;
	v7 =	vld [tilespmem:s23+$0x20];
	s23 =	sshra.s32 s24, $0x2;
	v0 =	vadd.f32 v9, v0  }
0x32: {  	s24 =	sadd.s32 $0x100, s24;
	v1 =	vld [tilespmem:s23+$0x3E30];
	v9 =	vmul.f32 v12, v10;
	v10 =	vnsel vm1, $0x0, v11  }
0x33: {  	v11 =	vld [tilespmem:s23+$0x30]  }
0x34: {  	v12 =	vld [tilespmem:s23+$0x3E00]  }
0x35: {  	v13 =	vld [tilespmem:s23+$0x0]  }
0x36: {  	v14 =	vld [tilespmem:s23+$0x3E10]  }
0x37: {  	v15 =	vld [tilespmem:s23+$0x10]  }
0x38: {  	v16 =	vld [tilespmem:s23+$0x3E20];
	s31 =	simm.s32 $0x0  }
0x39: {  	v17 =	vld [tilespmem:s23+$0x20];
	[tilespmem:s31], [sflag:$0x1] =	stream.linear.gather [hbm4b:s7+s31], $0x3E00, $0x38  }
0x3a: {  	_ = 	snop  }
0x3b: {  	[tilespmem:s15], [sflag:$0x1] =	stream.strided.gather [hbm4b:s8+s13], $0x3E00, s14, s13, $0x38;
	[tilespmem:$0xF880] =	vst v63  }
0x3c: {  	_ =	swait.ge [sflag:s19], $0x3E00  }
0x3d: {  	[sflag:s19] =	ssyncset.done $0x0  }
0x3e: {  	[sflag:s19] =	ssyncadd.s32 $0xFFFFC200  }
0x3f: {  	_ =	swait.ge [sflag:s19], $0x3E00  }
0x40: {  	v9 =	vnsel vm0, $0x0, v9;
	v8 =	vmul.f32 v8, v5;
	[sflag:s19] =	ssyncset.done $0x0  }
0x41: {  	v2 =	vadd.f32 v10, v2;
	s24 =	simm.s32 $0x0;
	vm0 =	vgt.f32 v5, $0.0e+00;
	v5 =	vadd.f32 v9, v6;
	[sflag:s19] =	ssyncadd.s32 $0xFFFFC200  }
0x42: {  	v6 =	vnsel vm0, $0x0, v8;
	vm0 =	vgt.f32 v3, $0.0e+00;
	v3 =	vmul.f32 v7, v3;
	v9 =	vld [tilespmem:s24+$0xBA30]  }
0x43: {  	v4 =	vadd.f32 v6, v4;
	v6 =	vmul.f32 v11, v1;
	v7 =	vmul.f32 v13, v12;
	v10 =	vld [tilespmem:s24+$0x7C30]  }
0x44: {  	vm1 =	vgt.f32 v12, $0.0e+00;
	v3 =	vnsel vm0, $0x0, v3;
	vm0 =	vgt.f32 v1, $0.0e+00;
	v11 =	vld [tilespmem:s24+$0xBA00]  }
0x45: {  	v63 =	vmul.f32 v17, v16;
	v0 =	vadd.f32 v3, v0;
	v1 =	vnsel vm0, $0x0, v6;
	v62 =	vld [tilespmem:s24+$0x7C00]  }
0x46: {  	v3 =	vnsel vm1, $0x0, v7;
	vm0 =	vgt.f32 v14, $0.0e+00;
	v7 =	vmul.f32 v15, v14;
	v6 =	vld [tilespmem:s24+$0xBA10]  }
0x47: {  	vm1 =	vgt.f32 v16, $0.0e+00;
	v1 =	vadd.f32 v1, v2;
	v2 =	vadd.f32 v3, v5;
	v8 =	vld [tilespmem:s24+$0x7C10]  }
0x48: {  	v3 =	vnsel vm0, $0x0, v7;
	v7 =	vnsel vm1, $0x0, v63;
	v5 =	vld [tilespmem:s24+$0xBA20];
	v10 =	vmul.f32 v10, v9  }
0x49: {  	s23 =	simm.s32 $0x40;
	v3 =	vadd.f32 v3, v4;
	v0 =	vadd.f32 v7, v0;
	v7 =	vld [tilespmem:s24+$0x7C20];
	vm1 =	vgt.f32 v9, $0.0e+00  }
0x4a: {  	v4 =	vld [tilespmem:s23+$0xBA30];
	s24 =	simm.s32 $0x200;
	vm0 =	vgt.f32 v11, $0.0e+00;
	v9 =	vmul.f32 v62, v11;
	v10 =	vnsel vm1, $0x0, v10  }
.LBB2_4:
0x4b: {  	p0 =	sne.s32 s24, $0xF700;
	v11 =	vld [tilespmem:s23+$0x7C30];
	vm1 =	vgt.f32 v6, $0.0e+00;
	v1 =	vadd.f32 v10, v1  }
0x4c: {  	v10 =	vld [tilespmem:s23+$0xBA00];
	v9 =	vnsel vm0, $0x0, v9;
	v8 =	vmul.f32 v8, v6  }
0x4d: {  	v12 =	vld [tilespmem:s23+$0x7C00];
	v2 =	vadd.f32 v9, v2;
	vm0 =	vgt.f32 v5, $0.0e+00  }
.Ltmp1:
0x4e: {  	v6 =	vld [tilespmem:s23+$0xBA10];
	v9 =	vnsel vm1, $0x0, v8;
	v7 =	vmul.f32 v7, v5;
	(pc) =	sbr.rel @p0 .LBB2_4-.Ltmp1, $4  }
0x4f: {  	v8 =	vld [tilespmem:s23+$0x7C10];
	v3 =	vadd.f32 v9, v3  }
0x50: {  	v5 =	vld [tilespmem:s23+$0xBA20];
	v11 =	vmul.f32 v11, v4;
	v9 =	vnsel vm0, $0x0, v7  }
0x51: {  	vm1 =	vgt.f32 v4, $0.0e+00;
	vm0 =	vgt.f32 v10, $0.0e+00;
	v7 =	vld [tilespmem:s23+$0x7C20];
	s23 =	sshra.s32 s24, $0x2;
	v0 =	vadd.f32 v9, v0  }
0x52: {  	s24 =	sadd.s32 $0x100, s24;
	v4 =	vld [tilespmem:s23+$0xBA30];
	v9 =	vmul.f32 v12, v10;
	v10 =	vnsel vm1, $0x0, v11  }
0x53: {  	v11 =	vld [tilespmem:s23+$0x7C30]  }
0x54: {  	v12 =	vld [tilespmem:s23+$0xBA00]  }
0x55: {  	v13 =	vld [tilespmem:s23+$0x7C00]  }
0x56: {  	v14 =	vld [tilespmem:s23+$0xBA10]  }
0x57: {  	v15 =	vld [tilespmem:s23+$0x7C10]  }
0x58: {  	v16 =	vld [tilespmem:s23+$0xBA20];
	s31 =	simm.s32 $0x0  }
0x59: {  	v17 =	vld [tilespmem:s23+$0x7C20];
	[tilespmem:s16], [sflag:$0x2] =	stream.linear.gather [hbm4b:s9+s31], $0x3E00, $0x38  }
0x5a: {  	_ = 	snop  }
0x5b: {  	[tilespmem:s17], [sflag:$0x2] =	stream.strided.gather [hbm4b:s10+s13], $0x3E00, s14, s13, $0x38;
	[tilespmem:$0xF880] =	vst v63  }
0x5c: {  	_ =	swait.ge [sflag:s18], $0x3E00  }
0x5d: {  	[sflag:s18] =	ssyncset.done $0x0  }
0x5e: {  	[sflag:s18] =	ssyncadd.s32 $0xFFFFC200  }
0x5f: {  	_ =	swait.ge [sflag:s18], $0x3E00  }
0x60: {  	v9 =	vnsel vm0, $0x0, v9;
	v8 =	vmul.f32 v8, v6;
	[sflag:s18] =	ssyncset.done $0x0  }
0x61: {  	v1 =	vadd.f32 v10, v1;
	s24 =	simm.s32 $0x0;
	vm0 =	vgt.f32 v6, $0.0e+00;
	v2 =	vadd.f32 v9, v2;
	[sflag:s18] =	ssyncadd.s32 $0xFFFFC200  }
0x62: {  	v6 =	vnsel vm0, $0x0, v8;
	vm0 =	vgt.f32 v5, $0.0e+00;
	v5 =	vmul.f32 v7, v5;
	v9 =	vld [tilespmem:s24+$0x3E30]  }
0x63: {  	v3 =	vadd.f32 v6, v3;
	v6 =	vmul.f32 v11, v4;
	v7 =	vmul.f32 v13, v12;
	v10 =	vld [tilespmem:s24+$0x30]  }
0x64: {  	vm1 =	vgt.f32 v12, $0.0e+00;
	v5 =	vnsel vm0, $0x0, v5;
	vm0 =	vgt.f32 v4, $0.0e+00;
	v11 =	vld [tilespmem:s24+$0x3E00]  }
0x65: {  	v63 =	vmul.f32 v17, v16;
	v0 =	vadd.f32 v5, v0;
	v4 =	vnsel vm0, $0x0, v6;
	v62 =	vld [tilespmem:s24+$0x0]  }
0x66: {  	v5 =	vnsel vm1, $0x0, v7;
	vm0 =	vgt.f32 v14, $0.0e+00;
	v7 =	vmul.f32 v15, v14;
	v6 =	vld [tilespmem:s24+$0x3E10]  }
0x67: {  	vm1 =	vgt.f32 v16, $0.0e+00;
	v1 =	vadd.f32 v4, v1;
	v2 =	vadd.f32 v5, v2;
	v8 =	vld [tilespmem:s24+$0x10]  }
0x68: {  	v4 =	vnsel vm0, $0x0, v7;
	v7 =	vnsel vm1, $0x0, v63;
	v5 =	vld [tilespmem:s24+$0x3E20];
	v10 =	vmul.f32 v10, v9  }
0x69: {  	s23 =	simm.s32 $0x40;
	v3 =	vadd.f32 v4, v3;
	v0 =	vadd.f32 v7, v0;
	v7 =	vld [tilespmem:s24+$0x20];
	vm1 =	vgt.f32 v9, $0.0e+00  }
0x6a: {  	v4 =	vld [tilespmem:s23+$0x3E30];
	s24 =	simm.s32 $0x200;
	vm0 =	vgt.f32 v11, $0.0e+00;
	v9 =	vmul.f32 v62, v11;
	v10 =	vnsel vm1, $0x0, v10  }
.LBB2_6:
0x6b: {  	p0 =	sne.s32 s24, $0xF700;
	v11 =	vld [tilespmem:s23+$0x30];
	vm1 =	vgt.f32 v6, $0.0e+00;
	v1 =	vadd.f32 v10, v1  }
0x6c: {  	v10 =	vld [tilespmem:s23+$0x3E00];
	v9 =	vnsel vm0, $0x0, v9;
	v8 =	vmul.f32 v8, v6  }
0x6d: {  	v12 =	vld [tilespmem:s23+$0x0];
	v2 =	vadd.f32 v9, v2;
	vm0 =	vgt.f32 v5, $0.0e+00  }
.Ltmp2:
0x6e: {  	v6 =	vld [tilespmem:s23+$0x3E10];
	v9 =	vnsel vm1, $0x0, v8;
	v7 =	vmul.f32 v7, v5;
	(pc) =	sbr.rel @p0 .LBB2_6-.Ltmp2, $4  }
0x6f: {  	v8 =	vld [tilespmem:s23+$0x10];
	v3 =	vadd.f32 v9, v3  }
0x70: {  	v5 =	vld [tilespmem:s23+$0x3E20];
	v11 =	vmul.f32 v11, v4;
	v9 =	vnsel vm0, $0x0, v7  }
0x71: {  	vm1 =	vgt.f32 v4, $0.0e+00;
	vm0 =	vgt.f32 v10, $0.0e+00;
	v7 =	vld [tilespmem:s23+$0x20];
	s23 =	sshra.s32 s24, $0x2;
	v0 =	vadd.f32 v9, v0  }
0x72: {  	s24 =	sadd.s32 $0x100, s24;
	v4 =	vld [tilespmem:s23+$0x3E30];
	v9 =	vmul.f32 v12, v10;
	v10 =	vnsel vm1, $0x0, v11  }
0x73: {  	v11 =	vld [tilespmem:s23+$0x30]  }
0x74: {  	v12 =	vld [tilespmem:s23+$0x3E00]  }
0x75: {  	v13 =	vld [tilespmem:s23+$0x0]  }
0x76: {  	v14 =	vld [tilespmem:s23+$0x3E10]  }
0x77: {  	v15 =	vld [tilespmem:s23+$0x10]  }
0x78: {  	v16 =	vld [tilespmem:s23+$0x3E20]  }
0x79: {  	v17 =	vld [tilespmem:s23+$0x20];
	_ =	swait.ge [sflag:s19], $0x3E00  }
0x7a: {  	[sflag:s19] =	ssyncset.done $0x0  }
0x7b: {  	[sflag:s19] =	ssyncadd.s32 $0xFFFFC200  }
0x7c: {  	_ =	swait.ge [sflag:s19], $0x3E00  }
0x7d: {  	v9 =	vnsel vm0, $0x0, v9;
	v8 =	vmul.f32 v8, v6;
	[sflag:s19] =	ssyncset.done $0x0  }
0x7e: {  	v1 =	vadd.f32 v10, v1;
	s24 =	simm.s32 $0x0;
	vm0 =	vgt.f32 v6, $0.0e+00;
	v6 =	vadd.f32 v9, v2;
	[sflag:s19] =	ssyncadd.s32 $0xFFFFC200  }
0x7f: {  	v2 =	vnsel vm0, $0x0, v8;
	vm0 =	vgt.f32 v5, $0.0e+00;
	v5 =	vmul.f32 v7, v5;
	v9 =	vld [tilespmem:s24+$0xBA30]  }
0x80: {  	v3 =	vadd.f32 v2, v3;
	v2 =	vmul.f32 v11, v4;
	v7 =	vmul.f32 v13, v12;
	v8 =	vld [tilespmem:s24+$0x7C30]  }
0x81: {  	vm1 =	vgt.f32 v12, $0.0e+00;
	v5 =	vnsel vm0, $0x0, v5;
	vm0 =	vgt.f32 v4, $0.0e+00;
	v10 =	vld [tilespmem:s24+$0xBA00]  }
0x82: {  	v60 =	vmul.f32 v15, v14;
	v61 =	vmul.f32 v17, v16;
	v0 =	vadd.f32 v5, v0;
	v11 =	vld [tilespmem:s24+$0x7C00]  }
0x83: {  	v4 =	vld [tilespmem:s24+$0xBA10];
	v2 =	vnsel vm0, $0x0, v2;
	v5 =	vnsel vm1, $0x0, v7;
	vm0 =	vgt.f32 v14, $0.0e+00  }
0x84: {  	vm1 =	vgt.f32 v16, $0.0e+00;
	v7 =	vld [tilespmem:s24+$0x7C10];
	v2 =	vadd.f32 v2, v1;
	v1 =	vadd.f32 v5, v6  }
0x85: {  	v6 =	vnsel vm0, $0x0, v60;
	v62 =	vnsel vm1, $0x0, v61;
	v5 =	vld [tilespmem:s24+$0xBA20];
	v63 =	vmul.f32 v8, v9  }
0x86: {  	s23 =	simm.s32 $0x40;
	v3 =	vadd.f32 v6, v3;
	v0 =	vadd.f32 v62, v0;
	v8 =	vld [tilespmem:s24+$0x7C20];
	vm1 =	vgt.f32 v9, $0.0e+00  }
0x87: {  	v6 =	vld [tilespmem:s23+$0xBA30];
	vm0 =	vgt.f32 v10, $0.0e+00;
	s24 =	simm.s32 $0x200;
	v9 =	vmul.f32 v11, v10;
	v10 =	vnsel vm1, $0x0, v63  }
.LBB2_8:
0x88: {  	p0 =	sne.s32 s24, $0xF700;
	v11 =	vld [tilespmem:s23+$0x7C30];
	vm1 =	vgt.f32 v4, $0.0e+00;
	v2 =	vadd.f32 v10, v2  }
0x89: {  	v10 =	vld [tilespmem:s23+$0xBA00];
	v9 =	vnsel vm0, $0x0, v9;
	v7 =	vmul.f32 v7, v4  }
0x8a: {  	v12 =	vld [tilespmem:s23+$0x7C00];
	v1 =	vadd.f32 v9, v1;
	vm0 =	vgt.f32 v5, $0.0e+00  }
.Ltmp3:
0x8b: {  	v4 =	vld [tilespmem:s23+$0xBA10];
	v9 =	vnsel vm1, $0x0, v7;
	v8 =	vmul.f32 v8, v5;
	(pc) =	sbr.rel @p0 .LBB2_8-.Ltmp3, $4  }
0x8c: {  	v7 =	vld [tilespmem:s23+$0x7C10];
	v3 =	vadd.f32 v9, v3  }
0x8d: {  	v5 =	vld [tilespmem:s23+$0xBA20];
	v11 =	vmul.f32 v11, v6;
	v9 =	vnsel vm0, $0x0, v8  }
0x8e: {  	vm1 =	vgt.f32 v6, $0.0e+00;
	vm0 =	vgt.f32 v10, $0.0e+00;
	v8 =	vld [tilespmem:s23+$0x7C20];
	s23 =	sshra.s32 s24, $0x2;
	v0 =	vadd.f32 v9, v0  }
0x8f: {  	s24 =	sadd.s32 $0x100, s24;
	v6 =	vld [tilespmem:s23+$0xBA30];
	v9 =	vmul.f32 v12, v10;
	v10 =	vnsel vm1, $0x0, v11  }
0x90: {  	v11 =	vld [tilespmem:s23+$0x7C30]  }
0x91: {  	v12 =	vld [tilespmem:s23+$0xBA00]  }
0x92: {  	v13 =	vld [tilespmem:s23+$0x7C00]  }
0x93: {  	v14 =	vld [tilespmem:s23+$0xBA10]  }
0x94: {  	v15 =	vld [tilespmem:s23+$0x7C10]  }
0x95: {  	v16 =	vld [tilespmem:s23+$0xBA20];
	v7 =	vmul.f32 v7, v4  }
0x96: {  	v2 =	vadd.f32 v10, v2;
	vm1 =	vgt.f32 v4, $0.0e+00;
	v54 =	vld [tilespmem:s23+$0x7C20];
	v53 =	vnsel vm0, $0x0, v9  }
0x97: {  	v1 =	vadd.f32 v53, v1;
	v55 =	vnsel vm1, $0x0, v7;
	v56 =	vmul.f32 v8, v5  }
0x98: {  	vm11 =	vgt.f32 v5, $0.0e+00;
	v3 =	vadd.f32 v55, v3;
	vm13 =	vgt.f32 v6, $0.0e+00  }
0x99: {  	v57 =	vmul.f32 v11, v6;
	v5 =	vnsel vm11, $0x0, v56;
	vm12 =	vgt.f32 v12, $0.0e+00  }
0x9a: {  	v58 =	vmul.f32 v13, v12;
	vm14 =	vgt.f32 v14, $0.0e+00;
	v59 =	vmul.f32 v15, v14  }
0x9b: {  	v60 =	vmul.f32 v54, v16;
	vm15 =	vgt.f32 v16, $0.0e+00;
	v0 =	vadd.f32 v5, v0  }
0x9c: {  	v4 =	vnsel vm13, $0x0, v57;
	v61 =	vnsel vm12, $0x0, v58;
	v62 =	vnsel vm14, $0x0, v59  }
0x9d: {  	v63 =	vnsel vm15, $0x0, v60;
	v2 =	vadd.f32 v4, v2;
	v1 =	vadd.f32 v61, v1  }
0x9e: {  	v3 =	vadd.f32 v62, v3;
	v0 =	vadd.f32 v63, v0;
	_ =	sdelay $0x1  }
0x9f: {  	v1 =	vadd.f32 v3, v1;
	v0 =	vadd.f32 v2, v0;
	_ =	sdelay $0x1  }
0xa0: {  	s22 =	sadd.s32 $0x1, s22;
	v0 =	vadd.f32 v0, v1  }
0xa1: {  	p0 =	sne.s32 s22, s12  }
.Ltmp4:
0xa2: {  	[tilespmem:$0xF800] =	vst v0;
	(pc) =	sbr.rel @p0 .LBB2_1-.Ltmp4, $4  }
0xa3: {  	[hbm4b:s11+s1] =	stream.linear.scatter [tilespmem:s20], [sflag:$0x3], $0x80, $0x38;
	[tilespmem:$0xF880] =	vst v63  }
0xa4: {  	_ =	swait.ge [sflag:s21], $0x80  }
0xa5: {  	[sflag:s21] =	ssyncset.done $0x0  }
0xa6: {  	[sflag:s21] =	ssyncadd.s32 $0xFFFFFF80  }
0xa7: {  	_ =	sfence.sel $0x180000  }
0xa8: {  	[bflag:$0x0] =	sbarrier.arrive $0xFFFF  }
0xa9: {  	p0 =	sne.s32 s2, $0x0;
	_ =	strace $0x9000004A  }
0xaa: {  	s0 =	sadd.s32 @!p0 $0x100000, s0;
	[bflag:$0x2] =	sbarrier.arrive $0xFFFF  }
0xab: {  	[sflag:s0] =	ssyncadd.tile.s32 @!p0 $0x1;
	_ =	shalt  }
.Lfunc_end2:
_tile_overlayer_lowered:
.L_overlay_start_2:
0xac: {  	(tag) =	ssettag $0x2  }
0xad: {  	s0 =	rddreg [dreg:$0x0];
	s2 =	stileid.u32  }
0xae: {  	s1 =	rddreg [dreg:$0x1];
	p0 =	sne.s32 s2, $0x0  }
0xaf: {  	s3 =	rddreg [dreg:$0x2];
	[bflag:$0x3] =	sbarrier.arrive $0xFFFF;
	s2 =	simm.s32 @!p0 $0x1C03  }
0xb0: {  	[timem:s3], [sflag:s2] =	dma.local @!p0 [hbm:s0], s1  }
0xb1: {  	s0 =	simm.s32 @!p0 $0x3  }
0xb2: {  	_ =	swait.ge @!p0 [sflag:s0], s1  }
0xb3: {  	s1 =	ssub.s32 @!p0 $0x0, s1;
	[sflag:s0] =	ssyncset.done @!p0 $0x0  }
0xb4: {  	[sflag:s0] =	ssyncadd.s32 @!p0 s1  }
0xb5: {  	[bflag:$0x3] =	sbarrier.arrive $0xFFFF  }
0xb6: {  	_ =	shalt  }

</sc_bundles>
